<compile_context>
chip_gen: v7x
topology: tpu7x:2x2x1
jax: 0.10.2.dev20260603
libtpu: 0.0.44.dev20260713+nightly
codegen_flags: <defaults>
</compile_context>

<pallas_src>
import functools

import jax
import jax.numpy as jnp
from jax import lax
from jax.experimental import pallas as pl
from jax.experimental.pallas import tpu as pltpu
from jax.experimental.pallas import tpu_sc as plsc

B, T, D = 2, 2048, 1024
N = 8
BT = B * T
LANES = 128
TBLK = 2048
NEG = -1e30

NW = 32
TPW = BT // NW
C = 8
NBUF = 4
NCHUNK = TPW // C
SL = D // 16


def _router_body(lt_ref, b_ref, s_ref, x_ref, wt_ref, r0_ref, r1_ref, c0_ref, c1_ref):
    x = x_ref[0]
    wt = wt_ref[...]
    logt = jax.lax.dot_general(wt, x, (((1,), (1,)), ((), ())),
                               preferred_element_type=jnp.float32)
    m0 = logt[0:1] + b_ref[0]
    i0 = jnp.zeros((1, TBLK), jnp.int32)
    m1 = jnp.full((1, TBLK), NEG, jnp.float32)
    i1 = jnp.zeros((1, TBLK), jnp.int32)
    for n in range(1, N):
        r = logt[n : n + 1] + b_ref[n]
        beats0 = r > m0
        beats1 = r > m1
        i1 = jnp.where(beats0, i0, jnp.where(beats1, n, i1))
        m1 = jnp.where(beats0, m0, jnp.maximum(m1, r))
        i0 = jnp.where(beats0, n, i0)
        m0 = jnp.maximum(m0, r)
    inv_t = 1.0 / jnp.clip(jnp.exp(jnp.full((1, TBLK), lt_ref[0], jnp.float32)),
                           0.1, 10.0)
    e = jnp.exp((m1 - m0) * inv_t)
    w0 = 1.0 / (1.0 + e)
    w1 = e / (1.0 + e)
    s0 = jnp.zeros((1, TBLK), jnp.float32)
    s1 = jnp.zeros((1, TBLK), jnp.float32)
    for n in range(N):
        s0 = jnp.where(i0 == n, jnp.abs(s_ref[n]), s0)
        s1 = jnp.where(i1 == n, jnp.abs(s_ref[n]), s1)
    bb = pl.program_id(0)
    tt = pl.program_id(1)
    tok = (bb * T + tt * TBLK) + lax.broadcasted_iota(jnp.int32, (1, TBLK), 1)
    r0_ref[...] = (i0 * BT + tok).reshape(TBLK)
    r1_ref[...] = (i1 * BT + tok).reshape(TBLK)
    c0_ref[...] = (w0 * s0).reshape(TBLK)
    c1_ref[...] = (w1 * s1).reshape(TBLK)


def _route(x, wt, b, lt1, scales):
    f32 = jnp.float32
    return pl.pallas_call(
        _router_body,
        grid=(B, T // TBLK),
        in_specs=[
            pl.BlockSpec(memory_space=pltpu.SMEM),
            pl.BlockSpec(memory_space=pltpu.SMEM),
            pl.BlockSpec(memory_space=pltpu.SMEM),
            pl.BlockSpec((1, TBLK, D), lambda i, j: (i, j, 0)),
            pl.BlockSpec((N, D), lambda i, j: (0, 0)),
        ],
        out_specs=[
            pl.BlockSpec((TBLK,), lambda i, j: (i * (T // TBLK) + j,)),
            pl.BlockSpec((TBLK,), lambda i, j: (i * (T // TBLK) + j,)),
            pl.BlockSpec((TBLK,), lambda i, j: (i * (T // TBLK) + j,)),
            pl.BlockSpec((TBLK,), lambda i, j: (i * (T // TBLK) + j,)),
        ],
        out_shape=[
            jax.ShapeDtypeStruct((BT,), jnp.int32),
            jax.ShapeDtypeStruct((BT,), jnp.int32),
            jax.ShapeDtypeStruct((BT,), f32),
            jax.ShapeDtypeStruct((BT,), f32),
        ],
    )(lt1, b, scales, x, wt)


_GATHER_DNUMS = lax.GatherDimensionNumbers(
    offset_dims=(), collapsed_slice_dims=(0,), start_index_map=(0,))


def _lane_bcast(v, lane):
    idx = jnp.full((16, 1), lane, jnp.int32)
    return lax.gather(v, idx, _GATHER_DNUMS, (1,),
                      mode=lax.GatherScatterMode.PROMISE_IN_BOUNDS)


@functools.cache
def _make_mix():
    return pl.kernel(
        _mix_body,
        mesh=plsc.VectorSubcoreMesh(core_axis_name="c", subcore_axis_name="s"),
        out_type=jax.ShapeDtypeStruct((BT, D), jnp.float32),
        scratch_types=(
            [pltpu.VMEM((TPW,), jnp.int32)] * 2
            + [pltpu.VMEM((TPW,), jnp.float32)] * 2
            + [pltpu.VMEM((C, D), jnp.float32)] * (2 * NBUF + NBUF)
            + [pltpu.SemaphoreType.DMA] * (3 * NBUF + 4)
        ),
    )


def _mix_body(table_hbm, r0_hbm, r1_hbm, c0_hbm, c1_hbm, out_hbm, *scr):
    r0i_v, r1i_v, c0_v, c1_v = scr[:4]
    rowbufs = scr[4 : 4 + 2 * NBUF]
    outs = scr[4 + 2 * NBUF : 4 + 3 * NBUF]
    gsems = scr[4 + 3 * NBUF : 4 + 5 * NBUF]
    osems = scr[4 + 5 * NBUF : 4 + 6 * NBUF]
    usems = scr[4 + 6 * NBUF : 8 + 6 * NBUF]
    wid = lax.axis_index("s") * 2 + lax.axis_index("c")
    base = wid * TPW
    up = [
        pltpu.async_copy(r0_hbm.at[pl.ds(base, TPW)], r0i_v, usems[0]),
        pltpu.async_copy(r1_hbm.at[pl.ds(base, TPW)], r1i_v, usems[1]),
        pltpu.async_copy(c0_hbm.at[pl.ds(base, TPW)], c0_v, usems[2]),
        pltpu.async_copy(c1_hbm.at[pl.ds(base, TPW)], c1_v, usems[3]),
    ]
    for u in up:
        u.wait()
    NR = NCHUNK // NBUF

    def start_gather(roff, k):
        off = roff * (NBUF * C) + k * C
        pltpu.async_copy(
            table_hbm.at[r0i_v.at[pl.ds(off, C)]], rowbufs[2 * k], gsems[2 * k])
        pltpu.async_copy(
            table_hbm.at[r1i_v.at[pl.ds(off, C)]], rowbufs[2 * k + 1],
            gsems[2 * k + 1])

    def wait_gather(k):
        pltpu.make_async_copy(
            table_hbm.at[r0i_v.at[pl.ds(0, C)]], rowbufs[2 * k],
            gsems[2 * k]).wait()
        pltpu.make_async_copy(
            table_hbm.at[r1i_v.at[pl.ds(0, C)]], rowbufs[2 * k + 1],
            gsems[2 * k + 1]).wait()

    for k in range(NBUF):
        start_gather(0, k)

    def round_body(r, _):
        for k in range(NBUF):
            ch_off = r * (NBUF * C) + k * C
            ov = outs[k]
            @pl.when(r > 0)
            def _():
                pltpu.make_async_copy(
                    ov, out_hbm.at[pl.ds(base, C)], osems[k]).wait()
            wait_gather(k)
            r0b, r1b = rowbufs[2 * k], rowbufs[2 * k + 1]
            part = (k * C) % 16
            cv0 = c0_v[pl.ds(r * (NBUF * C) + (k * C // 16) * 16, 16)]
            cv1 = c1_v[pl.ds(r * (NBUF * C) + (k * C // 16) * 16, 16)]
            cs = [(_lane_bcast(cv0, part + j), _lane_bcast(cv1, part + j))
                  for j in range(C)]

            @plsc.parallel_loop(0, SL, 1, unroll=2)
            def slice_body(s):
                sl = pl.ds(s * 16, 16)
                for j in range(C):
                    ov[j, sl] = cs[j][0] * r0b[j, sl] + cs[j][1] * r1b[j, sl]

            @pl.when(r + 1 < NR)
            def _():
                start_gather(r + 1, k)
            pltpu.async_copy(ov, out_hbm.at[pl.ds(base + ch_off, C)],
                             osems[k])
        return 0

    lax.fori_loop(0, NR, round_body, 0)
    for k in range(NBUF):
        pltpu.make_async_copy(
            outs[k], out_hbm.at[pl.ds(base, C)], osems[k]).wait()


def kernel(x, source_outputs, W, b, log_temperature, source_scales):
    r0, r1, c0, c1 = _route(x, W.T, b, log_temperature[None], source_scales)
    table = source_outputs.reshape(N * BT, D)
    mixed = _make_mix()(table, r0, r1, c0, c1)
    return mixed.reshape(B, T, D)

# --- scband reference (transcript-rebuilt; emitter-appended) ---
"""Pipeline reference for scband-geometric-source-router-13013750906902 (READ-ONLY COPY).

The authoritative reference and input builder live on the scoring server;
editing this copy changes nothing except your own understanding.
"""

import jax, jax.numpy as jnp
import numpy as np

B, T, D_MODEL = 2, 2048, 1024
N_SOURCES, TOP_K = 8, 2


def setup_inputs(seed: int = 0) -> dict:
    key = jax.random.key(seed)
    ks = jax.random.split(key, 4)
    x = jax.random.normal(ks[0], (B, T, D_MODEL), dtype=jnp.float32)
    source_outputs = jax.random.normal(ks[1], (N_SOURCES, B, T, D_MODEL), dtype=jnp.float32)
    # router params (torch init is zeros; use small random so routing is nontrivial)
    W = jax.random.normal(ks[2], (D_MODEL, N_SOURCES), dtype=jnp.float32) * 0.02
    b = jax.random.normal(ks[3], (N_SOURCES,), dtype=jnp.float32) * 0.02
    log_temperature = jnp.asarray(0.0, dtype=jnp.float32)  # log(1.0)
    source_scales = jnp.full((N_SOURCES,), 0.05, dtype=jnp.float32)
    return {
        "x": x,
        "source_outputs": source_outputs,
        "W": W,
        "b": b,
        "log_temperature": log_temperature,
        "source_scales": source_scales,
    }


def reference(x, source_outputs, W, b, log_temperature, source_scales):
    temp = jnp.clip(jnp.exp(log_temperature), 0.1, 10.0)
    logits = (x @ W + b) / temp  # (B, T, N)
    if TOP_K < N_SOURCES:
        top_vals, top_idx = jax.lax.top_k(logits, TOP_K)
        mask = jax.nn.one_hot(top_idx, N_SOURCES, dtype=logits.dtype).sum(axis=-2)
        logits = jnp.where(mask > 0, logits, -jnp.inf)
    weights = jax.nn.softmax(logits, axis=-1)  # (B, T, N)
    scales = jnp.abs(source_scales)
    stacked = jnp.moveaxis(source_outputs, 0, -1)  # (B, T, C, N)
    scaled_weights = weights * scales[None, None, :]
    mixed = jnp.sum(stacked * scaled_weights[:, :, None, :], axis=-1)  # (B, T, C)
    return mixed

if __name__ == "__main__":
    import jax
    _d = setup_inputs()
    print(jax.jit(kernel)(*tuple(_d.values())))

</pallas_src>

<mosaic_0001>
#map = affine_map<(d0, d1) -> (0, 0)>
#map1 = affine_map<(d0, d1) -> (0)>
module attributes {stable_mosaic.version = 14 : i64} {
  func.func @_mix_body(%arg0: i32, %arg1: i32, %arg2: memref<32768x1024xf32, #tpu.memory_space<hbm>>, %arg3: memref<4096xi32, #tpu.memory_space<hbm>>, %arg4: memref<4096xi32, #tpu.memory_space<hbm>>, %arg5: memref<4096xf32, #tpu.memory_space<hbm>>, %arg6: memref<4096xf32, #tpu.memory_space<hbm>>, %arg7: memref<4096x1024xf32, #tpu.memory_space<hbm>>, %arg8: memref<128xi32, #tpu.memory_space<vmem>>, %arg9: memref<128xi32, #tpu.memory_space<vmem>>, %arg10: memref<128xf32, #tpu.memory_space<vmem>>, %arg11: memref<128xf32, #tpu.memory_space<vmem>>, %arg12: memref<8x1024xf32, #tpu.memory_space<vmem>>, %arg13: memref<8x1024xf32, #tpu.memory_space<vmem>>, %arg14: memref<8x1024xf32, #tpu.memory_space<vmem>>, %arg15: memref<8x1024xf32, #tpu.memory_space<vmem>>, %arg16: memref<8x1024xf32, #tpu.memory_space<vmem>>, %arg17: memref<8x1024xf32, #tpu.memory_space<vmem>>, %arg18: memref<8x1024xf32, #tpu.memory_space<vmem>>, %arg19: memref<8x1024xf32, #tpu.memory_space<vmem>>, %arg20: memref<8x1024xf32, #tpu.memory_space<vmem>>, %arg21: memref<8x1024xf32, #tpu.memory_space<vmem>>, %arg22: memref<8x1024xf32, #tpu.memory_space<vmem>>, %arg23: memref<8x1024xf32, #tpu.memory_space<vmem>>, %arg24: memref<!tpu.dma_semaphore, #tpu.memory_space<semaphore_mem>>, %arg25: memref<!tpu.dma_semaphore, #tpu.memory_space<semaphore_mem>>, %arg26: memref<!tpu.dma_semaphore, #tpu.memory_space<semaphore_mem>>, %arg27: memref<!tpu.dma_semaphore, #tpu.memory_space<semaphore_mem>>, %arg28: memref<!tpu.dma_semaphore, #tpu.memory_space<semaphore_mem>>, %arg29: memref<!tpu.dma_semaphore, #tpu.memory_space<semaphore_mem>>, %arg30: memref<!tpu.dma_semaphore, #tpu.memory_space<semaphore_mem>>, %arg31: memref<!tpu.dma_semaphore, #tpu.memory_space<semaphore_mem>>, %arg32: memref<!tpu.dma_semaphore, #tpu.memory_space<semaphore_mem>>, %arg33: memref<!tpu.dma_semaphore, #tpu.memory_space<semaphore_mem>>, %arg34: memref<!tpu.dma_semaphore, #tpu.memory_space<semaphore_mem>>, %arg35: memref<!tpu.dma_semaphore, #tpu.memory_space<semaphore_mem>>, %arg36: memref<!tpu.dma_semaphore, #tpu.memory_space<semaphore_mem>>, %arg37: memref<!tpu.dma_semaphore, #tpu.memory_space<semaphore_mem>>, %arg38: memref<!tpu.dma_semaphore, #tpu.memory_space<semaphore_mem>>, %arg39: memref<!tpu.dma_semaphore, #tpu.memory_space<semaphore_mem>>) attributes {dimension_semantics = [#tpu.dimension_semantics<core_parallel>, #tpu.dimension_semantics<subcore_parallel>], iteration_bounds = array<i64: 2, 16>, scalar_prefetch = 0 : i64, scratch_operands = 32 : i64, tpu.core_type = #tpu.core_type<sc_vector_subcore>, window_params = [{transform_indices = #map}, {transform_indices = #map1}, {transform_indices = #map1}, {transform_indices = #map1}, {transform_indices = #map1}, {transform_indices = #map}]} {
    %mul3A = arith.constant 2 : i32
    %mul3A_0 = arith.muli %arg1, %mul3A : i32
    %add3A = arith.addi %mul3A_0, %arg0 : i32
    %mul3A_1 = arith.constant 128 : i32
    %mul3A_2 = arith.muli %add3A, %mul3A_1 : i32
    %dma_start3A = tpu.memref_slice %arg3[%mul3A_2] : memref<4096xi32, #tpu.memory_space<hbm>> -> memref<128xi32, #tpu.memory_space<hbm>>
    %dma_start3A_3 = tpu.memref_slice %arg3[%mul3A_2] : memref<4096xi32, #tpu.memory_space<hbm>> -> memref<128xi32, #tpu.memory_space<hbm>>
    tpu.enqueue_dma source(%dma_start3A_3 : memref<128xi32, #tpu.memory_space<hbm>>) target(%arg8 : memref<128xi32, #tpu.memory_space<vmem>>) target_semaphore(%arg36 : memref<!tpu.dma_semaphore, #tpu.memory_space<semaphore_mem>>)
    %dma_start3A_4 = tpu.memref_slice %arg4[%mul3A_2] : memref<4096xi32, #tpu.memory_space<hbm>> -> memref<128xi32, #tpu.memory_space<hbm>>
    %dma_start3A_5 = tpu.memref_slice %arg4[%mul3A_2] : memref<4096xi32, #tpu.memory_space<hbm>> -> memref<128xi32, #tpu.memory_space<hbm>>
    tpu.enqueue_dma source(%dma_start3A_5 : memref<128xi32, #tpu.memory_space<hbm>>) target(%arg9 : memref<128xi32, #tpu.memory_space<vmem>>) target_semaphore(%arg37 : memref<!tpu.dma_semaphore, #tpu.memory_space<semaphore_mem>>)
    %dma_start3A_6 = tpu.memref_slice %arg5[%mul3A_2] : memref<4096xf32, #tpu.memory_space<hbm>> -> memref<128xf32, #tpu.memory_space<hbm>>
    %dma_start3A_7 = tpu.memref_slice %arg5[%mul3A_2] : memref<4096xf32, #tpu.memory_space<hbm>> -> memref<128xf32, #tpu.memory_space<hbm>>
    tpu.enqueue_dma source(%dma_start3A_7 : memref<128xf32, #tpu.memory_space<hbm>>) target(%arg10 : memref<128xf32, #tpu.memory_space<vmem>>) target_semaphore(%arg38 : memref<!tpu.dma_semaphore, #tpu.memory_space<semaphore_mem>>)
    %dma_start3A_8 = tpu.memref_slice %arg6[%mul3A_2] : memref<4096xf32, #tpu.memory_space<hbm>> -> memref<128xf32, #tpu.memory_space<hbm>>
    %dma_start3A_9 = tpu.memref_slice %arg6[%mul3A_2] : memref<4096xf32, #tpu.memory_space<hbm>> -> memref<128xf32, #tpu.memory_space<hbm>>
    tpu.enqueue_dma source(%dma_start3A_9 : memref<128xf32, #tpu.memory_space<hbm>>) target(%arg11 : memref<128xf32, #tpu.memory_space<vmem>>) target_semaphore(%arg39 : memref<!tpu.dma_semaphore, #tpu.memory_space<semaphore_mem>>)
    %dma_wait3A = tpu.memref_slice %arg3[%mul3A_2] : memref<4096xi32, #tpu.memory_space<hbm>> -> memref<128xi32, #tpu.memory_space<hbm>>
    %dma_wait3A_10 = tpu.memref_slice %arg3[%mul3A_2] : memref<4096xi32, #tpu.memory_space<hbm>> -> memref<128xi32, #tpu.memory_space<hbm>>
    tpu.wait_dma2 semaphore(%arg36 : memref<!tpu.dma_semaphore, #tpu.memory_space<semaphore_mem>>) src(%dma_wait3A_10 : memref<128xi32, #tpu.memory_space<hbm>>) dst(%arg8 : memref<128xi32, #tpu.memory_space<vmem>>)
    %dma_wait3A_11 = tpu.memref_slice %arg4[%mul3A_2] : memref<4096xi32, #tpu.memory_space<hbm>> -> memref<128xi32, #tpu.memory_space<hbm>>
    %dma_wait3A_12 = tpu.memref_slice %arg4[%mul3A_2] : memref<4096xi32, #tpu.memory_space<hbm>> -> memref<128xi32, #tpu.memory_space<hbm>>
    tpu.wait_dma2 semaphore(%arg37 : memref<!tpu.dma_semaphore, #tpu.memory_space<semaphore_mem>>) src(%dma_wait3A_12 : memref<128xi32, #tpu.memory_space<hbm>>) dst(%arg9 : memref<128xi32, #tpu.memory_space<vmem>>)
    %dma_wait3A_13 = tpu.memref_slice %arg5[%mul3A_2] : memref<4096xf32, #tpu.memory_space<hbm>> -> memref<128xf32, #tpu.memory_space<hbm>>
    %dma_wait3A_14 = tpu.memref_slice %arg5[%mul3A_2] : memref<4096xf32, #tpu.memory_space<hbm>> -> memref<128xf32, #tpu.memory_space<hbm>>
    tpu.wait_dma2 semaphore(%arg38 : memref<!tpu.dma_semaphore, #tpu.memory_space<semaphore_mem>>) src(%dma_wait3A_14 : memref<128xf32, #tpu.memory_space<hbm>>) dst(%arg10 : memref<128xf32, #tpu.memory_space<vmem>>)
    %dma_wait3A_15 = tpu.memref_slice %arg6[%mul3A_2] : memref<4096xf32, #tpu.memory_space<hbm>> -> memref<128xf32, #tpu.memory_space<hbm>>
    %dma_wait3A_16 = tpu.memref_slice %arg6[%mul3A_2] : memref<4096xf32, #tpu.memory_space<hbm>> -> memref<128xf32, #tpu.memory_space<hbm>>
    tpu.wait_dma2 semaphore(%arg39 : memref<!tpu.dma_semaphore, #tpu.memory_space<semaphore_mem>>) src(%dma_wait3A_16 : memref<128xf32, #tpu.memory_space<hbm>>) dst(%arg11 : memref<128xf32, #tpu.memory_space<vmem>>)
    %dma_start3A_17 = arith.constant 0 : i32
    %dma_start3A_18 = tpu.memref_slice %arg8[%dma_start3A_17] : memref<128xi32, #tpu.memory_space<vmem>> -> memref<8xi32, #tpu.memory_space<vmem>>
    %dma_start3A_19 = arith.constant 0 : i32
    %dma_start3A_20 = arith.constant 0 : i32
    %dma_start3A_21 = tpu.memref_slice %arg2[%dma_start3A_19, %dma_start3A_20] : memref<32768x1024xf32, #tpu.memory_space<hbm>> -> memref<32768x1024xf32, #tpu.memory_space<hbm>>
    tpu.enqueue_indirect_dma source(%dma_start3A_21 : memref<32768x1024xf32, #tpu.memory_space<hbm>>) target(%arg12 : memref<8x1024xf32, #tpu.memory_space<vmem>>) offsets(%dma_start3A_18 : memref<8xi32, #tpu.memory_space<vmem>>) semaphore(%arg24 : memref<!tpu.dma_semaphore, #tpu.memory_space<semaphore_mem>>)
    %dma_start3A_22 = arith.constant 0 : i32
    %dma_start3A_23 = tpu.memref_slice %arg9[%dma_start3A_22] : memref<128xi32, #tpu.memory_space<vmem>> -> memref<8xi32, #tpu.memory_space<vmem>>
    %dma_start3A_24 = arith.constant 0 : i32
    %dma_start3A_25 = arith.constant 0 : i32
    %dma_start3A_26 = tpu.memref_slice %arg2[%dma_start3A_24, %dma_start3A_25] : memref<32768x1024xf32, #tpu.memory_space<hbm>> -> memref<32768x1024xf32, #tpu.memory_space<hbm>>
    tpu.enqueue_indirect_dma source(%dma_start3A_26 : memref<32768x1024xf32, #tpu.memory_space<hbm>>) target(%arg13 : memref<8x1024xf32, #tpu.memory_space<vmem>>) offsets(%dma_start3A_23 : memref<8xi32, #tpu.memory_space<vmem>>) semaphore(%arg25 : memref<!tpu.dma_semaphore, #tpu.memory_space<semaphore_mem>>)
    %dma_start3A_27 = arith.constant 8 : i32
    %dma_start3A_28 = tpu.memref_slice %arg8[%dma_start3A_27] : memref<128xi32, #tpu.memory_space<vmem>> -> memref<8xi32, #tpu.memory_space<vmem>>
    %dma_start3A_29 = arith.constant 0 : i32
    %dma_start3A_30 = arith.constant 0 : i32
    %dma_start3A_31 = tpu.memref_slice %arg2[%dma_start3A_29, %dma_start3A_30] : memref<32768x1024xf32, #tpu.memory_space<hbm>> -> memref<32768x1024xf32, #tpu.memory_space<hbm>>
    tpu.enqueue_indirect_dma source(%dma_start3A_31 : memref<32768x1024xf32, #tpu.memory_space<hbm>>) target(%arg14 : memref<8x1024xf32, #tpu.memory_space<vmem>>) offsets(%dma_start3A_28 : memref<8xi32, #tpu.memory_space<vmem>>) semaphore(%arg26 : memref<!tpu.dma_semaphore, #tpu.memory_space<semaphore_mem>>)
    %dma_start3A_32 = arith.constant 8 : i32
    %dma_start3A_33 = tpu.memref_slice %arg9[%dma_start3A_32] : memref<128xi32, #tpu.memory_space<vmem>> -> memref<8xi32, #tpu.memory_space<vmem>>
    %dma_start3A_34 = arith.constant 0 : i32
    %dma_start3A_35 = arith.constant 0 : i32
    %dma_start3A_36 = tpu.memref_slice %arg2[%dma_start3A_34, %dma_start3A_35] : memref<32768x1024xf32, #tpu.memory_space<hbm>> -> memref<32768x1024xf32, #tpu.memory_space<hbm>>
    tpu.enqueue_indirect_dma source(%dma_start3A_36 : memref<32768x1024xf32, #tpu.memory_space<hbm>>) target(%arg15 : memref<8x1024xf32, #tpu.memory_space<vmem>>) offsets(%dma_start3A_33 : memref<8xi32, #tpu.memory_space<vmem>>) semaphore(%arg27 : memref<!tpu.dma_semaphore, #tpu.memory_space<semaphore_mem>>)
    %dma_start3A_37 = arith.constant 16 : i32
    %dma_start3A_38 = tpu.memref_slice %arg8[%dma_start3A_37] : memref<128xi32, #tpu.memory_space<vmem>> -> memref<8xi32, #tpu.memory_space<vmem>>
    %dma_start3A_39 = arith.constant 0 : i32
    %dma_start3A_40 = arith.constant 0 : i32
    %dma_start3A_41 = tpu.memref_slice %arg2[%dma_start3A_39, %dma_start3A_40] : memref<32768x1024xf32, #tpu.memory_space<hbm>> -> memref<32768x1024xf32, #tpu.memory_space<hbm>>
    tpu.enqueue_indirect_dma source(%dma_start3A_41 : memref<32768x1024xf32, #tpu.memory_space<hbm>>) target(%arg16 : memref<8x1024xf32, #tpu.memory_space<vmem>>) offsets(%dma_start3A_38 : memref<8xi32, #tpu.memory_space<vmem>>) semaphore(%arg28 : memref<!tpu.dma_semaphore, #tpu.memory_space<semaphore_mem>>)
    %dma_start3A_42 = arith.constant 16 : i32
    %dma_start3A_43 = tpu.memref_slice %arg9[%dma_start3A_42] : memref<128xi32, #tpu.memory_space<vmem>> -> memref<8xi32, #tpu.memory_space<vmem>>
    %dma_start3A_44 = arith.constant 0 : i32
    %dma_start3A_45 = arith.constant 0 : i32
    %dma_start3A_46 = tpu.memref_slice %arg2[%dma_start3A_44, %dma_start3A_45] : memref<32768x1024xf32, #tpu.memory_space<hbm>> -> memref<32768x1024xf32, #tpu.memory_space<hbm>>
    tpu.enqueue_indirect_dma source(%dma_start3A_46 : memref<32768x1024xf32, #tpu.memory_space<hbm>>) target(%arg17 : memref<8x1024xf32, #tpu.memory_space<vmem>>) offsets(%dma_start3A_43 : memref<8xi32, #tpu.memory_space<vmem>>) semaphore(%arg29 : memref<!tpu.dma_semaphore, #tpu.memory_space<semaphore_mem>>)
    %dma_start3A_47 = arith.constant 24 : i32
    %dma_start3A_48 = tpu.memref_slice %arg8[%dma_start3A_47] : memref<128xi32, #tpu.memory_space<vmem>> -> memref<8xi32, #tpu.memory_space<vmem>>
    %dma_start3A_49 = arith.constant 0 : i32
    %dma_start3A_50 = arith.constant 0 : i32
    %dma_start3A_51 = tpu.memref_slice %arg2[%dma_start3A_49, %dma_start3A_50] : memref<32768x1024xf32, #tpu.memory_space<hbm>> -> memref<32768x1024xf32, #tpu.memory_space<hbm>>
    tpu.enqueue_indirect_dma source(%dma_start3A_51 : memref<32768x1024xf32, #tpu.memory_space<hbm>>) target(%arg18 : memref<8x1024xf32, #tpu.memory_space<vmem>>) offsets(%dma_start3A_48 : memref<8xi32, #tpu.memory_space<vmem>>) semaphore(%arg30 : memref<!tpu.dma_semaphore, #tpu.memory_space<semaphore_mem>>)
    %dma_start3A_52 = arith.constant 24 : i32
    %dma_start3A_53 = tpu.memref_slice %arg9[%dma_start3A_52] : memref<128xi32, #tpu.memory_space<vmem>> -> memref<8xi32, #tpu.memory_space<vmem>>
    %dma_start3A_54 = arith.constant 0 : i32
    %dma_start3A_55 = arith.constant 0 : i32
    %dma_start3A_56 = tpu.memref_slice %arg2[%dma_start3A_54, %dma_start3A_55] : memref<32768x1024xf32, #tpu.memory_space<hbm>> -> memref<32768x1024xf32, #tpu.memory_space<hbm>>
    tpu.enqueue_indirect_dma source(%dma_start3A_56 : memref<32768x1024xf32, #tpu.memory_space<hbm>>) target(%arg19 : memref<8x1024xf32, #tpu.memory_space<vmem>>) offsets(%dma_start3A_53 : memref<8xi32, #tpu.memory_space<vmem>>) semaphore(%arg31 : memref<!tpu.dma_semaphore, #tpu.memory_space<semaphore_mem>>)
    %scan3A = arith.constant 0 : i32
    %scan3A_57 = arith.constant 0 : i32
    %scan3A_58 = arith.constant 4 : i32
    %scan3A_59 = arith.addi %scan3A_57, %scan3A_58 : i32
    %scan3A_60 = arith.constant 1 : i32
    %scan3A_61 = scf.for %scan3A_79 = %scan3A_57 to %scan3A_59 step %scan3A_60 iter_args(%scan3A_80 = %scan3A) -> (i32)  : i32 {
      %mul3A_81 = arith.constant 32 : i32
      %mul3A_82 = arith.muli %scan3A_79, %mul3A_81 : i32
      %add3A_83 = arith.constant 0 : i32
      %add3A_84 = arith.addi %mul3A_82, %add3A_83 : i32
      %gt3A = arith.constant 0 : i32
      %gt3A_85 = arith.cmpi sgt, %scan3A_79, %gt3A : i32
      %convert_element_type3A = arith.extui %gt3A_85 : i1 to i32
      %cond3A = arith.constant 0 : i32
      %cond3A_86 = arith.cmpi ne, %convert_element_type3A, %cond3A : i32
      scf.if %cond3A_86 {
        %dma_wait3A_522 = arith.constant 0 : i32
        %dma_wait3A_523 = tpu.memref_slice %arg7[%mul3A_2, %dma_wait3A_522] : memref<4096x1024xf32, #tpu.memory_space<hbm>> -> memref<8x1024xf32, #tpu.memory_space<hbm>>
        %dma_wait3A_524 = arith.constant 0 : i32
        %dma_wait3A_525 = tpu.memref_slice %arg7[%mul3A_2, %dma_wait3A_524] : memref<4096x1024xf32, #tpu.memory_space<hbm>> -> memref<8x1024xf32, #tpu.memory_space<hbm>>
        tpu.wait_dma2 semaphore(%arg32 : memref<!tpu.dma_semaphore, #tpu.memory_space<semaphore_mem>>) src(%arg20 : memref<8x1024xf32, #tpu.memory_space<vmem>>) dst(%dma_wait3A_525 : memref<8x1024xf32, #tpu.memory_space<hbm>>)
      } else {
      }
      %dma_wait3A_87 = arith.constant 0 : i32
      %dma_wait3A_88 = tpu.memref_slice %arg8[%dma_wait3A_87] : memref<128xi32, #tpu.memory_space<vmem>> -> memref<8xi32, #tpu.memory_space<vmem>>
      %dma_wait3A_89 = arith.constant 0 : i32
      %dma_wait3A_90 = arith.constant 0 : i32
      %dma_wait3A_91 = tpu.memref_slice %arg2[%dma_wait3A_89, %dma_wait3A_90] : memref<32768x1024xf32, #tpu.memory_space<hbm>> -> memref<32768x1024xf32, #tpu.memory_space<hbm>>
      tpu.wait_indirect_dma semaphore(%arg24 : memref<!tpu.dma_semaphore, #tpu.memory_space<semaphore_mem>>) src(%dma_wait3A_91 : memref<32768x1024xf32, #tpu.memory_space<hbm>>) dst(%arg12 : memref<8x1024xf32, #tpu.memory_space<vmem>>)
      %dma_wait3A_92 = arith.constant 0 : i32
      %dma_wait3A_93 = tpu.memref_slice %arg9[%dma_wait3A_92] : memref<128xi32, #tpu.memory_space<vmem>> -> memref<8xi32, #tpu.memory_space<vmem>>
      %dma_wait3A_94 = arith.constant 0 : i32
      %dma_wait3A_95 = arith.constant 0 : i32
      %dma_wait3A_96 = tpu.memref_slice %arg2[%dma_wait3A_94, %dma_wait3A_95] : memref<32768x1024xf32, #tpu.memory_space<hbm>> -> memref<32768x1024xf32, #tpu.memory_space<hbm>>
      tpu.wait_indirect_dma semaphore(%arg25 : memref<!tpu.dma_semaphore, #tpu.memory_space<semaphore_mem>>) src(%dma_wait3A_96 : memref<32768x1024xf32, #tpu.memory_space<hbm>>) dst(%arg13 : memref<8x1024xf32, #tpu.memory_space<vmem>>)
      %mul3A_97 = arith.constant 32 : i32
      %mul3A_98 = arith.muli %scan3A_79, %mul3A_97 : i32
      %add3A_99 = arith.constant 0 : i32
      %add3A_100 = arith.addi %mul3A_98, %add3A_99 : i32
      %get3A = arith.index_cast %add3A_100 : i32 to index
      %get3A_101 = tpu.vector_load %arg10[%get3A] {strides = array<i32>} : memref<128xf32, #tpu.memory_space<vmem>>, vector<16xf32>,
      %get3A_102 = vector.shape_cast %get3A_101 : vector<16xf32> to vector<16xf32>
      %mul3A_103 = arith.constant 32 : i32
      %mul3A_104 = arith.muli %scan3A_79, %mul3A_103 : i32
      %add3A_105 = arith.constant 0 : i32
      %add3A_106 = arith.addi %mul3A_104, %add3A_105 : i32
      %get3A_107 = arith.index_cast %add3A_106 : i32 to index
      %get3A_108 = tpu.vector_load %arg11[%get3A_107] {strides = array<i32>} : memref<128xf32, #tpu.memory_space<vmem>>, vector<16xf32>,
      %get3A_109 = vector.shape_cast %get3A_108 : vector<16xf32> to vector<16xf32>
      %broadcast_in_dim3A = arith.constant 0 : i32
      %broadcast_in_dim3A_110 = vector.broadcast %broadcast_in_dim3A : i32 to vector<16x1xi32>
      %gather3A = vector.shape_cast %broadcast_in_dim3A_110 : vector<16x1xi32> to vector<16xi32>
      %gather3A_111 = tpu.dynamic_gather %get3A_102[%gather3A] in [0] : vector<16xf32>, vector<16xi32> -> vector<16xf32>
      %broadcast_in_dim3A_112 = arith.constant 0 : i32
      %broadcast_in_dim3A_113 = vector.broadcast %broadcast_in_dim3A_112 : i32 to vector<16x1xi32>
      %gather3A_114 = vector.shape_cast %broadcast_in_dim3A_113 : vector<16x1xi32> to vector<16xi32>
      %gather3A_115 = tpu.dynamic_gather %get3A_109[%gather3A_114] in [0] : vector<16xf32>, vector<16xi32> -> vector<16xf32>
      %broadcast_in_dim3A_116 = arith.constant 1 : i32
      %broadcast_in_dim3A_117 = vector.broadcast %broadcast_in_dim3A_116 : i32 to vector<16x1xi32>
      %gather3A_118 = vector.shape_cast %broadcast_in_dim3A_117 : vector<16x1xi32> to vector<16xi32>
      %gather3A_119 = tpu.dynamic_gather %get3A_102[%gather3A_118] in [0] : vector<16xf32>, vector<16xi32> -> vector<16xf32>
      %broadcast_in_dim3A_120 = arith.constant 1 : i32
      %broadcast_in_dim3A_121 = vector.broadcast %broadcast_in_dim3A_120 : i32 to vector<16x1xi32>
      %gather3A_122 = vector.shape_cast %broadcast_in_dim3A_121 : vector<16x1xi32> to vector<16xi32>
      %gather3A_123 = tpu.dynamic_gather %get3A_109[%gather3A_122] in [0] : vector<16xf32>, vector<16xi32> -> vector<16xf32>
      %broadcast_in_dim3A_124 = arith.constant 2 : i32
      %broadcast_in_dim3A_125 = vector.broadcast %broadcast_in_dim3A_124 : i32 to vector<16x1xi32>
      %gather3A_126 = vector.shape_cast %broadcast_in_dim3A_125 : vector<16x1xi32> to vector<16xi32>
      %gather3A_127 = tpu.dynamic_gather %get3A_102[%gather3A_126] in [0] : vector<16xf32>, vector<16xi32> -> vector<16xf32>
      %broadcast_in_dim3A_128 = arith.constant 2 : i32
      %broadcast_in_dim3A_129 = vector.broadcast %broadcast_in_dim3A_128 : i32 to vector<16x1xi32>
      %gather3A_130 = vector.shape_cast %broadcast_in_dim3A_129 : vector<16x1xi32> to vector<16xi32>
      %gather3A_131 = tpu.dynamic_gather %get3A_109[%gather3A_130] in [0] : vector<16xf32>, vector<16xi32> -> vector<16xf32>
      %broadcast_in_dim3A_132 = arith.constant 3 : i32
      %broadcast_in_dim3A_133 = vector.broadcast %broadcast_in_dim3A_132 : i32 to vector<16x1xi32>
      %gather3A_134 = vector.shape_cast %broadcast_in_dim3A_133 : vector<16x1xi32> to vector<16xi32>
      %gather3A_135 = tpu.dynamic_gather %get3A_102[%gather3A_134] in [0] : vector<16xf32>, vector<16xi32> -> vector<16xf32>
      %broadcast_in_dim3A_136 = arith.constant 3 : i32
      %broadcast_in_dim3A_137 = vector.broadcast %broadcast_in_dim3A_136 : i32 to vector<16x1xi32>
      %gather3A_138 = vector.shape_cast %broadcast_in_dim3A_137 : vector<16x1xi32> to vector<16xi32>
      %gather3A_139 = tpu.dynamic_gather %get3A_109[%gather3A_138] in [0] : vector<16xf32>, vector<16xi32> -> vector<16xf32>
      %broadcast_in_dim3A_140 = arith.constant 4 : i32
      %broadcast_in_dim3A_141 = vector.broadcast %broadcast_in_dim3A_140 : i32 to vector<16x1xi32>
      %gather3A_142 = vector.shape_cast %broadcast_in_dim3A_141 : vector<16x1xi32> to vector<16xi32>
      %gather3A_143 = tpu.dynamic_gather %get3A_102[%gather3A_142] in [0] : vector<16xf32>, vector<16xi32> -> vector<16xf32>
      %broadcast_in_dim3A_144 = arith.constant 4 : i32
      %broadcast_in_dim3A_145 = vector.broadcast %broadcast_in_dim3A_144 : i32 to vector<16x1xi32>
      %gather3A_146 = vector.shape_cast %broadcast_in_dim3A_145 : vector<16x1xi32> to vector<16xi32>
      %gather3A_147 = tpu.dynamic_gather %get3A_109[%gather3A_146] in [0] : vector<16xf32>, vector<16xi32> -> vector<16xf32>
      %broadcast_in_dim3A_148 = arith.constant 5 : i32
      %broadcast_in_dim3A_149 = vector.broadcast %broadcast_in_dim3A_148 : i32 to vector<16x1xi32>
      %gather3A_150 = vector.shape_cast %broadcast_in_dim3A_149 : vector<16x1xi32> to vector<16xi32>
      %gather3A_151 = tpu.dynamic_gather %get3A_102[%gather3A_150] in [0] : vector<16xf32>, vector<16xi32> -> vector<16xf32>
      %broadcast_in_dim3A_152 = arith.constant 5 : i32
      %broadcast_in_dim3A_153 = vector.broadcast %broadcast_in_dim3A_152 : i32 to vector<16x1xi32>
      %gather3A_154 = vector.shape_cast %broadcast_in_dim3A_153 : vector<16x1xi32> to vector<16xi32>
      %gather3A_155 = tpu.dynamic_gather %get3A_109[%gather3A_154] in [0] : vector<16xf32>, vector<16xi32> -> vector<16xf32>
      %broadcast_in_dim3A_156 = arith.constant 6 : i32
      %broadcast_in_dim3A_157 = vector.broadcast %broadcast_in_dim3A_156 : i32 to vector<16x1xi32>
      %gather3A_158 = vector.shape_cast %broadcast_in_dim3A_157 : vector<16x1xi32> to vector<16xi32>
      %gather3A_159 = tpu.dynamic_gather %get3A_102[%gather3A_158] in [0] : vector<16xf32>, vector<16xi32> -> vector<16xf32>
      %broadcast_in_dim3A_160 = arith.constant 6 : i32
      %broadcast_in_dim3A_161 = vector.broadcast %broadcast_in_dim3A_160 : i32 to vector<16x1xi32>
      %gather3A_162 = vector.shape_cast %broadcast_in_dim3A_161 : vector<16x1xi32> to vector<16xi32>
      %gather3A_163 = tpu.dynamic_gather %get3A_109[%gather3A_162] in [0] : vector<16xf32>, vector<16xi32> -> vector<16xf32>
      %broadcast_in_dim3A_164 = arith.constant 7 : i32
      %broadcast_in_dim3A_165 = vector.broadcast %broadcast_in_dim3A_164 : i32 to vector<16x1xi32>
      %gather3A_166 = vector.shape_cast %broadcast_in_dim3A_165 : vector<16x1xi32> to vector<16xi32>
      %gather3A_167 = tpu.dynamic_gather %get3A_102[%gather3A_166] in [0] : vector<16xf32>, vector<16xi32> -> vector<16xf32>
      %broadcast_in_dim3A_168 = arith.constant 7 : i32
      %broadcast_in_dim3A_169 = vector.broadcast %broadcast_in_dim3A_168 : i32 to vector<16x1xi32>
      %gather3A_170 = vector.shape_cast %broadcast_in_dim3A_169 : vector<16x1xi32> to vector<16xi32>
      %gather3A_171 = tpu.dynamic_gather %get3A_109[%gather3A_170] in [0] : vector<16xf32>, vector<16xi32> -> vector<16xf32>
      %parallel_loop3A = arith.constant 0 : i32
      %parallel_loop3A_172 = arith.constant 64 : i32
      %parallel_loop3A_173 = arith.constant 1 : i32
      scf.for %parallel_loop3A_522 = %parallel_loop3A to %parallel_loop3A_172 step %parallel_loop3A_173  : i32 {
        %parallel_loop3A_523 = arith.constant 16 : i32
        %parallel_loop3A_524 = arith.muli %parallel_loop3A_522, %parallel_loop3A_523 : i32
        %parallel_loop3A_525 = arith.constant 0 : i32
        %parallel_loop3A_526 = arith.index_cast %parallel_loop3A_525 : i32 to index
        %parallel_loop3A_527 = arith.index_cast %parallel_loop3A_524 : i32 to index
        %parallel_loop3A_528 = tpu.vector_load %arg12[%parallel_loop3A_526, %parallel_loop3A_527] {strides = array<i32>} : memref<8x1024xf32, #tpu.memory_space<vmem>>, vector<1x16xf32>,
        %parallel_loop3A_529 = vector.shape_cast %parallel_loop3A_528 : vector<1x16xf32> to vector<16xf32>
        %parallel_loop3A_530 = arith.mulf %gather3A_111, %parallel_loop3A_529 : vector<16xf32>
        %parallel_loop3A_531 = arith.constant 0 : i32
        %parallel_loop3A_532 = arith.index_cast %parallel_loop3A_531 : i32 to index
        %parallel_loop3A_533 = arith.index_cast %parallel_loop3A_524 : i32 to index
        %parallel_loop3A_534 = tpu.vector_load %arg13[%parallel_loop3A_532, %parallel_loop3A_533] {strides = array<i32>} : memref<8x1024xf32, #tpu.memory_space<vmem>>, vector<1x16xf32>,
        %parallel_loop3A_535 = vector.shape_cast %parallel_loop3A_534 : vector<1x16xf32> to vector<16xf32>
        %parallel_loop3A_536 = arith.mulf %gather3A_115, %parallel_loop3A_535 : vector<16xf32>
        %parallel_loop3A_537 = arith.addf %parallel_loop3A_530, %parallel_loop3A_536 : vector<16xf32>
        %parallel_loop3A_538 = arith.constant 0 : i32
        %parallel_loop3A_539 = arith.index_cast %parallel_loop3A_538 : i32 to index
        %parallel_loop3A_540 = arith.index_cast %parallel_loop3A_524 : i32 to index
        %parallel_loop3A_541 = tpu.vector_load %arg20[%parallel_loop3A_539, %parallel_loop3A_540] {strides = array<i32>} : memref<8x1024xf32, #tpu.memory_space<vmem>>, vector<1x16xf32>,
        %parallel_loop3A_542 = vector.shape_cast %parallel_loop3A_541 : vector<1x16xf32> to vector<16xf32>
        %parallel_loop3A_543 = vector.shape_cast %parallel_loop3A_537 : vector<16xf32> to vector<1x16xf32>
        tpu.vector_store %arg20[%parallel_loop3A_539, %parallel_loop3A_540], %parallel_loop3A_543 {strides = array<i32>} : memref<8x1024xf32, #tpu.memory_space<vmem>>, vector<1x16xf32>,
        %parallel_loop3A_544 = arith.constant 1 : i32
        %parallel_loop3A_545 = arith.index_cast %parallel_loop3A_544 : i32 to index
        %parallel_loop3A_546 = arith.index_cast %parallel_loop3A_524 : i32 to index
        %parallel_loop3A_547 = tpu.vector_load %arg12[%parallel_loop3A_545, %parallel_loop3A_546] {strides = array<i32>} : memref<8x1024xf32, #tpu.memory_space<vmem>>, vector<1x16xf32>,
        %parallel_loop3A_548 = vector.shape_cast %parallel_loop3A_547 : vector<1x16xf32> to vector<16xf32>
        %parallel_loop3A_549 = arith.mulf %gather3A_119, %parallel_loop3A_548 : vector<16xf32>
        %parallel_loop3A_550 = arith.constant 1 : i32
        %parallel_loop3A_551 = arith.index_cast %parallel_loop3A_550 : i32 to index
        %parallel_loop3A_552 = arith.index_cast %parallel_loop3A_524 : i32 to index
        %parallel_loop3A_553 = tpu.vector_load %arg13[%parallel_loop3A_551, %parallel_loop3A_552] {strides = array<i32>} : memref<8x1024xf32, #tpu.memory_space<vmem>>, vector<1x16xf32>,
        %parallel_loop3A_554 = vector.shape_cast %parallel_loop3A_553 : vector<1x16xf32> to vector<16xf32>
        %parallel_loop3A_555 = arith.mulf %gather3A_123, %parallel_loop3A_554 : vector<16xf32>
        %parallel_loop3A_556 = arith.addf %parallel_loop3A_549, %parallel_loop3A_555 : vector<16xf32>
        %parallel_loop3A_557 = arith.constant 1 : i32
        %parallel_loop3A_558 = arith.index_cast %parallel_loop3A_557 : i32 to index
        %parallel_loop3A_559 = arith.index_cast %parallel_loop3A_524 : i32 to index
        %parallel_loop3A_560 = tpu.vector_load %arg20[%parallel_loop3A_558, %parallel_loop3A_559] {strides = array<i32>} : memref<8x1024xf32, #tpu.memory_space<vmem>>, vector<1x16xf32>,
        %parallel_loop3A_561 = vector.shape_cast %parallel_loop3A_560 : vector<1x16xf32> to vector<16xf32>
        %parallel_loop3A_562 = vector.shape_cast %parallel_loop3A_556 : vector<16xf32> to vector<1x16xf32>
        tpu.vector_store %arg20[%parallel_loop3A_558, %parallel_loop3A_559], %parallel_loop3A_562 {strides = array<i32>} : memref<8x1024xf32, #tpu.memory_space<vmem>>, vector<1x16xf32>,
        %parallel_loop3A_563 = arith.constant 2 : i32
        %parallel_loop3A_564 = arith.index_cast %parallel_loop3A_563 : i32 to index
        %parallel_loop3A_565 = arith.index_cast %parallel_loop3A_524 : i32 to index
        %parallel_loop3A_566 = tpu.vector_load %arg12[%parallel_loop3A_564, %parallel_loop3A_565] {strides = array<i32>} : memref<8x1024xf32, #tpu.memory_space<vmem>>, vector<1x16xf32>,
        %parallel_loop3A_567 = vector.shape_cast %parallel_loop3A_566 : vector<1x16xf32> to vector<16xf32>
        %parallel_loop3A_568 = arith.mulf %gather3A_127, %parallel_loop3A_567 : vector<16xf32>
        %parallel_loop3A_569 = arith.constant 2 : i32
        %parallel_loop3A_570 = arith.index_cast %parallel_loop3A_569 : i32 to index
        %parallel_loop3A_571 = arith.index_cast %parallel_loop3A_524 : i32 to index
        %parallel_loop3A_572 = tpu.vector_load %arg13[%parallel_loop3A_570, %parallel_loop3A_571] {strides = array<i32>} : memref<8x1024xf32, #tpu.memory_space<vmem>>, vector<1x16xf32>,
        %parallel_loop3A_573 = vector.shape_cast %parallel_loop3A_572 : vector<1x16xf32> to vector<16xf32>
        %parallel_loop3A_574 = arith.mulf %gather3A_131, %parallel_loop3A_573 : vector<16xf32>
        %parallel_loop3A_575 = arith.addf %parallel_loop3A_568, %parallel_loop3A_574 : vector<16xf32>
        %parallel_loop3A_576 = arith.constant 2 : i32
        %parallel_loop3A_577 = arith.index_cast %parallel_loop3A_576 : i32 to index
        %parallel_loop3A_578 = arith.index_cast %parallel_loop3A_524 : i32 to index
        %parallel_loop3A_579 = tpu.vector_load %arg20[%parallel_loop3A_577, %parallel_loop3A_578] {strides = array<i32>} : memref<8x1024xf32, #tpu.memory_space<vmem>>, vector<1x16xf32>,
        %parallel_loop3A_580 = vector.shape_cast %parallel_loop3A_579 : vector<1x16xf32> to vector<16xf32>
        %parallel_loop3A_581 = vector.shape_cast %parallel_loop3A_575 : vector<16xf32> to vector<1x16xf32>
        tpu.vector_store %arg20[%parallel_loop3A_577, %parallel_loop3A_578], %parallel_loop3A_581 {strides = array<i32>} : memref<8x1024xf32, #tpu.memory_space<vmem>>, vector<1x16xf32>,
        %parallel_loop3A_582 = arith.constant 3 : i32
        %parallel_loop3A_583 = arith.index_cast %parallel_loop3A_582 : i32 to index
        %parallel_loop3A_584 = arith.index_cast %parallel_loop3A_524 : i32 to index
        %parallel_loop3A_585 = tpu.vector_load %arg12[%parallel_loop3A_583, %parallel_loop3A_584] {strides = array<i32>} : memref<8x1024xf32, #tpu.memory_space<vmem>>, vector<1x16xf32>,
        %parallel_loop3A_586 = vector.shape_cast %parallel_loop3A_585 : vector<1x16xf32> to vector<16xf32>
        %parallel_loop3A_587 = arith.mulf %gather3A_135, %parallel_loop3A_586 : vector<16xf32>
        %parallel_loop3A_588 = arith.constant 3 : i32
        %parallel_loop3A_589 = arith.index_cast %parallel_loop3A_588 : i32 to index
        %parallel_loop3A_590 = arith.index_cast %parallel_loop3A_524 : i32 to index
        %parallel_loop3A_591 = tpu.vector_load %arg13[%parallel_loop3A_589, %parallel_loop3A_590] {strides = array<i32>} : memref<8x1024xf32, #tpu.memory_space<vmem>>, vector<1x16xf32>,
        %parallel_loop3A_592 = vector.shape_cast %parallel_loop3A_591 : vector<1x16xf32> to vector<16xf32>
        %parallel_loop3A_593 = arith.mulf %gather3A_139, %parallel_loop3A_592 : vector<16xf32>
        %parallel_loop3A_594 = arith.addf %parallel_loop3A_587, %parallel_loop3A_593 : vector<16xf32>
        %parallel_loop3A_595 = arith.constant 3 : i32
        %parallel_loop3A_596 = arith.index_cast %parallel_loop3A_595 : i32 to index
        %parallel_loop3A_597 = arith.index_cast %parallel_loop3A_524 : i32 to index
        %parallel_loop3A_598 = tpu.vector_load %arg20[%parallel_loop3A_596, %parallel_loop3A_597] {strides = array<i32>} : memref<8x1024xf32, #tpu.memory_space<vmem>>, vector<1x16xf32>,
        %parallel_loop3A_599 = vector.shape_cast %parallel_loop3A_598 : vector<1x16xf32> to vector<16xf32>
        %parallel_loop3A_600 = vector.shape_cast %parallel_loop3A_594 : vector<16xf32> to vector<1x16xf32>
        tpu.vector_store %arg20[%parallel_loop3A_596, %parallel_loop3A_597], %parallel_loop3A_600 {strides = array<i32>} : memref<8x1024xf32, #tpu.memory_space<vmem>>, vector<1x16xf32>,
        %parallel_loop3A_601 = arith.constant 4 : i32
        %parallel_loop3A_602 = arith.index_cast %parallel_loop3A_601 : i32 to index
        %parallel_loop3A_603 = arith.index_cast %parallel_loop3A_524 : i32 to index
        %parallel_loop3A_604 = tpu.vector_load %arg12[%parallel_loop3A_602, %parallel_loop3A_603] {strides = array<i32>} : memref<8x1024xf32, #tpu.memory_space<vmem>>, vector<1x16xf32>,
        %parallel_loop3A_605 = vector.shape_cast %parallel_loop3A_604 : vector<1x16xf32> to vector<16xf32>
        %parallel_loop3A_606 = arith.mulf %gather3A_143, %parallel_loop3A_605 : vector<16xf32>
        %parallel_loop3A_607 = arith.constant 4 : i32
        %parallel_loop3A_608 = arith.index_cast %parallel_loop3A_607 : i32 to index
        %parallel_loop3A_609 = arith.index_cast %parallel_loop3A_524 : i32 to index
        %parallel_loop3A_610 = tpu.vector_load %arg13[%parallel_loop3A_608, %parallel_loop3A_609] {strides = array<i32>} : memref<8x1024xf32, #tpu.memory_space<vmem>>, vector<1x16xf32>,
        %parallel_loop3A_611 = vector.shape_cast %parallel_loop3A_610 : vector<1x16xf32> to vector<16xf32>
        %parallel_loop3A_612 = arith.mulf %gather3A_147, %parallel_loop3A_611 : vector<16xf32>
        %parallel_loop3A_613 = arith.addf %parallel_loop3A_606, %parallel_loop3A_612 : vector<16xf32>
        %parallel_loop3A_614 = arith.constant 4 : i32
        %parallel_loop3A_615 = arith.index_cast %parallel_loop3A_614 : i32 to index
        %parallel_loop3A_616 = arith.index_cast %parallel_loop3A_524 : i32 to index
        %parallel_loop3A_617 = tpu.vector_load %arg20[%parallel_loop3A_615, %parallel_loop3A_616] {strides = array<i32>} : memref<8x1024xf32, #tpu.memory_space<vmem>>, vector<1x16xf32>,
        %parallel_loop3A_618 = vector.shape_cast %parallel_loop3A_617 : vector<1x16xf32> to vector<16xf32>
        %parallel_loop3A_619 = vector.shape_cast %parallel_loop3A_613 : vector<16xf32> to vector<1x16xf32>
        tpu.vector_store %arg20[%parallel_loop3A_615, %parallel_loop3A_616], %parallel_loop3A_619 {strides = array<i32>} : memref<8x1024xf32, #tpu.memory_space<vmem>>, vector<1x16xf32>,
        %parallel_loop3A_620 = arith.constant 5 : i32
        %parallel_loop3A_621 = arith.index_cast %parallel_loop3A_620 : i32 to index
        %parallel_loop3A_622 = arith.index_cast %parallel_loop3A_524 : i32 to index
        %parallel_loop3A_623 = tpu.vector_load %arg12[%parallel_loop3A_621, %parallel_loop3A_622] {strides = array<i32>} : memref<8x1024xf32, #tpu.memory_space<vmem>>, vector<1x16xf32>,
        %parallel_loop3A_624 = vector.shape_cast %parallel_loop3A_623 : vector<1x16xf32> to vector<16xf32>
        %parallel_loop3A_625 = arith.mulf %gather3A_151, %parallel_loop3A_624 : vector<16xf32>
        %parallel_loop3A_626 = arith.constant 5 : i32
        %parallel_loop3A_627 = arith.index_cast %parallel_loop3A_626 : i32 to index
        %parallel_loop3A_628 = arith.index_cast %parallel_loop3A_524 : i32 to index
        %parallel_loop3A_629 = tpu.vector_load %arg13[%parallel_loop3A_627, %parallel_loop3A_628] {strides = array<i32>} : memref<8x1024xf32, #tpu.memory_space<vmem>>, vector<1x16xf32>,
        %parallel_loop3A_630 = vector.shape_cast %parallel_loop3A_629 : vector<1x16xf32> to vector<16xf32>
        %parallel_loop3A_631 = arith.mulf %gather3A_155, %parallel_loop3A_630 : vector<16xf32>
        %parallel_loop3A_632 = arith.addf %parallel_loop3A_625, %parallel_loop3A_631 : vector<16xf32>
        %parallel_loop3A_633 = arith.constant 5 : i32
        %parallel_loop3A_634 = arith.index_cast %parallel_loop3A_633 : i32 to index
        %parallel_loop3A_635 = arith.index_cast %parallel_loop3A_524 : i32 to index
        %parallel_loop3A_636 = tpu.vector_load %arg20[%parallel_loop3A_634, %parallel_loop3A_635] {strides = array<i32>} : memref<8x1024xf32, #tpu.memory_space<vmem>>, vector<1x16xf32>,
        %parallel_loop3A_637 = vector.shape_cast %parallel_loop3A_636 : vector<1x16xf32> to vector<16xf32>
        %parallel_loop3A_638 = vector.shape_cast %parallel_loop3A_632 : vector<16xf32> to vector<1x16xf32>
        tpu.vector_store %arg20[%parallel_loop3A_634, %parallel_loop3A_635], %parallel_loop3A_638 {strides = array<i32>} : memref<8x1024xf32, #tpu.memory_space<vmem>>, vector<1x16xf32>,
        %parallel_loop3A_639 = arith.constant 6 : i32
        %parallel_loop3A_640 = arith.index_cast %parallel_loop3A_639 : i32 to index
        %parallel_loop3A_641 = arith.index_cast %parallel_loop3A_524 : i32 to index
        %parallel_loop3A_642 = tpu.vector_load %arg12[%parallel_loop3A_640, %parallel_loop3A_641] {strides = array<i32>} : memref<8x1024xf32, #tpu.memory_space<vmem>>, vector<1x16xf32>,
        %parallel_loop3A_643 = vector.shape_cast %parallel_loop3A_642 : vector<1x16xf32> to vector<16xf32>
        %parallel_loop3A_644 = arith.mulf %gather3A_159, %parallel_loop3A_643 : vector<16xf32>
        %parallel_loop3A_645 = arith.constant 6 : i32
        %parallel_loop3A_646 = arith.index_cast %parallel_loop3A_645 : i32 to index
        %parallel_loop3A_647 = arith.index_cast %parallel_loop3A_524 : i32 to index
        %parallel_loop3A_648 = tpu.vector_load %arg13[%parallel_loop3A_646, %parallel_loop3A_647] {strides = array<i32>} : memref<8x1024xf32, #tpu.memory_space<vmem>>, vector<1x16xf32>,
        %parallel_loop3A_649 = vector.shape_cast %parallel_loop3A_648 : vector<1x16xf32> to vector<16xf32>
        %parallel_loop3A_650 = arith.mulf %gather3A_163, %parallel_loop3A_649 : vector<16xf32>
        %parallel_loop3A_651 = arith.addf %parallel_loop3A_644, %parallel_loop3A_650 : vector<16xf32>
        %parallel_loop3A_652 = arith.constant 6 : i32
        %parallel_loop3A_653 = arith.index_cast %parallel_loop3A_652 : i32 to index
        %parallel_loop3A_654 = arith.index_cast %parallel_loop3A_524 : i32 to index
        %parallel_loop3A_655 = tpu.vector_load %arg20[%parallel_loop3A_653, %parallel_loop3A_654] {strides = array<i32>} : memref<8x1024xf32, #tpu.memory_space<vmem>>, vector<1x16xf32>,
        %parallel_loop3A_656 = vector.shape_cast %parallel_loop3A_655 : vector<1x16xf32> to vector<16xf32>
        %parallel_loop3A_657 = vector.shape_cast %parallel_loop3A_651 : vector<16xf32> to vector<1x16xf32>
        tpu.vector_store %arg20[%parallel_loop3A_653, %parallel_loop3A_654], %parallel_loop3A_657 {strides = array<i32>} : memref<8x1024xf32, #tpu.memory_space<vmem>>, vector<1x16xf32>,
        %parallel_loop3A_658 = arith.constant 7 : i32
        %parallel_loop3A_659 = arith.index_cast %parallel_loop3A_658 : i32 to index
        %parallel_loop3A_660 = arith.index_cast %parallel_loop3A_524 : i32 to index
        %parallel_loop3A_661 = tpu.vector_load %arg12[%parallel_loop3A_659, %parallel_loop3A_660] {strides = array<i32>} : memref<8x1024xf32, #tpu.memory_space<vmem>>, vector<1x16xf32>,
        %parallel_loop3A_662 = vector.shape_cast %parallel_loop3A_661 : vector<1x16xf32> to vector<16xf32>
        %parallel_loop3A_663 = arith.mulf %gather3A_167, %parallel_loop3A_662 : vector<16xf32>
        %parallel_loop3A_664 = arith.constant 7 : i32
        %parallel_loop3A_665 = arith.index_cast %parallel_loop3A_664 : i32 to index
        %parallel_loop3A_666 = arith.index_cast %parallel_loop3A_524 : i32 to index
        %parallel_loop3A_667 = tpu.vector_load %arg13[%parallel_loop3A_665, %parallel_loop3A_666] {strides = array<i32>} : memref<8x1024xf32, #tpu.memory_space<vmem>>, vector<1x16xf32>,
        %parallel_loop3A_668 = vector.shape_cast %parallel_loop3A_667 : vector<1x16xf32> to vector<16xf32>
        %parallel_loop3A_669 = arith.mulf %gather3A_171, %parallel_loop3A_668 : vector<16xf32>
        %parallel_loop3A_670 = arith.addf %parallel_loop3A_663, %parallel_loop3A_669 : vector<16xf32>
        %parallel_loop3A_671 = arith.constant 7 : i32
        %parallel_loop3A_672 = arith.index_cast %parallel_loop3A_671 : i32 to index
        %parallel_loop3A_673 = arith.index_cast %parallel_loop3A_524 : i32 to index
        %parallel_loop3A_674 = tpu.vector_load %arg20[%parallel_loop3A_672, %parallel_loop3A_673] {strides = array<i32>} : memref<8x1024xf32, #tpu.memory_space<vmem>>, vector<1x16xf32>,
        %parallel_loop3A_675 = vector.shape_cast %parallel_loop3A_674 : vector<1x16xf32> to vector<16xf32>
        %parallel_loop3A_676 = vector.shape_cast %parallel_loop3A_670 : vector<16xf32> to vector<1x16xf32>
        tpu.vector_store %arg20[%parallel_loop3A_672, %parallel_loop3A_673], %parallel_loop3A_676 {strides = array<i32>} : memref<8x1024xf32, #tpu.memory_space<vmem>>, vector<1x16xf32>,
      } {sc.loop_unroll_factor = 2 : i64, sc.parallel_access}
      %add3A_174 = arith.constant 1 : i32
      %add3A_175 = arith.addi %scan3A_79, %add3A_174 : i32
      %lt3A = arith.constant 4 : i32
      %lt3A_176 = arith.cmpi slt, %add3A_175, %lt3A : i32
      %convert_element_type3A_177 = arith.extui %lt3A_176 : i1 to i32
      %cond3A_178 = arith.constant 0 : i32
      %cond3A_179 = arith.cmpi ne, %convert_element_type3A_177, %cond3A_178 : i32
      scf.if %cond3A_179 {
        %add3A_522 = arith.constant 1 : i32
        %add3A_523 = arith.addi %scan3A_79, %add3A_522 : i32
        %mul3A_524 = arith.constant 32 : i32
        %mul3A_525 = arith.muli %add3A_523, %mul3A_524 : i32
        %add3A_526 = arith.constant 0 : i32
        %add3A_527 = arith.addi %mul3A_525, %add3A_526 : i32
        %dma_start3A_528 = tpu.memref_slice %arg8[%add3A_527] : memref<128xi32, #tpu.memory_space<vmem>> -> memref<8xi32, #tpu.memory_space<vmem>>
        %dma_start3A_529 = arith.constant 0 : i32
        %dma_start3A_530 = arith.constant 0 : i32
        %dma_start3A_531 = tpu.memref_slice %arg2[%dma_start3A_529, %dma_start3A_530] : memref<32768x1024xf32, #tpu.memory_space<hbm>> -> memref<32768x1024xf32, #tpu.memory_space<hbm>>
        tpu.enqueue_indirect_dma source(%dma_start3A_531 : memref<32768x1024xf32, #tpu.memory_space<hbm>>) target(%arg12 : memref<8x1024xf32, #tpu.memory_space<vmem>>) offsets(%dma_start3A_528 : memref<8xi32, #tpu.memory_space<vmem>>) semaphore(%arg24 : memref<!tpu.dma_semaphore, #tpu.memory_space<semaphore_mem>>)
        %dma_start3A_532 = tpu.memref_slice %arg9[%add3A_527] : memref<128xi32, #tpu.memory_space<vmem>> -> memref<8xi32, #tpu.memory_space<vmem>>
        %dma_start3A_533 = arith.constant 0 : i32
        %dma_start3A_534 = arith.constant 0 : i32
        %dma_start3A_535 = tpu.memref_slice %arg2[%dma_start3A_533, %dma_start3A_534] : memref<32768x1024xf32, #tpu.memory_space<hbm>> -> memref<32768x1024xf32, #tpu.memory_space<hbm>>
        tpu.enqueue_indirect_dma source(%dma_start3A_535 : memref<32768x1024xf32, #tpu.memory_space<hbm>>) target(%arg13 : memref<8x1024xf32, #tpu.memory_space<vmem>>) offsets(%dma_start3A_532 : memref<8xi32, #tpu.memory_space<vmem>>) semaphore(%arg25 : memref<!tpu.dma_semaphore, #tpu.memory_space<semaphore_mem>>)
      } else {
      }
      %add3A_180 = arith.addi %mul3A_2, %add3A_84 : i32
      %dma_start3A_181 = arith.constant 0 : i32
      %dma_start3A_182 = tpu.memref_slice %arg7[%add3A_180, %dma_start3A_181] : memref<4096x1024xf32, #tpu.memory_space<hbm>> -> memref<8x1024xf32, #tpu.memory_space<hbm>>
      %dma_start3A_183 = arith.constant 0 : i32
      %dma_start3A_184 = tpu.memref_slice %arg7[%add3A_180, %dma_start3A_183] : memref<4096x1024xf32, #tpu.memory_space<hbm>> -> memref<8x1024xf32, #tpu.memory_space<hbm>>
      tpu.enqueue_dma source(%arg20 : memref<8x1024xf32, #tpu.memory_space<vmem>>) target(%dma_start3A_184 : memref<8x1024xf32, #tpu.memory_space<hbm>>) target_semaphore(%arg32 : memref<!tpu.dma_semaphore, #tpu.memory_space<semaphore_mem>>)
      %mul3A_185 = arith.constant 32 : i32
      %mul3A_186 = arith.muli %scan3A_79, %mul3A_185 : i32
      %add3A_187 = arith.constant 8 : i32
      %add3A_188 = arith.addi %mul3A_186, %add3A_187 : i32
      %gt3A_189 = arith.constant 0 : i32
      %gt3A_190 = arith.cmpi sgt, %scan3A_79, %gt3A_189 : i32
      %convert_element_type3A_191 = arith.extui %gt3A_190 : i1 to i32
      %cond3A_192 = arith.constant 0 : i32
      %cond3A_193 = arith.cmpi ne, %convert_element_type3A_191, %cond3A_192 : i32
      scf.if %cond3A_193 {
        %dma_wait3A_522 = arith.constant 0 : i32
        %dma_wait3A_523 = tpu.memref_slice %arg7[%mul3A_2, %dma_wait3A_522] : memref<4096x1024xf32, #tpu.memory_space<hbm>> -> memref<8x1024xf32, #tpu.memory_space<hbm>>
        %dma_wait3A_524 = arith.constant 0 : i32
        %dma_wait3A_525 = tpu.memref_slice %arg7[%mul3A_2, %dma_wait3A_524] : memref<4096x1024xf32, #tpu.memory_space<hbm>> -> memref<8x1024xf32, #tpu.memory_space<hbm>>
        tpu.wait_dma2 semaphore(%arg33 : memref<!tpu.dma_semaphore, #tpu.memory_space<semaphore_mem>>) src(%arg21 : memref<8x1024xf32, #tpu.memory_space<vmem>>) dst(%dma_wait3A_525 : memref<8x1024xf32, #tpu.memory_space<hbm>>)
      } else {
      }
      %dma_wait3A_194 = arith.constant 0 : i32
      %dma_wait3A_195 = tpu.memref_slice %arg8[%dma_wait3A_194] : memref<128xi32, #tpu.memory_space<vmem>> -> memref<8xi32, #tpu.memory_space<vmem>>
      %dma_wait3A_196 = arith.constant 0 : i32
      %dma_wait3A_197 = arith.constant 0 : i32
      %dma_wait3A_198 = tpu.memref_slice %arg2[%dma_wait3A_196, %dma_wait3A_197] : memref<32768x1024xf32, #tpu.memory_space<hbm>> -> memref<32768x1024xf32, #tpu.memory_space<hbm>>
      tpu.wait_indirect_dma semaphore(%arg26 : memref<!tpu.dma_semaphore, #tpu.memory_space<semaphore_mem>>) src(%dma_wait3A_198 : memref<32768x1024xf32, #tpu.memory_space<hbm>>) dst(%arg14 : memref<8x1024xf32, #tpu.memory_space<vmem>>)
      %dma_wait3A_199 = arith.constant 0 : i32
      %dma_wait3A_200 = tpu.memref_slice %arg9[%dma_wait3A_199] : memref<128xi32, #tpu.memory_space<vmem>> -> memref<8xi32, #tpu.memory_space<vmem>>
      %dma_wait3A_201 = arith.constant 0 : i32
      %dma_wait3A_202 = arith.constant 0 : i32
      %dma_wait3A_203 = tpu.memref_slice %arg2[%dma_wait3A_201, %dma_wait3A_202] : memref<32768x1024xf32, #tpu.memory_space<hbm>> -> memref<32768x1024xf32, #tpu.memory_space<hbm>>
      tpu.wait_indirect_dma semaphore(%arg27 : memref<!tpu.dma_semaphore, #tpu.memory_space<semaphore_mem>>) src(%dma_wait3A_203 : memref<32768x1024xf32, #tpu.memory_space<hbm>>) dst(%arg15 : memref<8x1024xf32, #tpu.memory_space<vmem>>)
      %mul3A_204 = arith.constant 32 : i32
      %mul3A_205 = arith.muli %scan3A_79, %mul3A_204 : i32
      %add3A_206 = arith.constant 0 : i32
      %add3A_207 = arith.addi %mul3A_205, %add3A_206 : i32
      %get3A_208 = arith.index_cast %add3A_207 : i32 to index
      %get3A_209 = tpu.vector_load %arg10[%get3A_208] {strides = array<i32>} : memref<128xf32, #tpu.memory_space<vmem>>, vector<16xf32>,
      %get3A_210 = vector.shape_cast %get3A_209 : vector<16xf32> to vector<16xf32>
      %mul3A_211 = arith.constant 32 : i32
      %mul3A_212 = arith.muli %scan3A_79, %mul3A_211 : i32
      %add3A_213 = arith.constant 0 : i32
      %add3A_214 = arith.addi %mul3A_212, %add3A_213 : i32
      %get3A_215 = arith.index_cast %add3A_214 : i32 to index
      %get3A_216 = tpu.vector_load %arg11[%get3A_215] {strides = array<i32>} : memref<128xf32, #tpu.memory_space<vmem>>, vector<16xf32>,
      %get3A_217 = vector.shape_cast %get3A_216 : vector<16xf32> to vector<16xf32>
      %broadcast_in_dim3A_218 = arith.constant 8 : i32
      %broadcast_in_dim3A_219 = vector.broadcast %broadcast_in_dim3A_218 : i32 to vector<16x1xi32>
      %gather3A_220 = vector.shape_cast %broadcast_in_dim3A_219 : vector<16x1xi32> to vector<16xi32>
      %gather3A_221 = tpu.dynamic_gather %get3A_210[%gather3A_220] in [0] : vector<16xf32>, vector<16xi32> -> vector<16xf32>
      %broadcast_in_dim3A_222 = arith.constant 8 : i32
      %broadcast_in_dim3A_223 = vector.broadcast %broadcast_in_dim3A_222 : i32 to vector<16x1xi32>
      %gather3A_224 = vector.shape_cast %broadcast_in_dim3A_223 : vector<16x1xi32> to vector<16xi32>
      %gather3A_225 = tpu.dynamic_gather %get3A_217[%gather3A_224] in [0] : vector<16xf32>, vector<16xi32> -> vector<16xf32>
      %broadcast_in_dim3A_226 = arith.constant 9 : i32
      %broadcast_in_dim3A_227 = vector.broadcast %broadcast_in_dim3A_226 : i32 to vector<16x1xi32>
      %gather3A_228 = vector.shape_cast %broadcast_in_dim3A_227 : vector<16x1xi32> to vector<16xi32>
      %gather3A_229 = tpu.dynamic_gather %get3A_210[%gather3A_228] in [0] : vector<16xf32>, vector<16xi32> -> vector<16xf32>
      %broadcast_in_dim3A_230 = arith.constant 9 : i32
      %broadcast_in_dim3A_231 = vector.broadcast %broadcast_in_dim3A_230 : i32 to vector<16x1xi32>
      %gather3A_232 = vector.shape_cast %broadcast_in_dim3A_231 : vector<16x1xi32> to vector<16xi32>
      %gather3A_233 = tpu.dynamic_gather %get3A_217[%gather3A_232] in [0] : vector<16xf32>, vector<16xi32> -> vector<16xf32>
      %broadcast_in_dim3A_234 = arith.constant 10 : i32
      %broadcast_in_dim3A_235 = vector.broadcast %broadcast_in_dim3A_234 : i32 to vector<16x1xi32>
      %gather3A_236 = vector.shape_cast %broadcast_in_dim3A_235 : vector<16x1xi32> to vector<16xi32>
      %gather3A_237 = tpu.dynamic_gather %get3A_210[%gather3A_236] in [0] : vector<16xf32>, vector<16xi32> -> vector<16xf32>
      %broadcast_in_dim3A_238 = arith.constant 10 : i32
      %broadcast_in_dim3A_239 = vector.broadcast %broadcast_in_dim3A_238 : i32 to vector<16x1xi32>
      %gather3A_240 = vector.shape_cast %broadcast_in_dim3A_239 : vector<16x1xi32> to vector<16xi32>
      %gather3A_241 = tpu.dynamic_gather %get3A_217[%gather3A_240] in [0] : vector<16xf32>, vector<16xi32> -> vector<16xf32>
      %broadcast_in_dim3A_242 = arith.constant 11 : i32
      %broadcast_in_dim3A_243 = vector.broadcast %broadcast_in_dim3A_242 : i32 to vector<16x1xi32>
      %gather3A_244 = vector.shape_cast %broadcast_in_dim3A_243 : vector<16x1xi32> to vector<16xi32>
      %gather3A_245 = tpu.dynamic_gather %get3A_210[%gather3A_244] in [0] : vector<16xf32>, vector<16xi32> -> vector<16xf32>
      %broadcast_in_dim3A_246 = arith.constant 11 : i32
      %broadcast_in_dim3A_247 = vector.broadcast %broadcast_in_dim3A_246 : i32 to vector<16x1xi32>
      %gather3A_248 = vector.shape_cast %broadcast_in_dim3A_247 : vector<16x1xi32> to vector<16xi32>
      %gather3A_249 = tpu.dynamic_gather %get3A_217[%gather3A_248] in [0] : vector<16xf32>, vector<16xi32> -> vector<16xf32>
      %broadcast_in_dim3A_250 = arith.constant 12 : i32
      %broadcast_in_dim3A_251 = vector.broadcast %broadcast_in_dim3A_250 : i32 to vector<16x1xi32>
      %gather3A_252 = vector.shape_cast %broadcast_in_dim3A_251 : vector<16x1xi32> to vector<16xi32>
      %gather3A_253 = tpu.dynamic_gather %get3A_210[%gather3A_252] in [0] : vector<16xf32>, vector<16xi32> -> vector<16xf32>
      %broadcast_in_dim3A_254 = arith.constant 12 : i32
      %broadcast_in_dim3A_255 = vector.broadcast %broadcast_in_dim3A_254 : i32 to vector<16x1xi32>
      %gather3A_256 = vector.shape_cast %broadcast_in_dim3A_255 : vector<16x1xi32> to vector<16xi32>
      %gather3A_257 = tpu.dynamic_gather %get3A_217[%gather3A_256] in [0] : vector<16xf32>, vector<16xi32> -> vector<16xf32>
      %broadcast_in_dim3A_258 = arith.constant 13 : i32
      %broadcast_in_dim3A_259 = vector.broadcast %broadcast_in_dim3A_258 : i32 to vector<16x1xi32>
      %gather3A_260 = vector.shape_cast %broadcast_in_dim3A_259 : vector<16x1xi32> to vector<16xi32>
      %gather3A_261 = tpu.dynamic_gather %get3A_210[%gather3A_260] in [0] : vector<16xf32>, vector<16xi32> -> vector<16xf32>
      %broadcast_in_dim3A_262 = arith.constant 13 : i32
      %broadcast_in_dim3A_263 = vector.broadcast %broadcast_in_dim3A_262 : i32 to vector<16x1xi32>
      %gather3A_264 = vector.shape_cast %broadcast_in_dim3A_263 : vector<16x1xi32> to vector<16xi32>
      %gather3A_265 = tpu.dynamic_gather %get3A_217[%gather3A_264] in [0] : vector<16xf32>, vector<16xi32> -> vector<16xf32>
      %broadcast_in_dim3A_266 = arith.constant 14 : i32
      %broadcast_in_dim3A_267 = vector.broadcast %broadcast_in_dim3A_266 : i32 to vector<16x1xi32>
      %gather3A_268 = vector.shape_cast %broadcast_in_dim3A_267 : vector<16x1xi32> to vector<16xi32>
      %gather3A_269 = tpu.dynamic_gather %get3A_210[%gather3A_268] in [0] : vector<16xf32>, vector<16xi32> -> vector<16xf32>
      %broadcast_in_dim3A_270 = arith.constant 14 : i32
      %broadcast_in_dim3A_271 = vector.broadcast %broadcast_in_dim3A_270 : i32 to vector<16x1xi32>
      %gather3A_272 = vector.shape_cast %broadcast_in_dim3A_271 : vector<16x1xi32> to vector<16xi32>
      %gather3A_273 = tpu.dynamic_gather %get3A_217[%gather3A_272] in [0] : vector<16xf32>, vector<16xi32> -> vector<16xf32>
      %broadcast_in_dim3A_274 = arith.constant 15 : i32
      %broadcast_in_dim3A_275 = vector.broadcast %broadcast_in_dim3A_274 : i32 to vector<16x1xi32>
      %gather3A_276 = vector.shape_cast %broadcast_in_dim3A_275 : vector<16x1xi32> to vector<16xi32>
      %gather3A_277 = tpu.dynamic_gather %get3A_210[%gather3A_276] in [0] : vector<16xf32>, vector<16xi32> -> vector<16xf32>
      %broadcast_in_dim3A_278 = arith.constant 15 : i32
      %broadcast_in_dim3A_279 = vector.broadcast %broadcast_in_dim3A_278 : i32 to vector<16x1xi32>
      %gather3A_280 = vector.shape_cast %broadcast_in_dim3A_279 : vector<16x1xi32> to vector<16xi32>
      %gather3A_281 = tpu.dynamic_gather %get3A_217[%gather3A_280] in [0] : vector<16xf32>, vector<16xi32> -> vector<16xf32>
      %parallel_loop3A_282 = arith.constant 0 : i32
      %parallel_loop3A_283 = arith.constant 64 : i32
      %parallel_loop3A_284 = arith.constant 1 : i32
      scf.for %parallel_loop3A_522 = %parallel_loop3A_282 to %parallel_loop3A_283 step %parallel_loop3A_284  : i32 {
        %parallel_loop3A_523 = arith.constant 16 : i32
        %parallel_loop3A_524 = arith.muli %parallel_loop3A_522, %parallel_loop3A_523 : i32
        %parallel_loop3A_525 = arith.constant 0 : i32
        %parallel_loop3A_526 = arith.index_cast %parallel_loop3A_525 : i32 to index
        %parallel_loop3A_527 = arith.index_cast %parallel_loop3A_524 : i32 to index
        %parallel_loop3A_528 = tpu.vector_load %arg14[%parallel_loop3A_526, %parallel_loop3A_527] {strides = array<i32>} : memref<8x1024xf32, #tpu.memory_space<vmem>>, vector<1x16xf32>,
        %parallel_loop3A_529 = vector.shape_cast %parallel_loop3A_528 : vector<1x16xf32> to vector<16xf32>
        %parallel_loop3A_530 = arith.mulf %gather3A_221, %parallel_loop3A_529 : vector<16xf32>
        %parallel_loop3A_531 = arith.constant 0 : i32
        %parallel_loop3A_532 = arith.index_cast %parallel_loop3A_531 : i32 to index
        %parallel_loop3A_533 = arith.index_cast %parallel_loop3A_524 : i32 to index
        %parallel_loop3A_534 = tpu.vector_load %arg15[%parallel_loop3A_532, %parallel_loop3A_533] {strides = array<i32>} : memref<8x1024xf32, #tpu.memory_space<vmem>>, vector<1x16xf32>,
        %parallel_loop3A_535 = vector.shape_cast %parallel_loop3A_534 : vector<1x16xf32> to vector<16xf32>
        %parallel_loop3A_536 = arith.mulf %gather3A_225, %parallel_loop3A_535 : vector<16xf32>
        %parallel_loop3A_537 = arith.addf %parallel_loop3A_530, %parallel_loop3A_536 : vector<16xf32>
        %parallel_loop3A_538 = arith.constant 0 : i32
        %parallel_loop3A_539 = arith.index_cast %parallel_loop3A_538 : i32 to index
        %parallel_loop3A_540 = arith.index_cast %parallel_loop3A_524 : i32 to index
        %parallel_loop3A_541 = tpu.vector_load %arg21[%parallel_loop3A_539, %parallel_loop3A_540] {strides = array<i32>} : memref<8x1024xf32, #tpu.memory_space<vmem>>, vector<1x16xf32>,
        %parallel_loop3A_542 = vector.shape_cast %parallel_loop3A_541 : vector<1x16xf32> to vector<16xf32>
        %parallel_loop3A_543 = vector.shape_cast %parallel_loop3A_537 : vector<16xf32> to vector<1x16xf32>
        tpu.vector_store %arg21[%parallel_loop3A_539, %parallel_loop3A_540], %parallel_loop3A_543 {strides = array<i32>} : memref<8x1024xf32, #tpu.memory_space<vmem>>, vector<1x16xf32>,
        %parallel_loop3A_544 = arith.constant 1 : i32
        %parallel_loop3A_545 = arith.index_cast %parallel_loop3A_544 : i32 to index
        %parallel_loop3A_546 = arith.index_cast %parallel_loop3A_524 : i32 to index
        %parallel_loop3A_547 = tpu.vector_load %arg14[%parallel_loop3A_545, %parallel_loop3A_546] {strides = array<i32>} : memref<8x1024xf32, #tpu.memory_space<vmem>>, vector<1x16xf32>,
        %parallel_loop3A_548 = vector.shape_cast %parallel_loop3A_547 : vector<1x16xf32> to vector<16xf32>
        %parallel_loop3A_549 = arith.mulf %gather3A_229, %parallel_loop3A_548 : vector<16xf32>
        %parallel_loop3A_550 = arith.constant 1 : i32
        %parallel_loop3A_551 = arith.index_cast %parallel_loop3A_550 : i32 to index
        %parallel_loop3A_552 = arith.index_cast %parallel_loop3A_524 : i32 to index
        %parallel_loop3A_553 = tpu.vector_load %arg15[%parallel_loop3A_551, %parallel_loop3A_552] {strides = array<i32>} : memref<8x1024xf32, #tpu.memory_space<vmem>>, vector<1x16xf32>,
        %parallel_loop3A_554 = vector.shape_cast %parallel_loop3A_553 : vector<1x16xf32> to vector<16xf32>
        %parallel_loop3A_555 = arith.mulf %gather3A_233, %parallel_loop3A_554 : vector<16xf32>
        %parallel_loop3A_556 = arith.addf %parallel_loop3A_549, %parallel_loop3A_555 : vector<16xf32>
        %parallel_loop3A_557 = arith.constant 1 : i32
        %parallel_loop3A_558 = arith.index_cast %parallel_loop3A_557 : i32 to index
        %parallel_loop3A_559 = arith.index_cast %parallel_loop3A_524 : i32 to index
        %parallel_loop3A_560 = tpu.vector_load %arg21[%parallel_loop3A_558, %parallel_loop3A_559] {strides = array<i32>} : memref<8x1024xf32, #tpu.memory_space<vmem>>, vector<1x16xf32>,
        %parallel_loop3A_561 = vector.shape_cast %parallel_loop3A_560 : vector<1x16xf32> to vector<16xf32>
        %parallel_loop3A_562 = vector.shape_cast %parallel_loop3A_556 : vector<16xf32> to vector<1x16xf32>
        tpu.vector_store %arg21[%parallel_loop3A_558, %parallel_loop3A_559], %parallel_loop3A_562 {strides = array<i32>} : memref<8x1024xf32, #tpu.memory_space<vmem>>, vector<1x16xf32>,
        %parallel_loop3A_563 = arith.constant 2 : i32
        %parallel_loop3A_564 = arith.index_cast %parallel_loop3A_563 : i32 to index
        %parallel_loop3A_565 = arith.index_cast %parallel_loop3A_524 : i32 to index
        %parallel_loop3A_566 = tpu.vector_load %arg14[%parallel_loop3A_564, %parallel_loop3A_565] {strides = array<i32>} : memref<8x1024xf32, #tpu.memory_space<vmem>>, vector<1x16xf32>,
        %parallel_loop3A_567 = vector.shape_cast %parallel_loop3A_566 : vector<1x16xf32> to vector<16xf32>
        %parallel_loop3A_568 = arith.mulf %gather3A_237, %parallel_loop3A_567 : vector<16xf32>
        %parallel_loop3A_569 = arith.constant 2 : i32
        %parallel_loop3A_570 = arith.index_cast %parallel_loop3A_569 : i32 to index
        %parallel_loop3A_571 = arith.index_cast %parallel_loop3A_524 : i32 to index
        %parallel_loop3A_572 = tpu.vector_load %arg15[%parallel_loop3A_570, %parallel_loop3A_571] {strides = array<i32>} : memref<8x1024xf32, #tpu.memory_space<vmem>>, vector<1x16xf32>,
        %parallel_loop3A_573 = vector.shape_cast %parallel_loop3A_572 : vector<1x16xf32> to vector<16xf32>
        %parallel_loop3A_574 = arith.mulf %gather3A_241, %parallel_loop3A_573 : vector<16xf32>
        %parallel_loop3A_575 = arith.addf %parallel_loop3A_568, %parallel_loop3A_574 : vector<16xf32>
        %parallel_loop3A_576 = arith.constant 2 : i32
        %parallel_loop3A_577 = arith.index_cast %parallel_loop3A_576 : i32 to index
        %parallel_loop3A_578 = arith.index_cast %parallel_loop3A_524 : i32 to index
        %parallel_loop3A_579 = tpu.vector_load %arg21[%parallel_loop3A_577, %parallel_loop3A_578] {strides = array<i32>} : memref<8x1024xf32, #tpu.memory_space<vmem>>, vector<1x16xf32>,
        %parallel_loop3A_580 = vector.shape_cast %parallel_loop3A_579 : vector<1x16xf32> to vector<16xf32>
        %parallel_loop3A_581 = vector.shape_cast %parallel_loop3A_575 : vector<16xf32> to vector<1x16xf32>
        tpu.vector_store %arg21[%parallel_loop3A_577, %parallel_loop3A_578], %parallel_loop3A_581 {strides = array<i32>} : memref<8x1024xf32, #tpu.memory_space<vmem>>, vector<1x16xf32>,
        %parallel_loop3A_582 = arith.constant 3 : i32
        %parallel_loop3A_583 = arith.index_cast %parallel_loop3A_582 : i32 to index
        %parallel_loop3A_584 = arith.index_cast %parallel_loop3A_524 : i32 to index
        %parallel_loop3A_585 = tpu.vector_load %arg14[%parallel_loop3A_583, %parallel_loop3A_584] {strides = array<i32>} : memref<8x1024xf32, #tpu.memory_space<vmem>>, vector<1x16xf32>,
        %parallel_loop3A_586 = vector.shape_cast %parallel_loop3A_585 : vector<1x16xf32> to vector<16xf32>
        %parallel_loop3A_587 = arith.mulf %gather3A_245, %parallel_loop3A_586 : vector<16xf32>
        %parallel_loop3A_588 = arith.constant 3 : i32
        %parallel_loop3A_589 = arith.index_cast %parallel_loop3A_588 : i32 to index
        %parallel_loop3A_590 = arith.index_cast %parallel_loop3A_524 : i32 to index
        %parallel_loop3A_591 = tpu.vector_load %arg15[%parallel_loop3A_589, %parallel_loop3A_590] {strides = array<i32>} : memref<8x1024xf32, #tpu.memory_space<vmem>>, vector<1x16xf32>,
        %parallel_loop3A_592 = vector.shape_cast %parallel_loop3A_591 : vector<1x16xf32> to vector<16xf32>
        %parallel_loop3A_593 = arith.mulf %gather3A_249, %parallel_loop3A_592 : vector<16xf32>
        %parallel_loop3A_594 = arith.addf %parallel_loop3A_587, %parallel_loop3A_593 : vector<16xf32>
        %parallel_loop3A_595 = arith.constant 3 : i32
        %parallel_loop3A_596 = arith.index_cast %parallel_loop3A_595 : i32 to index
        %parallel_loop3A_597 = arith.index_cast %parallel_loop3A_524 : i32 to index
        %parallel_loop3A_598 = tpu.vector_load %arg21[%parallel_loop3A_596, %parallel_loop3A_597] {strides = array<i32>} : memref<8x1024xf32, #tpu.memory_space<vmem>>, vector<1x16xf32>,
        %parallel_loop3A_599 = vector.shape_cast %parallel_loop3A_598 : vector<1x16xf32> to vector<16xf32>
        %parallel_loop3A_600 = vector.shape_cast %parallel_loop3A_594 : vector<16xf32> to vector<1x16xf32>
        tpu.vector_store %arg21[%parallel_loop3A_596, %parallel_loop3A_597], %parallel_loop3A_600 {strides = array<i32>} : memref<8x1024xf32, #tpu.memory_space<vmem>>, vector<1x16xf32>,
        %parallel_loop3A_601 = arith.constant 4 : i32
        %parallel_loop3A_602 = arith.index_cast %parallel_loop3A_601 : i32 to index
        %parallel_loop3A_603 = arith.index_cast %parallel_loop3A_524 : i32 to index
        %parallel_loop3A_604 = tpu.vector_load %arg14[%parallel_loop3A_602, %parallel_loop3A_603] {strides = array<i32>} : memref<8x1024xf32, #tpu.memory_space<vmem>>, vector<1x16xf32>,
        %parallel_loop3A_605 = vector.shape_cast %parallel_loop3A_604 : vector<1x16xf32> to vector<16xf32>
        %parallel_loop3A_606 = arith.mulf %gather3A_253, %parallel_loop3A_605 : vector<16xf32>
        %parallel_loop3A_607 = arith.constant 4 : i32
        %parallel_loop3A_608 = arith.index_cast %parallel_loop3A_607 : i32 to index
        %parallel_loop3A_609 = arith.index_cast %parallel_loop3A_524 : i32 to index
        %parallel_loop3A_610 = tpu.vector_load %arg15[%parallel_loop3A_608, %parallel_loop3A_609] {strides = array<i32>} : memref<8x1024xf32, #tpu.memory_space<vmem>>, vector<1x16xf32>,
        %parallel_loop3A_611 = vector.shape_cast %parallel_loop3A_610 : vector<1x16xf32> to vector<16xf32>
        %parallel_loop3A_612 = arith.mulf %gather3A_257, %parallel_loop3A_611 : vector<16xf32>
        %parallel_loop3A_613 = arith.addf %parallel_loop3A_606, %parallel_loop3A_612 : vector<16xf32>
        %parallel_loop3A_614 = arith.constant 4 : i32
        %parallel_loop3A_615 = arith.index_cast %parallel_loop3A_614 : i32 to index
        %parallel_loop3A_616 = arith.index_cast %parallel_loop3A_524 : i32 to index
        %parallel_loop3A_617 = tpu.vector_load %arg21[%parallel_loop3A_615, %parallel_loop3A_616] {strides = array<i32>} : memref<8x1024xf32, #tpu.memory_space<vmem>>, vector<1x16xf32>,
        %parallel_loop3A_618 = vector.shape_cast %parallel_loop3A_617 : vector<1x16xf32> to vector<16xf32>
        %parallel_loop3A_619 = vector.shape_cast %parallel_loop3A_613 : vector<16xf32> to vector<1x16xf32>
        tpu.vector_store %arg21[%parallel_loop3A_615, %parallel_loop3A_616], %parallel_loop3A_619 {strides = array<i32>} : memref<8x1024xf32, #tpu.memory_space<vmem>>, vector<1x16xf32>,
        %parallel_loop3A_620 = arith.constant 5 : i32
        %parallel_loop3A_621 = arith.index_cast %parallel_loop3A_620 : i32 to index
        %parallel_loop3A_622 = arith.index_cast %parallel_loop3A_524 : i32 to index
        %parallel_loop3A_623 = tpu.vector_load %arg14[%parallel_loop3A_621, %parallel_loop3A_622] {strides = array<i32>} : memref<8x1024xf32, #tpu.memory_space<vmem>>, vector<1x16xf32>,
        %parallel_loop3A_624 = vector.shape_cast %parallel_loop3A_623 : vector<1x16xf32> to vector<16xf32>
        %parallel_loop3A_625 = arith.mulf %gather3A_261, %parallel_loop3A_624 : vector<16xf32>
        %parallel_loop3A_626 = arith.constant 5 : i32
        %parallel_loop3A_627 = arith.index_cast %parallel_loop3A_626 : i32 to index
        %parallel_loop3A_628 = arith.index_cast %parallel_loop3A_524 : i32 to index
        %parallel_loop3A_629 = tpu.vector_load %arg15[%parallel_loop3A_627, %parallel_loop3A_628] {strides = array<i32>} : memref<8x1024xf32, #tpu.memory_space<vmem>>, vector<1x16xf32>,
        %parallel_loop3A_630 = vector.shape_cast %parallel_loop3A_629 : vector<1x16xf32> to vector<16xf32>
        %parallel_loop3A_631 = arith.mulf %gather3A_265, %parallel_loop3A_630 : vector<16xf32>
        %parallel_loop3A_632 = arith.addf %parallel_loop3A_625, %parallel_loop3A_631 : vector<16xf32>
        %parallel_loop3A_633 = arith.constant 5 : i32
        %parallel_loop3A_634 = arith.index_cast %parallel_loop3A_633 : i32 to index
        %parallel_loop3A_635 = arith.index_cast %parallel_loop3A_524 : i32 to index
        %parallel_loop3A_636 = tpu.vector_load %arg21[%parallel_loop3A_634, %parallel_loop3A_635] {strides = array<i32>} : memref<8x1024xf32, #tpu.memory_space<vmem>>, vector<1x16xf32>,
        %parallel_loop3A_637 = vector.shape_cast %parallel_loop3A_636 : vector<1x16xf32> to vector<16xf32>
        %parallel_loop3A_638 = vector.shape_cast %parallel_loop3A_632 : vector<16xf32> to vector<1x16xf32>
        tpu.vector_store %arg21[%parallel_loop3A_634, %parallel_loop3A_635], %parallel_loop3A_638 {strides = array<i32>} : memref<8x1024xf32, #tpu.memory_space<vmem>>, vector<1x16xf32>,
        %parallel_loop3A_639 = arith.constant 6 : i32
        %parallel_loop3A_640 = arith.index_cast %parallel_loop3A_639 : i32 to index
        %parallel_loop3A_641 = arith.index_cast %parallel_loop3A_524 : i32 to index
        %parallel_loop3A_642 = tpu.vector_load %arg14[%parallel_loop3A_640, %parallel_loop3A_641] {strides = array<i32>} : memref<8x1024xf32, #tpu.memory_space<vmem>>, vector<1x16xf32>,
        %parallel_loop3A_643 = vector.shape_cast %parallel_loop3A_642 : vector<1x16xf32> to vector<16xf32>
        %parallel_loop3A_644 = arith.mulf %gather3A_269, %parallel_loop3A_643 : vector<16xf32>
        %parallel_loop3A_645 = arith.constant 6 : i32
        %parallel_loop3A_646 = arith.index_cast %parallel_loop3A_645 : i32 to index
        %parallel_loop3A_647 = arith.index_cast %parallel_loop3A_524 : i32 to index
        %parallel_loop3A_648 = tpu.vector_load %arg15[%parallel_loop3A_646, %parallel_loop3A_647] {strides = array<i32>} : memref<8x1024xf32, #tpu.memory_space<vmem>>, vector<1x16xf32>,
        %parallel_loop3A_649 = vector.shape_cast %parallel_loop3A_648 : vector<1x16xf32> to vector<16xf32>
        %parallel_loop3A_650 = arith.mulf %gather3A_273, %parallel_loop3A_649 : vector<16xf32>
        %parallel_loop3A_651 = arith.addf %parallel_loop3A_644, %parallel_loop3A_650 : vector<16xf32>
        %parallel_loop3A_652 = arith.constant 6 : i32
        %parallel_loop3A_653 = arith.index_cast %parallel_loop3A_652 : i32 to index
        %parallel_loop3A_654 = arith.index_cast %parallel_loop3A_524 : i32 to index
        %parallel_loop3A_655 = tpu.vector_load %arg21[%parallel_loop3A_653, %parallel_loop3A_654] {strides = array<i32>} : memref<8x1024xf32, #tpu.memory_space<vmem>>, vector<1x16xf32>,
        %parallel_loop3A_656 = vector.shape_cast %parallel_loop3A_655 : vector<1x16xf32> to vector<16xf32>
        %parallel_loop3A_657 = vector.shape_cast %parallel_loop3A_651 : vector<16xf32> to vector<1x16xf32>
        tpu.vector_store %arg21[%parallel_loop3A_653, %parallel_loop3A_654], %parallel_loop3A_657 {strides = array<i32>} : memref<8x1024xf32, #tpu.memory_space<vmem>>, vector<1x16xf32>,
        %parallel_loop3A_658 = arith.constant 7 : i32
        %parallel_loop3A_659 = arith.index_cast %parallel_loop3A_658 : i32 to index
        %parallel_loop3A_660 = arith.index_cast %parallel_loop3A_524 : i32 to index
        %parallel_loop3A_661 = tpu.vector_load %arg14[%parallel_loop3A_659, %parallel_loop3A_660] {strides = array<i32>} : memref<8x1024xf32, #tpu.memory_space<vmem>>, vector<1x16xf32>,
        %parallel_loop3A_662 = vector.shape_cast %parallel_loop3A_661 : vector<1x16xf32> to vector<16xf32>
        %parallel_loop3A_663 = arith.mulf %gather3A_277, %parallel_loop3A_662 : vector<16xf32>
        %parallel_loop3A_664 = arith.constant 7 : i32
        %parallel_loop3A_665 = arith.index_cast %parallel_loop3A_664 : i32 to index
        %parallel_loop3A_666 = arith.index_cast %parallel_loop3A_524 : i32 to index
        %parallel_loop3A_667 = tpu.vector_load %arg15[%parallel_loop3A_665, %parallel_loop3A_666] {strides = array<i32>} : memref<8x1024xf32, #tpu.memory_space<vmem>>, vector<1x16xf32>,
        %parallel_loop3A_668 = vector.shape_cast %parallel_loop3A_667 : vector<1x16xf32> to vector<16xf32>
        %parallel_loop3A_669 = arith.mulf %gather3A_281, %parallel_loop3A_668 : vector<16xf32>
        %parallel_loop3A_670 = arith.addf %parallel_loop3A_663, %parallel_loop3A_669 : vector<16xf32>
        %parallel_loop3A_671 = arith.constant 7 : i32
        %parallel_loop3A_672 = arith.index_cast %parallel_loop3A_671 : i32 to index
        %parallel_loop3A_673 = arith.index_cast %parallel_loop3A_524 : i32 to index
        %parallel_loop3A_674 = tpu.vector_load %arg21[%parallel_loop3A_672, %parallel_loop3A_673] {strides = array<i32>} : memref<8x1024xf32, #tpu.memory_space<vmem>>, vector<1x16xf32>,
        %parallel_loop3A_675 = vector.shape_cast %parallel_loop3A_674 : vector<1x16xf32> to vector<16xf32>
        %parallel_loop3A_676 = vector.shape_cast %parallel_loop3A_670 : vector<16xf32> to vector<1x16xf32>
        tpu.vector_store %arg21[%parallel_loop3A_672, %parallel_loop3A_673], %parallel_loop3A_676 {strides = array<i32>} : memref<8x1024xf32, #tpu.memory_space<vmem>>, vector<1x16xf32>,
      } {sc.loop_unroll_factor = 2 : i64, sc.parallel_access}
      %add3A_285 = arith.constant 1 : i32
      %add3A_286 = arith.addi %scan3A_79, %add3A_285 : i32
      %lt3A_287 = arith.constant 4 : i32
      %lt3A_288 = arith.cmpi slt, %add3A_286, %lt3A_287 : i32
      %convert_element_type3A_289 = arith.extui %lt3A_288 : i1 to i32
      %cond3A_290 = arith.constant 0 : i32
      %cond3A_291 = arith.cmpi ne, %convert_element_type3A_289, %cond3A_290 : i32
      scf.if %cond3A_291 {
        %add3A_522 = arith.constant 1 : i32
        %add3A_523 = arith.addi %scan3A_79, %add3A_522 : i32
        %mul3A_524 = arith.constant 32 : i32
        %mul3A_525 = arith.muli %add3A_523, %mul3A_524 : i32
        %add3A_526 = arith.constant 8 : i32
        %add3A_527 = arith.addi %mul3A_525, %add3A_526 : i32
        %dma_start3A_528 = tpu.memref_slice %arg8[%add3A_527] : memref<128xi32, #tpu.memory_space<vmem>> -> memref<8xi32, #tpu.memory_space<vmem>>
        %dma_start3A_529 = arith.constant 0 : i32
        %dma_start3A_530 = arith.constant 0 : i32
        %dma_start3A_531 = tpu.memref_slice %arg2[%dma_start3A_529, %dma_start3A_530] : memref<32768x1024xf32, #tpu.memory_space<hbm>> -> memref<32768x1024xf32, #tpu.memory_space<hbm>>
        tpu.enqueue_indirect_dma source(%dma_start3A_531 : memref<32768x1024xf32, #tpu.memory_space<hbm>>) target(%arg14 : memref<8x1024xf32, #tpu.memory_space<vmem>>) offsets(%dma_start3A_528 : memref<8xi32, #tpu.memory_space<vmem>>) semaphore(%arg26 : memref<!tpu.dma_semaphore, #tpu.memory_space<semaphore_mem>>)
        %dma_start3A_532 = tpu.memref_slice %arg9[%add3A_527] : memref<128xi32, #tpu.memory_space<vmem>> -> memref<8xi32, #tpu.memory_space<vmem>>
        %dma_start3A_533 = arith.constant 0 : i32
        %dma_start3A_534 = arith.constant 0 : i32
        %dma_start3A_535 = tpu.memref_slice %arg2[%dma_start3A_533, %dma_start3A_534] : memref<32768x1024xf32, #tpu.memory_space<hbm>> -> memref<32768x1024xf32, #tpu.memory_space<hbm>>
        tpu.enqueue_indirect_dma source(%dma_start3A_535 : memref<32768x1024xf32, #tpu.memory_space<hbm>>) target(%arg15 : memref<8x1024xf32, #tpu.memory_space<vmem>>) offsets(%dma_start3A_532 : memref<8xi32, #tpu.memory_space<vmem>>) semaphore(%arg27 : memref<!tpu.dma_semaphore, #tpu.memory_space<semaphore_mem>>)
      } else {
      }
      %add3A_292 = arith.addi %mul3A_2, %add3A_188 : i32
      %dma_start3A_293 = arith.constant 0 : i32
      %dma_start3A_294 = tpu.memref_slice %arg7[%add3A_292, %dma_start3A_293] : memref<4096x1024xf32, #tpu.memory_space<hbm>> -> memref<8x1024xf32, #tpu.memory_space<hbm>>
      %dma_start3A_295 = arith.constant 0 : i32
      %dma_start3A_296 = tpu.memref_slice %arg7[%add3A_292, %dma_start3A_295] : memref<4096x1024xf32, #tpu.memory_space<hbm>> -> memref<8x1024xf32, #tpu.memory_space<hbm>>
      tpu.enqueue_dma source(%arg21 : memref<8x1024xf32, #tpu.memory_space<vmem>>) target(%dma_start3A_296 : memref<8x1024xf32, #tpu.memory_space<hbm>>) target_semaphore(%arg33 : memref<!tpu.dma_semaphore, #tpu.memory_space<semaphore_mem>>)
      %mul3A_297 = arith.constant 32 : i32
      %mul3A_298 = arith.muli %scan3A_79, %mul3A_297 : i32
      %add3A_299 = arith.constant 16 : i32
      %add3A_300 = arith.addi %mul3A_298, %add3A_299 : i32
      %gt3A_301 = arith.constant 0 : i32
      %gt3A_302 = arith.cmpi sgt, %scan3A_79, %gt3A_301 : i32
      %convert_element_type3A_303 = arith.extui %gt3A_302 : i1 to i32
      %cond3A_304 = arith.constant 0 : i32
      %cond3A_305 = arith.cmpi ne, %convert_element_type3A_303, %cond3A_304 : i32
      scf.if %cond3A_305 {
        %dma_wait3A_522 = arith.constant 0 : i32
        %dma_wait3A_523 = tpu.memref_slice %arg7[%mul3A_2, %dma_wait3A_522] : memref<4096x1024xf32, #tpu.memory_space<hbm>> -> memref<8x1024xf32, #tpu.memory_space<hbm>>
        %dma_wait3A_524 = arith.constant 0 : i32
        %dma_wait3A_525 = tpu.memref_slice %arg7[%mul3A_2, %dma_wait3A_524] : memref<4096x1024xf32, #tpu.memory_space<hbm>> -> memref<8x1024xf32, #tpu.memory_space<hbm>>
        tpu.wait_dma2 semaphore(%arg34 : memref<!tpu.dma_semaphore, #tpu.memory_space<semaphore_mem>>) src(%arg22 : memref<8x1024xf32, #tpu.memory_space<vmem>>) dst(%dma_wait3A_525 : memref<8x1024xf32, #tpu.memory_space<hbm>>)
      } else {
      }
      %dma_wait3A_306 = arith.constant 0 : i32
      %dma_wait3A_307 = tpu.memref_slice %arg8[%dma_wait3A_306] : memref<128xi32, #tpu.memory_space<vmem>> -> memref<8xi32, #tpu.memory_space<vmem>>
      %dma_wait3A_308 = arith.constant 0 : i32
      %dma_wait3A_309 = arith.constant 0 : i32
      %dma_wait3A_310 = tpu.memref_slice %arg2[%dma_wait3A_308, %dma_wait3A_309] : memref<32768x1024xf32, #tpu.memory_space<hbm>> -> memref<32768x1024xf32, #tpu.memory_space<hbm>>
      tpu.wait_indirect_dma semaphore(%arg28 : memref<!tpu.dma_semaphore, #tpu.memory_space<semaphore_mem>>) src(%dma_wait3A_310 : memref<32768x1024xf32, #tpu.memory_space<hbm>>) dst(%arg16 : memref<8x1024xf32, #tpu.memory_space<vmem>>)
      %dma_wait3A_311 = arith.constant 0 : i32
      %dma_wait3A_312 = tpu.memref_slice %arg9[%dma_wait3A_311] : memref<128xi32, #tpu.memory_space<vmem>> -> memref<8xi32, #tpu.memory_space<vmem>>
      %dma_wait3A_313 = arith.constant 0 : i32
      %dma_wait3A_314 = arith.constant 0 : i32
      %dma_wait3A_315 = tpu.memref_slice %arg2[%dma_wait3A_313, %dma_wait3A_314] : memref<32768x1024xf32, #tpu.memory_space<hbm>> -> memref<32768x1024xf32, #tpu.memory_space<hbm>>
      tpu.wait_indirect_dma semaphore(%arg29 : memref<!tpu.dma_semaphore, #tpu.memory_space<semaphore_mem>>) src(%dma_wait3A_315 : memref<32768x1024xf32, #tpu.memory_space<hbm>>) dst(%arg17 : memref<8x1024xf32, #tpu.memory_space<vmem>>)
      %mul3A_316 = arith.constant 32 : i32
      %mul3A_317 = arith.muli %scan3A_79, %mul3A_316 : i32
      %add3A_318 = arith.constant 16 : i32
      %add3A_319 = arith.addi %mul3A_317, %add3A_318 : i32
      %get3A_320 = arith.index_cast %add3A_319 : i32 to index
      %get3A_321 = tpu.vector_load %arg10[%get3A_320] {strides = array<i32>} : memref<128xf32, #tpu.memory_space<vmem>>, vector<16xf32>,
      %get3A_322 = vector.shape_cast %get3A_321 : vector<16xf32> to vector<16xf32>
      %mul3A_323 = arith.constant 32 : i32
      %mul3A_324 = arith.muli %scan3A_79, %mul3A_323 : i32
      %add3A_325 = arith.constant 16 : i32
      %add3A_326 = arith.addi %mul3A_324, %add3A_325 : i32
      %get3A_327 = arith.index_cast %add3A_326 : i32 to index
      %get3A_328 = tpu.vector_load %arg11[%get3A_327] {strides = array<i32>} : memref<128xf32, #tpu.memory_space<vmem>>, vector<16xf32>,
      %get3A_329 = vector.shape_cast %get3A_328 : vector<16xf32> to vector<16xf32>
      %broadcast_in_dim3A_330 = arith.constant 0 : i32
      %broadcast_in_dim3A_331 = vector.broadcast %broadcast_in_dim3A_330 : i32 to vector<16x1xi32>
      %gather3A_332 = vector.shape_cast %broadcast_in_dim3A_331 : vector<16x1xi32> to vector<16xi32>
      %gather3A_333 = tpu.dynamic_gather %get3A_322[%gather3A_332] in [0] : vector<16xf32>, vector<16xi32> -> vector<16xf32>
      %broadcast_in_dim3A_334 = arith.constant 0 : i32
      %broadcast_in_dim3A_335 = vector.broadcast %broadcast_in_dim3A_334 : i32 to vector<16x1xi32>
      %gather3A_336 = vector.shape_cast %broadcast_in_dim3A_335 : vector<16x1xi32> to vector<16xi32>
      %gather3A_337 = tpu.dynamic_gather %get3A_329[%gather3A_336] in [0] : vector<16xf32>, vector<16xi32> -> vector<16xf32>
      %broadcast_in_dim3A_338 = arith.constant 1 : i32
      %broadcast_in_dim3A_339 = vector.broadcast %broadcast_in_dim3A_338 : i32 to vector<16x1xi32>
      %gather3A_340 = vector.shape_cast %broadcast_in_dim3A_339 : vector<16x1xi32> to vector<16xi32>
      %gather3A_341 = tpu.dynamic_gather %get3A_322[%gather3A_340] in [0] : vector<16xf32>, vector<16xi32> -> vector<16xf32>
      %broadcast_in_dim3A_342 = arith.constant 1 : i32
      %broadcast_in_dim3A_343 = vector.broadcast %broadcast_in_dim3A_342 : i32 to vector<16x1xi32>
      %gather3A_344 = vector.shape_cast %broadcast_in_dim3A_343 : vector<16x1xi32> to vector<16xi32>
      %gather3A_345 = tpu.dynamic_gather %get3A_329[%gather3A_344] in [0] : vector<16xf32>, vector<16xi32> -> vector<16xf32>
      %broadcast_in_dim3A_346 = arith.constant 2 : i32
      %broadcast_in_dim3A_347 = vector.broadcast %broadcast_in_dim3A_346 : i32 to vector<16x1xi32>
      %gather3A_348 = vector.shape_cast %broadcast_in_dim3A_347 : vector<16x1xi32> to vector<16xi32>
      %gather3A_349 = tpu.dynamic_gather %get3A_322[%gather3A_348] in [0] : vector<16xf32>, vector<16xi32> -> vector<16xf32>
      %broadcast_in_dim3A_350 = arith.constant 2 : i32
      %broadcast_in_dim3A_351 = vector.broadcast %broadcast_in_dim3A_350 : i32 to vector<16x1xi32>
      %gather3A_352 = vector.shape_cast %broadcast_in_dim3A_351 : vector<16x1xi32> to vector<16xi32>
      %gather3A_353 = tpu.dynamic_gather %get3A_329[%gather3A_352] in [0] : vector<16xf32>, vector<16xi32> -> vector<16xf32>
      %broadcast_in_dim3A_354 = arith.constant 3 : i32
      %broadcast_in_dim3A_355 = vector.broadcast %broadcast_in_dim3A_354 : i32 to vector<16x1xi32>
      %gather3A_356 = vector.shape_cast %broadcast_in_dim3A_355 : vector<16x1xi32> to vector<16xi32>
      %gather3A_357 = tpu.dynamic_gather %get3A_322[%gather3A_356] in [0] : vector<16xf32>, vector<16xi32> -> vector<16xf32>
      %broadcast_in_dim3A_358 = arith.constant 3 : i32
      %broadcast_in_dim3A_359 = vector.broadcast %broadcast_in_dim3A_358 : i32 to vector<16x1xi32>
      %gather3A_360 = vector.shape_cast %broadcast_in_dim3A_359 : vector<16x1xi32> to vector<16xi32>
      %gather3A_361 = tpu.dynamic_gather %get3A_329[%gather3A_360] in [0] : vector<16xf32>, vector<16xi32> -> vector<16xf32>
      %broadcast_in_dim3A_362 = arith.constant 4 : i32
      %broadcast_in_dim3A_363 = vector.broadcast %broadcast_in_dim3A_362 : i32 to vector<16x1xi32>
      %gather3A_364 = vector.shape_cast %broadcast_in_dim3A_363 : vector<16x1xi32> to vector<16xi32>
      %gather3A_365 = tpu.dynamic_gather %get3A_322[%gather3A_364] in [0] : vector<16xf32>, vector<16xi32> -> vector<16xf32>
      %broadcast_in_dim3A_366 = arith.constant 4 : i32
      %broadcast_in_dim3A_367 = vector.broadcast %broadcast_in_dim3A_366 : i32 to vector<16x1xi32>
      %gather3A_368 = vector.shape_cast %broadcast_in_dim3A_367 : vector<16x1xi32> to vector<16xi32>
      %gather3A_369 = tpu.dynamic_gather %get3A_329[%gather3A_368] in [0] : vector<16xf32>, vector<16xi32> -> vector<16xf32>
      %broadcast_in_dim3A_370 = arith.constant 5 : i32
      %broadcast_in_dim3A_371 = vector.broadcast %broadcast_in_dim3A_370 : i32 to vector<16x1xi32>
      %gather3A_372 = vector.shape_cast %broadcast_in_dim3A_371 : vector<16x1xi32> to vector<16xi32>
      %gather3A_373 = tpu.dynamic_gather %get3A_322[%gather3A_372] in [0] : vector<16xf32>, vector<16xi32> -> vector<16xf32>
      %broadcast_in_dim3A_374 = arith.constant 5 : i32
      %broadcast_in_dim3A_375 = vector.broadcast %broadcast_in_dim3A_374 : i32 to vector<16x1xi32>
      %gather3A_376 = vector.shape_cast %broadcast_in_dim3A_375 : vector<16x1xi32> to vector<16xi32>
      %gather3A_377 = tpu.dynamic_gather %get3A_329[%gather3A_376] in [0] : vector<16xf32>, vector<16xi32> -> vector<16xf32>
      %broadcast_in_dim3A_378 = arith.constant 6 : i32
      %broadcast_in_dim3A_379 = vector.broadcast %broadcast_in_dim3A_378 : i32 to vector<16x1xi32>
      %gather3A_380 = vector.shape_cast %broadcast_in_dim3A_379 : vector<16x1xi32> to vector<16xi32>
      %gather3A_381 = tpu.dynamic_gather %get3A_322[%gather3A_380] in [0] : vector<16xf32>, vector<16xi32> -> vector<16xf32>
      %broadcast_in_dim3A_382 = arith.constant 6 : i32
      %broadcast_in_dim3A_383 = vector.broadcast %broadcast_in_dim3A_382 : i32 to vector<16x1xi32>
      %gather3A_384 = vector.shape_cast %broadcast_in_dim3A_383 : vector<16x1xi32> to vector<16xi32>
      %gather3A_385 = tpu.dynamic_gather %get3A_329[%gather3A_384] in [0] : vector<16xf32>, vector<16xi32> -> vector<16xf32>
      %broadcast_in_dim3A_386 = arith.constant 7 : i32
      %broadcast_in_dim3A_387 = vector.broadcast %broadcast_in_dim3A_386 : i32 to vector<16x1xi32>
      %gather3A_388 = vector.shape_cast %broadcast_in_dim3A_387 : vector<16x1xi32> to vector<16xi32>
      %gather3A_389 = tpu.dynamic_gather %get3A_322[%gather3A_388] in [0] : vector<16xf32>, vector<16xi32> -> vector<16xf32>
      %broadcast_in_dim3A_390 = arith.constant 7 : i32
      %broadcast_in_dim3A_391 = vector.broadcast %broadcast_in_dim3A_390 : i32 to vector<16x1xi32>
      %gather3A_392 = vector.shape_cast %broadcast_in_dim3A_391 : vector<16x1xi32> to vector<16xi32>
      %gather3A_393 = tpu.dynamic_gather %get3A_329[%gather3A_392] in [0] : vector<16xf32>, vector<16xi32> -> vector<16xf32>
      %parallel_loop3A_394 = arith.constant 0 : i32
      %parallel_loop3A_395 = arith.constant 64 : i32
      %parallel_loop3A_396 = arith.constant 1 : i32
      scf.for %parallel_loop3A_522 = %parallel_loop3A_394 to %parallel_loop3A_395 step %parallel_loop3A_396  : i32 {
        %parallel_loop3A_523 = arith.constant 16 : i32
        %parallel_loop3A_524 = arith.muli %parallel_loop3A_522, %parallel_loop3A_523 : i32
        %parallel_loop3A_525 = arith.constant 0 : i32
        %parallel_loop3A_526 = arith.index_cast %parallel_loop3A_525 : i32 to index
        %parallel_loop3A_527 = arith.index_cast %parallel_loop3A_524 : i32 to index
        %parallel_loop3A_528 = tpu.vector_load %arg16[%parallel_loop3A_526, %parallel_loop3A_527] {strides = array<i32>} : memref<8x1024xf32, #tpu.memory_space<vmem>>, vector<1x16xf32>,
        %parallel_loop3A_529 = vector.shape_cast %parallel_loop3A_528 : vector<1x16xf32> to vector<16xf32>
        %parallel_loop3A_530 = arith.mulf %gather3A_333, %parallel_loop3A_529 : vector<16xf32>
        %parallel_loop3A_531 = arith.constant 0 : i32
        %parallel_loop3A_532 = arith.index_cast %parallel_loop3A_531 : i32 to index
        %parallel_loop3A_533 = arith.index_cast %parallel_loop3A_524 : i32 to index
        %parallel_loop3A_534 = tpu.vector_load %arg17[%parallel_loop3A_532, %parallel_loop3A_533] {strides = array<i32>} : memref<8x1024xf32, #tpu.memory_space<vmem>>, vector<1x16xf32>,
        %parallel_loop3A_535 = vector.shape_cast %parallel_loop3A_534 : vector<1x16xf32> to vector<16xf32>
        %parallel_loop3A_536 = arith.mulf %gather3A_337, %parallel_loop3A_535 : vector<16xf32>
        %parallel_loop3A_537 = arith.addf %parallel_loop3A_530, %parallel_loop3A_536 : vector<16xf32>
        %parallel_loop3A_538 = arith.constant 0 : i32
        %parallel_loop3A_539 = arith.index_cast %parallel_loop3A_538 : i32 to index
        %parallel_loop3A_540 = arith.index_cast %parallel_loop3A_524 : i32 to index
        %parallel_loop3A_541 = tpu.vector_load %arg22[%parallel_loop3A_539, %parallel_loop3A_540] {strides = array<i32>} : memref<8x1024xf32, #tpu.memory_space<vmem>>, vector<1x16xf32>,
        %parallel_loop3A_542 = vector.shape_cast %parallel_loop3A_541 : vector<1x16xf32> to vector<16xf32>
        %parallel_loop3A_543 = vector.shape_cast %parallel_loop3A_537 : vector<16xf32> to vector<1x16xf32>
        tpu.vector_store %arg22[%parallel_loop3A_539, %parallel_loop3A_540], %parallel_loop3A_543 {strides = array<i32>} : memref<8x1024xf32, #tpu.memory_space<vmem>>, vector<1x16xf32>,
        %parallel_loop3A_544 = arith.constant 1 : i32
        %parallel_loop3A_545 = arith.index_cast %parallel_loop3A_544 : i32 to index
        %parallel_loop3A_546 = arith.index_cast %parallel_loop3A_524 : i32 to index
        %parallel_loop3A_547 = tpu.vector_load %arg16[%parallel_loop3A_545, %parallel_loop3A_546] {strides = array<i32>} : memref<8x1024xf32, #tpu.memory_space<vmem>>, vector<1x16xf32>,
        %parallel_loop3A_548 = vector.shape_cast %parallel_loop3A_547 : vector<1x16xf32> to vector<16xf32>
        %parallel_loop3A_549 = arith.mulf %gather3A_341, %parallel_loop3A_548 : vector<16xf32>
        %parallel_loop3A_550 = arith.constant 1 : i32
        %parallel_loop3A_551 = arith.index_cast %parallel_loop3A_550 : i32 to index
        %parallel_loop3A_552 = arith.index_cast %parallel_loop3A_524 : i32 to index
        %parallel_loop3A_553 = tpu.vector_load %arg17[%parallel_loop3A_551, %parallel_loop3A_552] {strides = array<i32>} : memref<8x1024xf32, #tpu.memory_space<vmem>>, vector<1x16xf32>,
        %parallel_loop3A_554 = vector.shape_cast %parallel_loop3A_553 : vector<1x16xf32> to vector<16xf32>
        %parallel_loop3A_555 = arith.mulf %gather3A_345, %parallel_loop3A_554 : vector<16xf32>
        %parallel_loop3A_556 = arith.addf %parallel_loop3A_549, %parallel_loop3A_555 : vector<16xf32>
        %parallel_loop3A_557 = arith.constant 1 : i32
        %parallel_loop3A_558 = arith.index_cast %parallel_loop3A_557 : i32 to index
        %parallel_loop3A_559 = arith.index_cast %parallel_loop3A_524 : i32 to index
        %parallel_loop3A_560 = tpu.vector_load %arg22[%parallel_loop3A_558, %parallel_loop3A_559] {strides = array<i32>} : memref<8x1024xf32, #tpu.memory_space<vmem>>, vector<1x16xf32>,
        %parallel_loop3A_561 = vector.shape_cast %parallel_loop3A_560 : vector<1x16xf32> to vector<16xf32>
        %parallel_loop3A_562 = vector.shape_cast %parallel_loop3A_556 : vector<16xf32> to vector<1x16xf32>
        tpu.vector_store %arg22[%parallel_loop3A_558, %parallel_loop3A_559], %parallel_loop3A_562 {strides = array<i32>} : memref<8x1024xf32, #tpu.memory_space<vmem>>, vector<1x16xf32>,
        %parallel_loop3A_563 = arith.constant 2 : i32
        %parallel_loop3A_564 = arith.index_cast %parallel_loop3A_563 : i32 to index
        %parallel_loop3A_565 = arith.index_cast %parallel_loop3A_524 : i32 to index
        %parallel_loop3A_566 = tpu.vector_load %arg16[%parallel_loop3A_564, %parallel_loop3A_565] {strides = array<i32>} : memref<8x1024xf32, #tpu.memory_space<vmem>>, vector<1x16xf32>,
        %parallel_loop3A_567 = vector.shape_cast %parallel_loop3A_566 : vector<1x16xf32> to vector<16xf32>
        %parallel_loop3A_568 = arith.mulf %gather3A_349, %parallel_loop3A_567 : vector<16xf32>
        %parallel_loop3A_569 = arith.constant 2 : i32
        %parallel_loop3A_570 = arith.index_cast %parallel_loop3A_569 : i32 to index
        %parallel_loop3A_571 = arith.index_cast %parallel_loop3A_524 : i32 to index
        %parallel_loop3A_572 = tpu.vector_load %arg17[%parallel_loop3A_570, %parallel_loop3A_571] {strides = array<i32>} : memref<8x1024xf32, #tpu.memory_space<vmem>>, vector<1x16xf32>,
        %parallel_loop3A_573 = vector.shape_cast %parallel_loop3A_572 : vector<1x16xf32> to vector<16xf32>
        %parallel_loop3A_574 = arith.mulf %gather3A_353, %parallel_loop3A_573 : vector<16xf32>
        %parallel_loop3A_575 = arith.addf %parallel_loop3A_568, %parallel_loop3A_574 : vector<16xf32>
        %parallel_loop3A_576 = arith.constant 2 : i32
        %parallel_loop3A_577 = arith.index_cast %parallel_loop3A_576 : i32 to index
        %parallel_loop3A_578 = arith.index_cast %parallel_loop3A_524 : i32 to index
        %parallel_loop3A_579 = tpu.vector_load %arg22[%parallel_loop3A_577, %parallel_loop3A_578] {strides = array<i32>} : memref<8x1024xf32, #tpu.memory_space<vmem>>, vector<1x16xf32>,
        %parallel_loop3A_580 = vector.shape_cast %parallel_loop3A_579 : vector<1x16xf32> to vector<16xf32>
        %parallel_loop3A_581 = vector.shape_cast %parallel_loop3A_575 : vector<16xf32> to vector<1x16xf32>
        tpu.vector_store %arg22[%parallel_loop3A_577, %parallel_loop3A_578], %parallel_loop3A_581 {strides = array<i32>} : memref<8x1024xf32, #tpu.memory_space<vmem>>, vector<1x16xf32>,
        %parallel_loop3A_582 = arith.constant 3 : i32
        %parallel_loop3A_583 = arith.index_cast %parallel_loop3A_582 : i32 to index
        %parallel_loop3A_584 = arith.index_cast %parallel_loop3A_524 : i32 to index
        %parallel_loop3A_585 = tpu.vector_load %arg16[%parallel_loop3A_583, %parallel_loop3A_584] {strides = array<i32>} : memref<8x1024xf32, #tpu.memory_space<vmem>>, vector<1x16xf32>,
        %parallel_loop3A_586 = vector.shape_cast %parallel_loop3A_585 : vector<1x16xf32> to vector<16xf32>
        %parallel_loop3A_587 = arith.mulf %gather3A_357, %parallel_loop3A_586 : vector<16xf32>
        %parallel_loop3A_588 = arith.constant 3 : i32
        %parallel_loop3A_589 = arith.index_cast %parallel_loop3A_588 : i32 to index
        %parallel_loop3A_590 = arith.index_cast %parallel_loop3A_524 : i32 to index
        %parallel_loop3A_591 = tpu.vector_load %arg17[%parallel_loop3A_589, %parallel_loop3A_590] {strides = array<i32>} : memref<8x1024xf32, #tpu.memory_space<vmem>>, vector<1x16xf32>,
        %parallel_loop3A_592 = vector.shape_cast %parallel_loop3A_591 : vector<1x16xf32> to vector<16xf32>
        %parallel_loop3A_593 = arith.mulf %gather3A_361, %parallel_loop3A_592 : vector<16xf32>
        %parallel_loop3A_594 = arith.addf %parallel_loop3A_587, %parallel_loop3A_593 : vector<16xf32>
        %parallel_loop3A_595 = arith.constant 3 : i32
        %parallel_loop3A_596 = arith.index_cast %parallel_loop3A_595 : i32 to index
        %parallel_loop3A_597 = arith.index_cast %parallel_loop3A_524 : i32 to index
        %parallel_loop3A_598 = tpu.vector_load %arg22[%parallel_loop3A_596, %parallel_loop3A_597] {strides = array<i32>} : memref<8x1024xf32, #tpu.memory_space<vmem>>, vector<1x16xf32>,
        %parallel_loop3A_599 = vector.shape_cast %parallel_loop3A_598 : vector<1x16xf32> to vector<16xf32>
        %parallel_loop3A_600 = vector.shape_cast %parallel_loop3A_594 : vector<16xf32> to vector<1x16xf32>
        tpu.vector_store %arg22[%parallel_loop3A_596, %parallel_loop3A_597], %parallel_loop3A_600 {strides = array<i32>} : memref<8x1024xf32, #tpu.memory_space<vmem>>, vector<1x16xf32>,
        %parallel_loop3A_601 = arith.constant 4 : i32
        %parallel_loop3A_602 = arith.index_cast %parallel_loop3A_601 : i32 to index
        %parallel_loop3A_603 = arith.index_cast %parallel_loop3A_524 : i32 to index
        %parallel_loop3A_604 = tpu.vector_load %arg16[%parallel_loop3A_602, %parallel_loop3A_603] {strides = array<i32>} : memref<8x1024xf32, #tpu.memory_space<vmem>>, vector<1x16xf32>,
        %parallel_loop3A_605 = vector.shape_cast %parallel_loop3A_604 : vector<1x16xf32> to vector<16xf32>
        %parallel_loop3A_606 = arith.mulf %gather3A_365, %parallel_loop3A_605 : vector<16xf32>
        %parallel_loop3A_607 = arith.constant 4 : i32
        %parallel_loop3A_608 = arith.index_cast %parallel_loop3A_607 : i32 to index
        %parallel_loop3A_609 = arith.index_cast %parallel_loop3A_524 : i32 to index
        %parallel_loop3A_610 = tpu.vector_load %arg17[%parallel_loop3A_608, %parallel_loop3A_609] {strides = array<i32>} : memref<8x1024xf32, #tpu.memory_space<vmem>>, vector<1x16xf32>,
        %parallel_loop3A_611 = vector.shape_cast %parallel_loop3A_610 : vector<1x16xf32> to vector<16xf32>
        %parallel_loop3A_612 = arith.mulf %gather3A_369, %parallel_loop3A_611 : vector<16xf32>
        %parallel_loop3A_613 = arith.addf %parallel_loop3A_606, %parallel_loop3A_612 : vector<16xf32>
        %parallel_loop3A_614 = arith.constant 4 : i32
        %parallel_loop3A_615 = arith.index_cast %parallel_loop3A_614 : i32 to index
        %parallel_loop3A_616 = arith.index_cast %parallel_loop3A_524 : i32 to index
        %parallel_loop3A_617 = tpu.vector_load %arg22[%parallel_loop3A_615, %parallel_loop3A_616] {strides = array<i32>} : memref<8x1024xf32, #tpu.memory_space<vmem>>, vector<1x16xf32>,
        %parallel_loop3A_618 = vector.shape_cast %parallel_loop3A_617 : vector<1x16xf32> to vector<16xf32>
        %parallel_loop3A_619 = vector.shape_cast %parallel_loop3A_613 : vector<16xf32> to vector<1x16xf32>
        tpu.vector_store %arg22[%parallel_loop3A_615, %parallel_loop3A_616], %parallel_loop3A_619 {strides = array<i32>} : memref<8x1024xf32, #tpu.memory_space<vmem>>, vector<1x16xf32>,
        %parallel_loop3A_620 = arith.constant 5 : i32
        %parallel_loop3A_621 = arith.index_cast %parallel_loop3A_620 : i32 to index
        %parallel_loop3A_622 = arith.index_cast %parallel_loop3A_524 : i32 to index
        %parallel_loop3A_623 = tpu.vector_load %arg16[%parallel_loop3A_621, %parallel_loop3A_622] {strides = array<i32>} : memref<8x1024xf32, #tpu.memory_space<vmem>>, vector<1x16xf32>,
        %parallel_loop3A_624 = vector.shape_cast %parallel_loop3A_623 : vector<1x16xf32> to vector<16xf32>
        %parallel_loop3A_625 = arith.mulf %gather3A_373, %parallel_loop3A_624 : vector<16xf32>
        %parallel_loop3A_626 = arith.constant 5 : i32
        %parallel_loop3A_627 = arith.index_cast %parallel_loop3A_626 : i32 to index
        %parallel_loop3A_628 = arith.index_cast %parallel_loop3A_524 : i32 to index
        %parallel_loop3A_629 = tpu.vector_load %arg17[%parallel_loop3A_627, %parallel_loop3A_628] {strides = array<i32>} : memref<8x1024xf32, #tpu.memory_space<vmem>>, vector<1x16xf32>,
        %parallel_loop3A_630 = vector.shape_cast %parallel_loop3A_629 : vector<1x16xf32> to vector<16xf32>
        %parallel_loop3A_631 = arith.mulf %gather3A_377, %parallel_loop3A_630 : vector<16xf32>
        %parallel_loop3A_632 = arith.addf %parallel_loop3A_625, %parallel_loop3A_631 : vector<16xf32>
        %parallel_loop3A_633 = arith.constant 5 : i32
        %parallel_loop3A_634 = arith.index_cast %parallel_loop3A_633 : i32 to index
        %parallel_loop3A_635 = arith.index_cast %parallel_loop3A_524 : i32 to index
        %parallel_loop3A_636 = tpu.vector_load %arg22[%parallel_loop3A_634, %parallel_loop3A_635] {strides = array<i32>} : memref<8x1024xf32, #tpu.memory_space<vmem>>, vector<1x16xf32>,
        %parallel_loop3A_637 = vector.shape_cast %parallel_loop3A_636 : vector<1x16xf32> to vector<16xf32>
        %parallel_loop3A_638 = vector.shape_cast %parallel_loop3A_632 : vector<16xf32> to vector<1x16xf32>
        tpu.vector_store %arg22[%parallel_loop3A_634, %parallel_loop3A_635], %parallel_loop3A_638 {strides = array<i32>} : memref<8x1024xf32, #tpu.memory_space<vmem>>, vector<1x16xf32>,
        %parallel_loop3A_639 = arith.constant 6 : i32
        %parallel_loop3A_640 = arith.index_cast %parallel_loop3A_639 : i32 to index
        %parallel_loop3A_641 = arith.index_cast %parallel_loop3A_524 : i32 to index
        %parallel_loop3A_642 = tpu.vector_load %arg16[%parallel_loop3A_640, %parallel_loop3A_641] {strides = array<i32>} : memref<8x1024xf32, #tpu.memory_space<vmem>>, vector<1x16xf32>,
        %parallel_loop3A_643 = vector.shape_cast %parallel_loop3A_642 : vector<1x16xf32> to vector<16xf32>
        %parallel_loop3A_644 = arith.mulf %gather3A_381, %parallel_loop3A_643 : vector<16xf32>
        %parallel_loop3A_645 = arith.constant 6 : i32
        %parallel_loop3A_646 = arith.index_cast %parallel_loop3A_645 : i32 to index
        %parallel_loop3A_647 = arith.index_cast %parallel_loop3A_524 : i32 to index
        %parallel_loop3A_648 = tpu.vector_load %arg17[%parallel_loop3A_646, %parallel_loop3A_647] {strides = array<i32>} : memref<8x1024xf32, #tpu.memory_space<vmem>>, vector<1x16xf32>,
        %parallel_loop3A_649 = vector.shape_cast %parallel_loop3A_648 : vector<1x16xf32> to vector<16xf32>
        %parallel_loop3A_650 = arith.mulf %gather3A_385, %parallel_loop3A_649 : vector<16xf32>
        %parallel_loop3A_651 = arith.addf %parallel_loop3A_644, %parallel_loop3A_650 : vector<16xf32>
        %parallel_loop3A_652 = arith.constant 6 : i32
        %parallel_loop3A_653 = arith.index_cast %parallel_loop3A_652 : i32 to index
        %parallel_loop3A_654 = arith.index_cast %parallel_loop3A_524 : i32 to index
        %parallel_loop3A_655 = tpu.vector_load %arg22[%parallel_loop3A_653, %parallel_loop3A_654] {strides = array<i32>} : memref<8x1024xf32, #tpu.memory_space<vmem>>, vector<1x16xf32>,
        %parallel_loop3A_656 = vector.shape_cast %parallel_loop3A_655 : vector<1x16xf32> to vector<16xf32>
        %parallel_loop3A_657 = vector.shape_cast %parallel_loop3A_651 : vector<16xf32> to vector<1x16xf32>
        tpu.vector_store %arg22[%parallel_loop3A_653, %parallel_loop3A_654], %parallel_loop3A_657 {strides = array<i32>} : memref<8x1024xf32, #tpu.memory_space<vmem>>, vector<1x16xf32>,
        %parallel_loop3A_658 = arith.constant 7 : i32
        %parallel_loop3A_659 = arith.index_cast %parallel_loop3A_658 : i32 to index
        %parallel_loop3A_660 = arith.index_cast %parallel_loop3A_524 : i32 to index
        %parallel_loop3A_661 = tpu.vector_load %arg16[%parallel_loop3A_659, %parallel_loop3A_660] {strides = array<i32>} : memref<8x1024xf32, #tpu.memory_space<vmem>>, vector<1x16xf32>,
        %parallel_loop3A_662 = vector.shape_cast %parallel_loop3A_661 : vector<1x16xf32> to vector<16xf32>
        %parallel_loop3A_663 = arith.mulf %gather3A_389, %parallel_loop3A_662 : vector<16xf32>
        %parallel_loop3A_664 = arith.constant 7 : i32
        %parallel_loop3A_665 = arith.index_cast %parallel_loop3A_664 : i32 to index
        %parallel_loop3A_666 = arith.index_cast %parallel_loop3A_524 : i32 to index
        %parallel_loop3A_667 = tpu.vector_load %arg17[%parallel_loop3A_665, %parallel_loop3A_666] {strides = array<i32>} : memref<8x1024xf32, #tpu.memory_space<vmem>>, vector<1x16xf32>,
        %parallel_loop3A_668 = vector.shape_cast %parallel_loop3A_667 : vector<1x16xf32> to vector<16xf32>
        %parallel_loop3A_669 = arith.mulf %gather3A_393, %parallel_loop3A_668 : vector<16xf32>
        %parallel_loop3A_670 = arith.addf %parallel_loop3A_663, %parallel_loop3A_669 : vector<16xf32>
        %parallel_loop3A_671 = arith.constant 7 : i32
        %parallel_loop3A_672 = arith.index_cast %parallel_loop3A_671 : i32 to index
        %parallel_loop3A_673 = arith.index_cast %parallel_loop3A_524 : i32 to index
        %parallel_loop3A_674 = tpu.vector_load %arg22[%parallel_loop3A_672, %parallel_loop3A_673] {strides = array<i32>} : memref<8x1024xf32, #tpu.memory_space<vmem>>, vector<1x16xf32>,
        %parallel_loop3A_675 = vector.shape_cast %parallel_loop3A_674 : vector<1x16xf32> to vector<16xf32>
        %parallel_loop3A_676 = vector.shape_cast %parallel_loop3A_670 : vector<16xf32> to vector<1x16xf32>
        tpu.vector_store %arg22[%parallel_loop3A_672, %parallel_loop3A_673], %parallel_loop3A_676 {strides = array<i32>} : memref<8x1024xf32, #tpu.memory_space<vmem>>, vector<1x16xf32>,
      } {sc.loop_unroll_factor = 2 : i64, sc.parallel_access}
      %add3A_397 = arith.constant 1 : i32
      %add3A_398 = arith.addi %scan3A_79, %add3A_397 : i32
      %lt3A_399 = arith.constant 4 : i32
      %lt3A_400 = arith.cmpi slt, %add3A_398, %lt3A_399 : i32
      %convert_element_type3A_401 = arith.extui %lt3A_400 : i1 to i32
      %cond3A_402 = arith.constant 0 : i32
      %cond3A_403 = arith.cmpi ne, %convert_element_type3A_401, %cond3A_402 : i32
      scf.if %cond3A_403 {
        %add3A_522 = arith.constant 1 : i32
        %add3A_523 = arith.addi %scan3A_79, %add3A_522 : i32
        %mul3A_524 = arith.constant 32 : i32
        %mul3A_525 = arith.muli %add3A_523, %mul3A_524 : i32
        %add3A_526 = arith.constant 16 : i32
        %add3A_527 = arith.addi %mul3A_525, %add3A_526 : i32
        %dma_start3A_528 = tpu.memref_slice %arg8[%add3A_527] : memref<128xi32, #tpu.memory_space<vmem>> -> memref<8xi32, #tpu.memory_space<vmem>>
        %dma_start3A_529 = arith.constant 0 : i32
        %dma_start3A_530 = arith.constant 0 : i32
        %dma_start3A_531 = tpu.memref_slice %arg2[%dma_start3A_529, %dma_start3A_530] : memref<32768x1024xf32, #tpu.memory_space<hbm>> -> memref<32768x1024xf32, #tpu.memory_space<hbm>>
        tpu.enqueue_indirect_dma source(%dma_start3A_531 : memref<32768x1024xf32, #tpu.memory_space<hbm>>) target(%arg16 : memref<8x1024xf32, #tpu.memory_space<vmem>>) offsets(%dma_start3A_528 : memref<8xi32, #tpu.memory_space<vmem>>) semaphore(%arg28 : memref<!tpu.dma_semaphore, #tpu.memory_space<semaphore_mem>>)
        %dma_start3A_532 = tpu.memref_slice %arg9[%add3A_527] : memref<128xi32, #tpu.memory_space<vmem>> -> memref<8xi32, #tpu.memory_space<vmem>>
        %dma_start3A_533 = arith.constant 0 : i32
        %dma_start3A_534 = arith.constant 0 : i32
        %dma_start3A_535 = tpu.memref_slice %arg2[%dma_start3A_533, %dma_start3A_534] : memref<32768x1024xf32, #tpu.memory_space<hbm>> -> memref<32768x1024xf32, #tpu.memory_space<hbm>>
        tpu.enqueue_indirect_dma source(%dma_start3A_535 : memref<32768x1024xf32, #tpu.memory_space<hbm>>) target(%arg17 : memref<8x1024xf32, #tpu.memory_space<vmem>>) offsets(%dma_start3A_532 : memref<8xi32, #tpu.memory_space<vmem>>) semaphore(%arg29 : memref<!tpu.dma_semaphore, #tpu.memory_space<semaphore_mem>>)
      } else {
      }
      %add3A_404 = arith.addi %mul3A_2, %add3A_300 : i32
      %dma_start3A_405 = arith.constant 0 : i32
      %dma_start3A_406 = tpu.memref_slice %arg7[%add3A_404, %dma_start3A_405] : memref<4096x1024xf32, #tpu.memory_space<hbm>> -> memref<8x1024xf32, #tpu.memory_space<hbm>>
      %dma_start3A_407 = arith.constant 0 : i32
      %dma_start3A_408 = tpu.memref_slice %arg7[%add3A_404, %dma_start3A_407] : memref<4096x1024xf32, #tpu.memory_space<hbm>> -> memref<8x1024xf32, #tpu.memory_space<hbm>>
      tpu.enqueue_dma source(%arg22 : memref<8x1024xf32, #tpu.memory_space<vmem>>) target(%dma_start3A_408 : memref<8x1024xf32, #tpu.memory_space<hbm>>) target_semaphore(%arg34 : memref<!tpu.dma_semaphore, #tpu.memory_space<semaphore_mem>>)
      %mul3A_409 = arith.constant 32 : i32
      %mul3A_410 = arith.muli %scan3A_79, %mul3A_409 : i32
      %add3A_411 = arith.constant 24 : i32
      %add3A_412 = arith.addi %mul3A_410, %add3A_411 : i32
      %gt3A_413 = arith.constant 0 : i32
      %gt3A_414 = arith.cmpi sgt, %scan3A_79, %gt3A_413 : i32
      %convert_element_type3A_415 = arith.extui %gt3A_414 : i1 to i32
      %cond3A_416 = arith.constant 0 : i32
      %cond3A_417 = arith.cmpi ne, %convert_element_type3A_415, %cond3A_416 : i32
      scf.if %cond3A_417 {
        %dma_wait3A_522 = arith.constant 0 : i32
        %dma_wait3A_523 = tpu.memref_slice %arg7[%mul3A_2, %dma_wait3A_522] : memref<4096x1024xf32, #tpu.memory_space<hbm>> -> memref<8x1024xf32, #tpu.memory_space<hbm>>
        %dma_wait3A_524 = arith.constant 0 : i32
        %dma_wait3A_525 = tpu.memref_slice %arg7[%mul3A_2, %dma_wait3A_524] : memref<4096x1024xf32, #tpu.memory_space<hbm>> -> memref<8x1024xf32, #tpu.memory_space<hbm>>
        tpu.wait_dma2 semaphore(%arg35 : memref<!tpu.dma_semaphore, #tpu.memory_space<semaphore_mem>>) src(%arg23 : memref<8x1024xf32, #tpu.memory_space<vmem>>) dst(%dma_wait3A_525 : memref<8x1024xf32, #tpu.memory_space<hbm>>)
      } else {
      }
      %dma_wait3A_418 = arith.constant 0 : i32
      %dma_wait3A_419 = tpu.memref_slice %arg8[%dma_wait3A_418] : memref<128xi32, #tpu.memory_space<vmem>> -> memref<8xi32, #tpu.memory_space<vmem>>
      %dma_wait3A_420 = arith.constant 0 : i32
      %dma_wait3A_421 = arith.constant 0 : i32
      %dma_wait3A_422 = tpu.memref_slice %arg2[%dma_wait3A_420, %dma_wait3A_421] : memref<32768x1024xf32, #tpu.memory_space<hbm>> -> memref<32768x1024xf32, #tpu.memory_space<hbm>>
      tpu.wait_indirect_dma semaphore(%arg30 : memref<!tpu.dma_semaphore, #tpu.memory_space<semaphore_mem>>) src(%dma_wait3A_422 : memref<32768x1024xf32, #tpu.memory_space<hbm>>) dst(%arg18 : memref<8x1024xf32, #tpu.memory_space<vmem>>)
      %dma_wait3A_423 = arith.constant 0 : i32
      %dma_wait3A_424 = tpu.memref_slice %arg9[%dma_wait3A_423] : memref<128xi32, #tpu.memory_space<vmem>> -> memref<8xi32, #tpu.memory_space<vmem>>
      %dma_wait3A_425 = arith.constant 0 : i32
      %dma_wait3A_426 = arith.constant 0 : i32
      %dma_wait3A_427 = tpu.memref_slice %arg2[%dma_wait3A_425, %dma_wait3A_426] : memref<32768x1024xf32, #tpu.memory_space<hbm>> -> memref<32768x1024xf32, #tpu.memory_space<hbm>>
      tpu.wait_indirect_dma semaphore(%arg31 : memref<!tpu.dma_semaphore, #tpu.memory_space<semaphore_mem>>) src(%dma_wait3A_427 : memref<32768x1024xf32, #tpu.memory_space<hbm>>) dst(%arg19 : memref<8x1024xf32, #tpu.memory_space<vmem>>)
      %mul3A_428 = arith.constant 32 : i32
      %mul3A_429 = arith.muli %scan3A_79, %mul3A_428 : i32
      %add3A_430 = arith.constant 16 : i32
      %add3A_431 = arith.addi %mul3A_429, %add3A_430 : i32
      %get3A_432 = arith.index_cast %add3A_431 : i32 to index
      %get3A_433 = tpu.vector_load %arg10[%get3A_432] {strides = array<i32>} : memref<128xf32, #tpu.memory_space<vmem>>, vector<16xf32>,
      %get3A_434 = vector.shape_cast %get3A_433 : vector<16xf32> to vector<16xf32>
      %mul3A_435 = arith.constant 32 : i32
      %mul3A_436 = arith.muli %scan3A_79, %mul3A_435 : i32
      %add3A_437 = arith.constant 16 : i32
      %add3A_438 = arith.addi %mul3A_436, %add3A_437 : i32
      %get3A_439 = arith.index_cast %add3A_438 : i32 to index
      %get3A_440 = tpu.vector_load %arg11[%get3A_439] {strides = array<i32>} : memref<128xf32, #tpu.memory_space<vmem>>, vector<16xf32>,
      %get3A_441 = vector.shape_cast %get3A_440 : vector<16xf32> to vector<16xf32>
      %broadcast_in_dim3A_442 = arith.constant 8 : i32
      %broadcast_in_dim3A_443 = vector.broadcast %broadcast_in_dim3A_442 : i32 to vector<16x1xi32>
      %gather3A_444 = vector.shape_cast %broadcast_in_dim3A_443 : vector<16x1xi32> to vector<16xi32>
      %gather3A_445 = tpu.dynamic_gather %get3A_434[%gather3A_444] in [0] : vector<16xf32>, vector<16xi32> -> vector<16xf32>
      %broadcast_in_dim3A_446 = arith.constant 8 : i32
      %broadcast_in_dim3A_447 = vector.broadcast %broadcast_in_dim3A_446 : i32 to vector<16x1xi32>
      %gather3A_448 = vector.shape_cast %broadcast_in_dim3A_447 : vector<16x1xi32> to vector<16xi32>
      %gather3A_449 = tpu.dynamic_gather %get3A_441[%gather3A_448] in [0] : vector<16xf32>, vector<16xi32> -> vector<16xf32>
      %broadcast_in_dim3A_450 = arith.constant 9 : i32
      %broadcast_in_dim3A_451 = vector.broadcast %broadcast_in_dim3A_450 : i32 to vector<16x1xi32>
      %gather3A_452 = vector.shape_cast %broadcast_in_dim3A_451 : vector<16x1xi32> to vector<16xi32>
      %gather3A_453 = tpu.dynamic_gather %get3A_434[%gather3A_452] in [0] : vector<16xf32>, vector<16xi32> -> vector<16xf32>
      %broadcast_in_dim3A_454 = arith.constant 9 : i32
      %broadcast_in_dim3A_455 = vector.broadcast %broadcast_in_dim3A_454 : i32 to vector<16x1xi32>
      %gather3A_456 = vector.shape_cast %broadcast_in_dim3A_455 : vector<16x1xi32> to vector<16xi32>
      %gather3A_457 = tpu.dynamic_gather %get3A_441[%gather3A_456] in [0] : vector<16xf32>, vector<16xi32> -> vector<16xf32>
      %broadcast_in_dim3A_458 = arith.constant 10 : i32
      %broadcast_in_dim3A_459 = vector.broadcast %broadcast_in_dim3A_458 : i32 to vector<16x1xi32>
      %gather3A_460 = vector.shape_cast %broadcast_in_dim3A_459 : vector<16x1xi32> to vector<16xi32>
      %gather3A_461 = tpu.dynamic_gather %get3A_434[%gather3A_460] in [0] : vector<16xf32>, vector<16xi32> -> vector<16xf32>
      %broadcast_in_dim3A_462 = arith.constant 10 : i32
      %broadcast_in_dim3A_463 = vector.broadcast %broadcast_in_dim3A_462 : i32 to vector<16x1xi32>
      %gather3A_464 = vector.shape_cast %broadcast_in_dim3A_463 : vector<16x1xi32> to vector<16xi32>
      %gather3A_465 = tpu.dynamic_gather %get3A_441[%gather3A_464] in [0] : vector<16xf32>, vector<16xi32> -> vector<16xf32>
      %broadcast_in_dim3A_466 = arith.constant 11 : i32
      %broadcast_in_dim3A_467 = vector.broadcast %broadcast_in_dim3A_466 : i32 to vector<16x1xi32>
      %gather3A_468 = vector.shape_cast %broadcast_in_dim3A_467 : vector<16x1xi32> to vector<16xi32>
      %gather3A_469 = tpu.dynamic_gather %get3A_434[%gather3A_468] in [0] : vector<16xf32>, vector<16xi32> -> vector<16xf32>
      %broadcast_in_dim3A_470 = arith.constant 11 : i32
      %broadcast_in_dim3A_471 = vector.broadcast %broadcast_in_dim3A_470 : i32 to vector<16x1xi32>
      %gather3A_472 = vector.shape_cast %broadcast_in_dim3A_471 : vector<16x1xi32> to vector<16xi32>
      %gather3A_473 = tpu.dynamic_gather %get3A_441[%gather3A_472] in [0] : vector<16xf32>, vector<16xi32> -> vector<16xf32>
      %broadcast_in_dim3A_474 = arith.constant 12 : i32
      %broadcast_in_dim3A_475 = vector.broadcast %broadcast_in_dim3A_474 : i32 to vector<16x1xi32>
      %gather3A_476 = vector.shape_cast %broadcast_in_dim3A_475 : vector<16x1xi32> to vector<16xi32>
      %gather3A_477 = tpu.dynamic_gather %get3A_434[%gather3A_476] in [0] : vector<16xf32>, vector<16xi32> -> vector<16xf32>
      %broadcast_in_dim3A_478 = arith.constant 12 : i32
      %broadcast_in_dim3A_479 = vector.broadcast %broadcast_in_dim3A_478 : i32 to vector<16x1xi32>
      %gather3A_480 = vector.shape_cast %broadcast_in_dim3A_479 : vector<16x1xi32> to vector<16xi32>
      %gather3A_481 = tpu.dynamic_gather %get3A_441[%gather3A_480] in [0] : vector<16xf32>, vector<16xi32> -> vector<16xf32>
      %broadcast_in_dim3A_482 = arith.constant 13 : i32
      %broadcast_in_dim3A_483 = vector.broadcast %broadcast_in_dim3A_482 : i32 to vector<16x1xi32>
      %gather3A_484 = vector.shape_cast %broadcast_in_dim3A_483 : vector<16x1xi32> to vector<16xi32>
      %gather3A_485 = tpu.dynamic_gather %get3A_434[%gather3A_484] in [0] : vector<16xf32>, vector<16xi32> -> vector<16xf32>
      %broadcast_in_dim3A_486 = arith.constant 13 : i32
      %broadcast_in_dim3A_487 = vector.broadcast %broadcast_in_dim3A_486 : i32 to vector<16x1xi32>
      %gather3A_488 = vector.shape_cast %broadcast_in_dim3A_487 : vector<16x1xi32> to vector<16xi32>
      %gather3A_489 = tpu.dynamic_gather %get3A_441[%gather3A_488] in [0] : vector<16xf32>, vector<16xi32> -> vector<16xf32>
      %broadcast_in_dim3A_490 = arith.constant 14 : i32
      %broadcast_in_dim3A_491 = vector.broadcast %broadcast_in_dim3A_490 : i32 to vector<16x1xi32>
      %gather3A_492 = vector.shape_cast %broadcast_in_dim3A_491 : vector<16x1xi32> to vector<16xi32>
      %gather3A_493 = tpu.dynamic_gather %get3A_434[%gather3A_492] in [0] : vector<16xf32>, vector<16xi32> -> vector<16xf32>
      %broadcast_in_dim3A_494 = arith.constant 14 : i32
      %broadcast_in_dim3A_495 = vector.broadcast %broadcast_in_dim3A_494 : i32 to vector<16x1xi32>
      %gather3A_496 = vector.shape_cast %broadcast_in_dim3A_495 : vector<16x1xi32> to vector<16xi32>
      %gather3A_497 = tpu.dynamic_gather %get3A_441[%gather3A_496] in [0] : vector<16xf32>, vector<16xi32> -> vector<16xf32>
      %broadcast_in_dim3A_498 = arith.constant 15 : i32
      %broadcast_in_dim3A_499 = vector.broadcast %broadcast_in_dim3A_498 : i32 to vector<16x1xi32>
      %gather3A_500 = vector.shape_cast %broadcast_in_dim3A_499 : vector<16x1xi32> to vector<16xi32>
      %gather3A_501 = tpu.dynamic_gather %get3A_434[%gather3A_500] in [0] : vector<16xf32>, vector<16xi32> -> vector<16xf32>
      %broadcast_in_dim3A_502 = arith.constant 15 : i32
      %broadcast_in_dim3A_503 = vector.broadcast %broadcast_in_dim3A_502 : i32 to vector<16x1xi32>
      %gather3A_504 = vector.shape_cast %broadcast_in_dim3A_503 : vector<16x1xi32> to vector<16xi32>
      %gather3A_505 = tpu.dynamic_gather %get3A_441[%gather3A_504] in [0] : vector<16xf32>, vector<16xi32> -> vector<16xf32>
      %parallel_loop3A_506 = arith.constant 0 : i32
      %parallel_loop3A_507 = arith.constant 64 : i32
      %parallel_loop3A_508 = arith.constant 1 : i32
      scf.for %parallel_loop3A_522 = %parallel_loop3A_506 to %parallel_loop3A_507 step %parallel_loop3A_508  : i32 {
        %parallel_loop3A_523 = arith.constant 16 : i32
        %parallel_loop3A_524 = arith.muli %parallel_loop3A_522, %parallel_loop3A_523 : i32
        %parallel_loop3A_525 = arith.constant 0 : i32
        %parallel_loop3A_526 = arith.index_cast %parallel_loop3A_525 : i32 to index
        %parallel_loop3A_527 = arith.index_cast %parallel_loop3A_524 : i32 to index
        %parallel_loop3A_528 = tpu.vector_load %arg18[%parallel_loop3A_526, %parallel_loop3A_527] {strides = array<i32>} : memref<8x1024xf32, #tpu.memory_space<vmem>>, vector<1x16xf32>,
        %parallel_loop3A_529 = vector.shape_cast %parallel_loop3A_528 : vector<1x16xf32> to vector<16xf32>
        %parallel_loop3A_530 = arith.mulf %gather3A_445, %parallel_loop3A_529 : vector<16xf32>
        %parallel_loop3A_531 = arith.constant 0 : i32
        %parallel_loop3A_532 = arith.index_cast %parallel_loop3A_531 : i32 to index
        %parallel_loop3A_533 = arith.index_cast %parallel_loop3A_524 : i32 to index
        %parallel_loop3A_534 = tpu.vector_load %arg19[%parallel_loop3A_532, %parallel_loop3A_533] {strides = array<i32>} : memref<8x1024xf32, #tpu.memory_space<vmem>>, vector<1x16xf32>,
        %parallel_loop3A_535 = vector.shape_cast %parallel_loop3A_534 : vector<1x16xf32> to vector<16xf32>
        %parallel_loop3A_536 = arith.mulf %gather3A_449, %parallel_loop3A_535 : vector<16xf32>
        %parallel_loop3A_537 = arith.addf %parallel_loop3A_530, %parallel_loop3A_536 : vector<16xf32>
        %parallel_loop3A_538 = arith.constant 0 : i32
        %parallel_loop3A_539 = arith.index_cast %parallel_loop3A_538 : i32 to index
        %parallel_loop3A_540 = arith.index_cast %parallel_loop3A_524 : i32 to index
        %parallel_loop3A_541 = tpu.vector_load %arg23[%parallel_loop3A_539, %parallel_loop3A_540] {strides = array<i32>} : memref<8x1024xf32, #tpu.memory_space<vmem>>, vector<1x16xf32>,
        %parallel_loop3A_542 = vector.shape_cast %parallel_loop3A_541 : vector<1x16xf32> to vector<16xf32>
        %parallel_loop3A_543 = vector.shape_cast %parallel_loop3A_537 : vector<16xf32> to vector<1x16xf32>
        tpu.vector_store %arg23[%parallel_loop3A_539, %parallel_loop3A_540], %parallel_loop3A_543 {strides = array<i32>} : memref<8x1024xf32, #tpu.memory_space<vmem>>, vector<1x16xf32>,
        %parallel_loop3A_544 = arith.constant 1 : i32
        %parallel_loop3A_545 = arith.index_cast %parallel_loop3A_544 : i32 to index
        %parallel_loop3A_546 = arith.index_cast %parallel_loop3A_524 : i32 to index
        %parallel_loop3A_547 = tpu.vector_load %arg18[%parallel_loop3A_545, %parallel_loop3A_546] {strides = array<i32>} : memref<8x1024xf32, #tpu.memory_space<vmem>>, vector<1x16xf32>,
        %parallel_loop3A_548 = vector.shape_cast %parallel_loop3A_547 : vector<1x16xf32> to vector<16xf32>
        %parallel_loop3A_549 = arith.mulf %gather3A_453, %parallel_loop3A_548 : vector<16xf32>
        %parallel_loop3A_550 = arith.constant 1 : i32
        %parallel_loop3A_551 = arith.index_cast %parallel_loop3A_550 : i32 to index
        %parallel_loop3A_552 = arith.index_cast %parallel_loop3A_524 : i32 to index
        %parallel_loop3A_553 = tpu.vector_load %arg19[%parallel_loop3A_551, %parallel_loop3A_552] {strides = array<i32>} : memref<8x1024xf32, #tpu.memory_space<vmem>>, vector<1x16xf32>,
        %parallel_loop3A_554 = vector.shape_cast %parallel_loop3A_553 : vector<1x16xf32> to vector<16xf32>
        %parallel_loop3A_555 = arith.mulf %gather3A_457, %parallel_loop3A_554 : vector<16xf32>
        %parallel_loop3A_556 = arith.addf %parallel_loop3A_549, %parallel_loop3A_555 : vector<16xf32>
        %parallel_loop3A_557 = arith.constant 1 : i32
        %parallel_loop3A_558 = arith.index_cast %parallel_loop3A_557 : i32 to index
        %parallel_loop3A_559 = arith.index_cast %parallel_loop3A_524 : i32 to index
        %parallel_loop3A_560 = tpu.vector_load %arg23[%parallel_loop3A_558, %parallel_loop3A_559] {strides = array<i32>} : memref<8x1024xf32, #tpu.memory_space<vmem>>, vector<1x16xf32>,
        %parallel_loop3A_561 = vector.shape_cast %parallel_loop3A_560 : vector<1x16xf32> to vector<16xf32>
        %parallel_loop3A_562 = vector.shape_cast %parallel_loop3A_556 : vector<16xf32> to vector<1x16xf32>
        tpu.vector_store %arg23[%parallel_loop3A_558, %parallel_loop3A_559], %parallel_loop3A_562 {strides = array<i32>} : memref<8x1024xf32, #tpu.memory_space<vmem>>, vector<1x16xf32>,
        %parallel_loop3A_563 = arith.constant 2 : i32
        %parallel_loop3A_564 = arith.index_cast %parallel_loop3A_563 : i32 to index
        %parallel_loop3A_565 = arith.index_cast %parallel_loop3A_524 : i32 to index
        %parallel_loop3A_566 = tpu.vector_load %arg18[%parallel_loop3A_564, %parallel_loop3A_565] {strides = array<i32>} : memref<8x1024xf32, #tpu.memory_space<vmem>>, vector<1x16xf32>,
        %parallel_loop3A_567 = vector.shape_cast %parallel_loop3A_566 : vector<1x16xf32> to vector<16xf32>
        %parallel_loop3A_568 = arith.mulf %gather3A_461, %parallel_loop3A_567 : vector<16xf32>
        %parallel_loop3A_569 = arith.constant 2 : i32
        %parallel_loop3A_570 = arith.index_cast %parallel_loop3A_569 : i32 to index
        %parallel_loop3A_571 = arith.index_cast %parallel_loop3A_524 : i32 to index
        %parallel_loop3A_572 = tpu.vector_load %arg19[%parallel_loop3A_570, %parallel_loop3A_571] {strides = array<i32>} : memref<8x1024xf32, #tpu.memory_space<vmem>>, vector<1x16xf32>,
        %parallel_loop3A_573 = vector.shape_cast %parallel_loop3A_572 : vector<1x16xf32> to vector<16xf32>
        %parallel_loop3A_574 = arith.mulf %gather3A_465, %parallel_loop3A_573 : vector<16xf32>
        %parallel_loop3A_575 = arith.addf %parallel_loop3A_568, %parallel_loop3A_574 : vector<16xf32>
        %parallel_loop3A_576 = arith.constant 2 : i32
        %parallel_loop3A_577 = arith.index_cast %parallel_loop3A_576 : i32 to index
        %parallel_loop3A_578 = arith.index_cast %parallel_loop3A_524 : i32 to index
        %parallel_loop3A_579 = tpu.vector_load %arg23[%parallel_loop3A_577, %parallel_loop3A_578] {strides = array<i32>} : memref<8x1024xf32, #tpu.memory_space<vmem>>, vector<1x16xf32>,
        %parallel_loop3A_580 = vector.shape_cast %parallel_loop3A_579 : vector<1x16xf32> to vector<16xf32>
        %parallel_loop3A_581 = vector.shape_cast %parallel_loop3A_575 : vector<16xf32> to vector<1x16xf32>
        tpu.vector_store %arg23[%parallel_loop3A_577, %parallel_loop3A_578], %parallel_loop3A_581 {strides = array<i32>} : memref<8x1024xf32, #tpu.memory_space<vmem>>, vector<1x16xf32>,
        %parallel_loop3A_582 = arith.constant 3 : i32
        %parallel_loop3A_583 = arith.index_cast %parallel_loop3A_582 : i32 to index
        %parallel_loop3A_584 = arith.index_cast %parallel_loop3A_524 : i32 to index
        %parallel_loop3A_585 = tpu.vector_load %arg18[%parallel_loop3A_583, %parallel_loop3A_584] {strides = array<i32>} : memref<8x1024xf32, #tpu.memory_space<vmem>>, vector<1x16xf32>,
        %parallel_loop3A_586 = vector.shape_cast %parallel_loop3A_585 : vector<1x16xf32> to vector<16xf32>
        %parallel_loop3A_587 = arith.mulf %gather3A_469, %parallel_loop3A_586 : vector<16xf32>
        %parallel_loop3A_588 = arith.constant 3 : i32
        %parallel_loop3A_589 = arith.index_cast %parallel_loop3A_588 : i32 to index
        %parallel_loop3A_590 = arith.index_cast %parallel_loop3A_524 : i32 to index
        %parallel_loop3A_591 = tpu.vector_load %arg19[%parallel_loop3A_589, %parallel_loop3A_590] {strides = array<i32>} : memref<8x1024xf32, #tpu.memory_space<vmem>>, vector<1x16xf32>,
        %parallel_loop3A_592 = vector.shape_cast %parallel_loop3A_591 : vector<1x16xf32> to vector<16xf32>
        %parallel_loop3A_593 = arith.mulf %gather3A_473, %parallel_loop3A_592 : vector<16xf32>
        %parallel_loop3A_594 = arith.addf %parallel_loop3A_587, %parallel_loop3A_593 : vector<16xf32>
        %parallel_loop3A_595 = arith.constant 3 : i32
        %parallel_loop3A_596 = arith.index_cast %parallel_loop3A_595 : i32 to index
        %parallel_loop3A_597 = arith.index_cast %parallel_loop3A_524 : i32 to index
        %parallel_loop3A_598 = tpu.vector_load %arg23[%parallel_loop3A_596, %parallel_loop3A_597] {strides = array<i32>} : memref<8x1024xf32, #tpu.memory_space<vmem>>, vector<1x16xf32>,
        %parallel_loop3A_599 = vector.shape_cast %parallel_loop3A_598 : vector<1x16xf32> to vector<16xf32>
        %parallel_loop3A_600 = vector.shape_cast %parallel_loop3A_594 : vector<16xf32> to vector<1x16xf32>
        tpu.vector_store %arg23[%parallel_loop3A_596, %parallel_loop3A_597], %parallel_loop3A_600 {strides = array<i32>} : memref<8x1024xf32, #tpu.memory_space<vmem>>, vector<1x16xf32>,
        %parallel_loop3A_601 = arith.constant 4 : i32
        %parallel_loop3A_602 = arith.index_cast %parallel_loop3A_601 : i32 to index
        %parallel_loop3A_603 = arith.index_cast %parallel_loop3A_524 : i32 to index
        %parallel_loop3A_604 = tpu.vector_load %arg18[%parallel_loop3A_602, %parallel_loop3A_603] {strides = array<i32>} : memref<8x1024xf32, #tpu.memory_space<vmem>>, vector<1x16xf32>,
        %parallel_loop3A_605 = vector.shape_cast %parallel_loop3A_604 : vector<1x16xf32> to vector<16xf32>
        %parallel_loop3A_606 = arith.mulf %gather3A_477, %parallel_loop3A_605 : vector<16xf32>
        %parallel_loop3A_607 = arith.constant 4 : i32
        %parallel_loop3A_608 = arith.index_cast %parallel_loop3A_607 : i32 to index
        %parallel_loop3A_609 = arith.index_cast %parallel_loop3A_524 : i32 to index
        %parallel_loop3A_610 = tpu.vector_load %arg19[%parallel_loop3A_608, %parallel_loop3A_609] {strides = array<i32>} : memref<8x1024xf32, #tpu.memory_space<vmem>>, vector<1x16xf32>,
        %parallel_loop3A_611 = vector.shape_cast %parallel_loop3A_610 : vector<1x16xf32> to vector<16xf32>
        %parallel_loop3A_612 = arith.mulf %gather3A_481, %parallel_loop3A_611 : vector<16xf32>
        %parallel_loop3A_613 = arith.addf %parallel_loop3A_606, %parallel_loop3A_612 : vector<16xf32>
        %parallel_loop3A_614 = arith.constant 4 : i32
        %parallel_loop3A_615 = arith.index_cast %parallel_loop3A_614 : i32 to index
        %parallel_loop3A_616 = arith.index_cast %parallel_loop3A_524 : i32 to index
        %parallel_loop3A_617 = tpu.vector_load %arg23[%parallel_loop3A_615, %parallel_loop3A_616] {strides = array<i32>} : memref<8x1024xf32, #tpu.memory_space<vmem>>, vector<1x16xf32>,
        %parallel_loop3A_618 = vector.shape_cast %parallel_loop3A_617 : vector<1x16xf32> to vector<16xf32>
        %parallel_loop3A_619 = vector.shape_cast %parallel_loop3A_613 : vector<16xf32> to vector<1x16xf32>
        tpu.vector_store %arg23[%parallel_loop3A_615, %parallel_loop3A_616], %parallel_loop3A_619 {strides = array<i32>} : memref<8x1024xf32, #tpu.memory_space<vmem>>, vector<1x16xf32>,
        %parallel_loop3A_620 = arith.constant 5 : i32
        %parallel_loop3A_621 = arith.index_cast %parallel_loop3A_620 : i32 to index
        %parallel_loop3A_622 = arith.index_cast %parallel_loop3A_524 : i32 to index
        %parallel_loop3A_623 = tpu.vector_load %arg18[%parallel_loop3A_621, %parallel_loop3A_622] {strides = array<i32>} : memref<8x1024xf32, #tpu.memory_space<vmem>>, vector<1x16xf32>,
        %parallel_loop3A_624 = vector.shape_cast %parallel_loop3A_623 : vector<1x16xf32> to vector<16xf32>
        %parallel_loop3A_625 = arith.mulf %gather3A_485, %parallel_loop3A_624 : vector<16xf32>
        %parallel_loop3A_626 = arith.constant 5 : i32
        %parallel_loop3A_627 = arith.index_cast %parallel_loop3A_626 : i32 to index
        %parallel_loop3A_628 = arith.index_cast %parallel_loop3A_524 : i32 to index
        %parallel_loop3A_629 = tpu.vector_load %arg19[%parallel_loop3A_627, %parallel_loop3A_628] {strides = array<i32>} : memref<8x1024xf32, #tpu.memory_space<vmem>>, vector<1x16xf32>,
        %parallel_loop3A_630 = vector.shape_cast %parallel_loop3A_629 : vector<1x16xf32> to vector<16xf32>
        %parallel_loop3A_631 = arith.mulf %gather3A_489, %parallel_loop3A_630 : vector<16xf32>
        %parallel_loop3A_632 = arith.addf %parallel_loop3A_625, %parallel_loop3A_631 : vector<16xf32>
        %parallel_loop3A_633 = arith.constant 5 : i32
        %parallel_loop3A_634 = arith.index_cast %parallel_loop3A_633 : i32 to index
        %parallel_loop3A_635 = arith.index_cast %parallel_loop3A_524 : i32 to index
        %parallel_loop3A_636 = tpu.vector_load %arg23[%parallel_loop3A_634, %parallel_loop3A_635] {strides = array<i32>} : memref<8x1024xf32, #tpu.memory_space<vmem>>, vector<1x16xf32>,
        %parallel_loop3A_637 = vector.shape_cast %parallel_loop3A_636 : vector<1x16xf32> to vector<16xf32>
        %parallel_loop3A_638 = vector.shape_cast %parallel_loop3A_632 : vector<16xf32> to vector<1x16xf32>
        tpu.vector_store %arg23[%parallel_loop3A_634, %parallel_loop3A_635], %parallel_loop3A_638 {strides = array<i32>} : memref<8x1024xf32, #tpu.memory_space<vmem>>, vector<1x16xf32>,
        %parallel_loop3A_639 = arith.constant 6 : i32
        %parallel_loop3A_640 = arith.index_cast %parallel_loop3A_639 : i32 to index
        %parallel_loop3A_641 = arith.index_cast %parallel_loop3A_524 : i32 to index
        %parallel_loop3A_642 = tpu.vector_load %arg18[%parallel_loop3A_640, %parallel_loop3A_641] {strides = array<i32>} : memref<8x1024xf32, #tpu.memory_space<vmem>>, vector<1x16xf32>,
        %parallel_loop3A_643 = vector.shape_cast %parallel_loop3A_642 : vector<1x16xf32> to vector<16xf32>
        %parallel_loop3A_644 = arith.mulf %gather3A_493, %parallel_loop3A_643 : vector<16xf32>
        %parallel_loop3A_645 = arith.constant 6 : i32
        %parallel_loop3A_646 = arith.index_cast %parallel_loop3A_645 : i32 to index
        %parallel_loop3A_647 = arith.index_cast %parallel_loop3A_524 : i32 to index
        %parallel_loop3A_648 = tpu.vector_load %arg19[%parallel_loop3A_646, %parallel_loop3A_647] {strides = array<i32>} : memref<8x1024xf32, #tpu.memory_space<vmem>>, vector<1x16xf32>,
        %parallel_loop3A_649 = vector.shape_cast %parallel_loop3A_648 : vector<1x16xf32> to vector<16xf32>
        %parallel_loop3A_650 = arith.mulf %gather3A_497, %parallel_loop3A_649 : vector<16xf32>
        %parallel_loop3A_651 = arith.addf %parallel_loop3A_644, %parallel_loop3A_650 : vector<16xf32>
        %parallel_loop3A_652 = arith.constant 6 : i32
        %parallel_loop3A_653 = arith.index_cast %parallel_loop3A_652 : i32 to index
        %parallel_loop3A_654 = arith.index_cast %parallel_loop3A_524 : i32 to index
        %parallel_loop3A_655 = tpu.vector_load %arg23[%parallel_loop3A_653, %parallel_loop3A_654] {strides = array<i32>} : memref<8x1024xf32, #tpu.memory_space<vmem>>, vector<1x16xf32>,
        %parallel_loop3A_656 = vector.shape_cast %parallel_loop3A_655 : vector<1x16xf32> to vector<16xf32>
        %parallel_loop3A_657 = vector.shape_cast %parallel_loop3A_651 : vector<16xf32> to vector<1x16xf32>
        tpu.vector_store %arg23[%parallel_loop3A_653, %parallel_loop3A_654], %parallel_loop3A_657 {strides = array<i32>} : memref<8x1024xf32, #tpu.memory_space<vmem>>, vector<1x16xf32>,
        %parallel_loop3A_658 = arith.constant 7 : i32
        %parallel_loop3A_659 = arith.index_cast %parallel_loop3A_658 : i32 to index
        %parallel_loop3A_660 = arith.index_cast %parallel_loop3A_524 : i32 to index
        %parallel_loop3A_661 = tpu.vector_load %arg18[%parallel_loop3A_659, %parallel_loop3A_660] {strides = array<i32>} : memref<8x1024xf32, #tpu.memory_space<vmem>>, vector<1x16xf32>,
        %parallel_loop3A_662 = vector.shape_cast %parallel_loop3A_661 : vector<1x16xf32> to vector<16xf32>
        %parallel_loop3A_663 = arith.mulf %gather3A_501, %parallel_loop3A_662 : vector<16xf32>
        %parallel_loop3A_664 = arith.constant 7 : i32
        %parallel_loop3A_665 = arith.index_cast %parallel_loop3A_664 : i32 to index
        %parallel_loop3A_666 = arith.index_cast %parallel_loop3A_524 : i32 to index
        %parallel_loop3A_667 = tpu.vector_load %arg19[%parallel_loop3A_665, %parallel_loop3A_666] {strides = array<i32>} : memref<8x1024xf32, #tpu.memory_space<vmem>>, vector<1x16xf32>,
        %parallel_loop3A_668 = vector.shape_cast %parallel_loop3A_667 : vector<1x16xf32> to vector<16xf32>
        %parallel_loop3A_669 = arith.mulf %gather3A_505, %parallel_loop3A_668 : vector<16xf32>
        %parallel_loop3A_670 = arith.addf %parallel_loop3A_663, %parallel_loop3A_669 : vector<16xf32>
        %parallel_loop3A_671 = arith.constant 7 : i32
        %parallel_loop3A_672 = arith.index_cast %parallel_loop3A_671 : i32 to index
        %parallel_loop3A_673 = arith.index_cast %parallel_loop3A_524 : i32 to index
        %parallel_loop3A_674 = tpu.vector_load %arg23[%parallel_loop3A_672, %parallel_loop3A_673] {strides = array<i32>} : memref<8x1024xf32, #tpu.memory_space<vmem>>, vector<1x16xf32>,
        %parallel_loop3A_675 = vector.shape_cast %parallel_loop3A_674 : vector<1x16xf32> to vector<16xf32>
        %parallel_loop3A_676 = vector.shape_cast %parallel_loop3A_670 : vector<16xf32> to vector<1x16xf32>
        tpu.vector_store %arg23[%parallel_loop3A_672, %parallel_loop3A_673], %parallel_loop3A_676 {strides = array<i32>} : memref<8x1024xf32, #tpu.memory_space<vmem>>, vector<1x16xf32>,
      } {sc.loop_unroll_factor = 2 : i64, sc.parallel_access}
      %add3A_509 = arith.constant 1 : i32
      %add3A_510 = arith.addi %scan3A_79, %add3A_509 : i32
      %lt3A_511 = arith.constant 4 : i32
      %lt3A_512 = arith.cmpi slt, %add3A_510, %lt3A_511 : i32
      %convert_element_type3A_513 = arith.extui %lt3A_512 : i1 to i32
      %cond3A_514 = arith.constant 0 : i32
      %cond3A_515 = arith.cmpi ne, %convert_element_type3A_513, %cond3A_514 : i32
      scf.if %cond3A_515 {
        %add3A_522 = arith.constant 1 : i32
        %add3A_523 = arith.addi %scan3A_79, %add3A_522 : i32
        %mul3A_524 = arith.constant 32 : i32
        %mul3A_525 = arith.muli %add3A_523, %mul3A_524 : i32
        %add3A_526 = arith.constant 24 : i32
        %add3A_527 = arith.addi %mul3A_525, %add3A_526 : i32
        %dma_start3A_528 = tpu.memref_slice %arg8[%add3A_527] : memref<128xi32, #tpu.memory_space<vmem>> -> memref<8xi32, #tpu.memory_space<vmem>>
        %dma_start3A_529 = arith.constant 0 : i32
        %dma_start3A_530 = arith.constant 0 : i32
        %dma_start3A_531 = tpu.memref_slice %arg2[%dma_start3A_529, %dma_start3A_530] : memref<32768x1024xf32, #tpu.memory_space<hbm>> -> memref<32768x1024xf32, #tpu.memory_space<hbm>>
        tpu.enqueue_indirect_dma source(%dma_start3A_531 : memref<32768x1024xf32, #tpu.memory_space<hbm>>) target(%arg18 : memref<8x1024xf32, #tpu.memory_space<vmem>>) offsets(%dma_start3A_528 : memref<8xi32, #tpu.memory_space<vmem>>) semaphore(%arg30 : memref<!tpu.dma_semaphore, #tpu.memory_space<semaphore_mem>>)
        %dma_start3A_532 = tpu.memref_slice %arg9[%add3A_527] : memref<128xi32, #tpu.memory_space<vmem>> -> memref<8xi32, #tpu.memory_space<vmem>>
        %dma_start3A_533 = arith.constant 0 : i32
        %dma_start3A_534 = arith.constant 0 : i32
        %dma_start3A_535 = tpu.memref_slice %arg2[%dma_start3A_533, %dma_start3A_534] : memref<32768x1024xf32, #tpu.memory_space<hbm>> -> memref<32768x1024xf32, #tpu.memory_space<hbm>>
        tpu.enqueue_indirect_dma source(%dma_start3A_535 : memref<32768x1024xf32, #tpu.memory_space<hbm>>) target(%arg19 : memref<8x1024xf32, #tpu.memory_space<vmem>>) offsets(%dma_start3A_532 : memref<8xi32, #tpu.memory_space<vmem>>) semaphore(%arg31 : memref<!tpu.dma_semaphore, #tpu.memory_space<semaphore_mem>>)
      } else {
      }
      %add3A_516 = arith.addi %mul3A_2, %add3A_412 : i32
      %dma_start3A_517 = arith.constant 0 : i32
      %dma_start3A_518 = tpu.memref_slice %arg7[%add3A_516, %dma_start3A_517] : memref<4096x1024xf32, #tpu.memory_space<hbm>> -> memref<8x1024xf32, #tpu.memory_space<hbm>>
      %dma_start3A_519 = arith.constant 0 : i32
      %dma_start3A_520 = tpu.memref_slice %arg7[%add3A_516, %dma_start3A_519] : memref<4096x1024xf32, #tpu.memory_space<hbm>> -> memref<8x1024xf32, #tpu.memory_space<hbm>>
      tpu.enqueue_dma source(%arg23 : memref<8x1024xf32, #tpu.memory_space<vmem>>) target(%dma_start3A_520 : memref<8x1024xf32, #tpu.memory_space<hbm>>) target_semaphore(%arg35 : memref<!tpu.dma_semaphore, #tpu.memory_space<semaphore_mem>>)
      %scan3A_521 = arith.constant 0 : i32
      scf.yield %scan3A_521 : i32
    }
    %scan3A_62 = arith.constant 4 : i32
    %dma_wait3A_63 = arith.constant 0 : i32
    %dma_wait3A_64 = tpu.memref_slice %arg7[%mul3A_2, %dma_wait3A_63] : memref<4096x1024xf32, #tpu.memory_space<hbm>> -> memref<8x1024xf32, #tpu.memory_space<hbm>>
    %dma_wait3A_65 = arith.constant 0 : i32
    %dma_wait3A_66 = tpu.memref_slice %arg7[%mul3A_2, %dma_wait3A_65] : memref<4096x1024xf32, #tpu.memory_space<hbm>> -> memref<8x1024xf32, #tpu.memory_space<hbm>>
    tpu.wait_dma2 semaphore(%arg32 : memref<!tpu.dma_semaphore, #tpu.memory_space<semaphore_mem>>) src(%arg20 : memref<8x1024xf32, #tpu.memory_space<vmem>>) dst(%dma_wait3A_66 : memref<8x1024xf32, #tpu.memory_space<hbm>>)
    %dma_wait3A_67 = arith.constant 0 : i32
    %dma_wait3A_68 = tpu.memref_slice %arg7[%mul3A_2, %dma_wait3A_67] : memref<4096x1024xf32, #tpu.memory_space<hbm>> -> memref<8x1024xf32, #tpu.memory_space<hbm>>
    %dma_wait3A_69 = arith.constant 0 : i32
    %dma_wait3A_70 = tpu.memref_slice %arg7[%mul3A_2, %dma_wait3A_69] : memref<4096x1024xf32, #tpu.memory_space<hbm>> -> memref<8x1024xf32, #tpu.memory_space<hbm>>
    tpu.wait_dma2 semaphore(%arg33 : memref<!tpu.dma_semaphore, #tpu.memory_space<semaphore_mem>>) src(%arg21 : memref<8x1024xf32, #tpu.memory_space<vmem>>) dst(%dma_wait3A_70 : memref<8x1024xf32, #tpu.memory_space<hbm>>)
    %dma_wait3A_71 = arith.constant 0 : i32
    %dma_wait3A_72 = tpu.memref_slice %arg7[%mul3A_2, %dma_wait3A_71] : memref<4096x1024xf32, #tpu.memory_space<hbm>> -> memref<8x1024xf32, #tpu.memory_space<hbm>>
    %dma_wait3A_73 = arith.constant 0 : i32
    %dma_wait3A_74 = tpu.memref_slice %arg7[%mul3A_2, %dma_wait3A_73] : memref<4096x1024xf32, #tpu.memory_space<hbm>> -> memref<8x1024xf32, #tpu.memory_space<hbm>>
    tpu.wait_dma2 semaphore(%arg34 : memref<!tpu.dma_semaphore, #tpu.memory_space<semaphore_mem>>) src(%arg22 : memref<8x1024xf32, #tpu.memory_space<vmem>>) dst(%dma_wait3A_74 : memref<8x1024xf32, #tpu.memory_space<hbm>>)
    %dma_wait3A_75 = arith.constant 0 : i32
    %dma_wait3A_76 = tpu.memref_slice %arg7[%mul3A_2, %dma_wait3A_75] : memref<4096x1024xf32, #tpu.memory_space<hbm>> -> memref<8x1024xf32, #tpu.memory_space<hbm>>
    %dma_wait3A_77 = arith.constant 0 : i32
    %dma_wait3A_78 = tpu.memref_slice %arg7[%mul3A_2, %dma_wait3A_77] : memref<4096x1024xf32, #tpu.memory_space<hbm>> -> memref<8x1024xf32, #tpu.memory_space<hbm>>
    tpu.wait_dma2 semaphore(%arg35 : memref<!tpu.dma_semaphore, #tpu.memory_space<semaphore_mem>>) src(%arg23 : memref<8x1024xf32, #tpu.memory_space<vmem>>) dst(%dma_wait3A_78 : memref<8x1024xf32, #tpu.memory_space<hbm>>)
    return
  }
}

module attributes {stable_mosaic.version = 14 : i64} {
  func.func @_router_body(%arg0: i32, %arg1: i32, %arg2: memref<1xf32, #tpu.memory_space<smem>>, %arg3: memref<8xf32, #tpu.memory_space<smem>>, %arg4: memref<8xf32, #tpu.memory_space<smem>>, %arg5: memref<1x2048x1024xf32, #tpu.memory_space<vmem>>, %arg6: memref<8x1024xf32, #tpu.memory_space<vmem>>, %arg7: memref<2048xi32, #tpu.memory_space<vmem>>, %arg8: memref<2048xi32, #tpu.memory_space<vmem>>, %arg9: memref<2048xf32, #tpu.memory_space<vmem>>, %arg10: memref<2048xf32, #tpu.memory_space<vmem>>) attributes {dimension_semantics = [#tpu.dimension_semantics<arbitrary>, #tpu.dimension_semantics<arbitrary>], iteration_bounds = array<i64: 2, 1>, scalar_prefetch = 0 : i64, scratch_operands = 0 : i64, tpu.core_type = #tpu.core_type<tc>, window_params = [{transform_indices = @transform_0, window_bounds = array<i64: 1>}, {transform_indices = @transform_1, window_bounds = array<i64: 8>}, {transform_indices = @transform_2, window_bounds = array<i64: 8>}, {transform_indices = @transform_3, window_bounds = array<i64: 1, 2048, 1024>}, {pipeline_mode = #tpu.pipeline_mode<synchronous>, transform_indices = @transform_4, window_bounds = array<i64: 8, 1024>}, {transform_indices = @transform_5, window_bounds = array<i64: 2048>}, {transform_indices = @transform_6, window_bounds = array<i64: 2048>}, {transform_indices = @transform_7, window_bounds = array<i64: 2048>}, {transform_indices = @transform_8, window_bounds = array<i64: 2048>}]} {
    %get3A = arith.constant 0 : index
    %get3A_0 = arith.constant 0 : index
    %get3A_1 = arith.constant 0 : index
    %get3A_2 = vector.load %arg5[%get3A, %get3A_0, %get3A_1] : memref<1x2048x1024xf32, #tpu.memory_space<vmem>>, vector<1x2048x1024xf32>
    %get3A_3 = vector.shape_cast %get3A_2 : vector<1x2048x1024xf32> to vector<2048x1024xf32>
    %get3A_4 = arith.constant 0 : index
    %get3A_5 = arith.constant 0 : index
    %get3A_6 = vector.load %arg6[%get3A_4, %get3A_5] : memref<8x1024xf32, #tpu.memory_space<vmem>>, vector<8x1024xf32>
    %dot_general3A = arith.constant dense<0.000000e+00> : vector<8x2048xf32>
    %dot_general3A_7 = tpu.matmul %get3A_6, %get3A_3, %dot_general3A {dimension_numbers = #tpu.dot_dimension_numbers<[1], [1], [0], [0], [0, 0, 1, 0], [], []>, transpose_lhs_hint = false} : vector<8x1024xf32>, vector<2048x1024xf32>, vector<8x2048xf32> -> vector<8x2048xf32>
    %slice3A = vector.extract_strided_slice %dot_general3A_7 {offsets = [0, 0], sizes = [1, 2048], strides = [1, 1]} : vector<8x2048xf32> to vector<1x2048xf32>
    %get3A_8 = arith.constant 0 : index
    %get3A_9 = memref.load %arg3[%get3A_8] : memref<8xf32, #tpu.memory_space<smem>>
    %add3A = vector.broadcast %get3A_9 : f32 to vector<1x2048xf32>
    %add3A_10 = arith.addf %slice3A, %add3A : vector<1x2048xf32>
    %broadcast_in_dim3A = arith.constant 0 : i32
    %broadcast_in_dim3A_11 = vector.broadcast %broadcast_in_dim3A : i32 to vector<1x2048xi32>
    %broadcast_in_dim3A_12 = arith.constant -1.000000e+30 : f32
    %broadcast_in_dim3A_13 = vector.broadcast %broadcast_in_dim3A_12 : f32 to vector<1x2048xf32>
    %broadcast_in_dim3A_14 = arith.constant 0 : i32
    %broadcast_in_dim3A_15 = vector.broadcast %broadcast_in_dim3A_14 : i32 to vector<1x2048xi32>
    %slice3A_16 = vector.extract_strided_slice %dot_general3A_7 {offsets = [1, 0], sizes = [1, 2048], strides = [1, 1]} : vector<8x2048xf32> to vector<1x2048xf32>
    %get3A_17 = arith.constant 1 : index
    %get3A_18 = memref.load %arg3[%get3A_17] : memref<8xf32, #tpu.memory_space<smem>>
    %add3A_19 = vector.broadcast %get3A_18 : f32 to vector<1x2048xf32>
    %add3A_20 = arith.addf %slice3A_16, %add3A_19 : vector<1x2048xf32>
    %gt3A = arith.cmpf ogt, %add3A_20, %add3A_10 : vector<1x2048xf32>
    %gt3A_21 = arith.cmpf ogt, %add3A_20, %broadcast_in_dim3A_13 : vector<1x2048xf32>
    %jit3A = arith.constant 1 : i32
    %broadcast_in_dim3A_22 = vector.broadcast %jit3A : i32 to vector<1x2048xi32>
    %select_n3A = arith.select %gt3A_21, %broadcast_in_dim3A_22, %broadcast_in_dim3A_15 : vector<1x2048xi1>, vector<1x2048xi32>
    %select_n3A_23 = arith.select %gt3A, %broadcast_in_dim3A_11, %select_n3A : vector<1x2048xi1>, vector<1x2048xi32>
    %max3A = arith.maximumf %broadcast_in_dim3A_13, %add3A_20 : vector<1x2048xf32>
    %select_n3A_24 = arith.select %gt3A, %add3A_10, %max3A : vector<1x2048xi1>, vector<1x2048xf32>
    %jit3A_25 = arith.constant 1 : i32
    %broadcast_in_dim3A_26 = vector.broadcast %jit3A_25 : i32 to vector<1x2048xi32>
    %select_n3A_27 = arith.select %gt3A, %broadcast_in_dim3A_26, %broadcast_in_dim3A_11 : vector<1x2048xi1>, vector<1x2048xi32>
    %max3A_28 = arith.maximumf %add3A_10, %add3A_20 : vector<1x2048xf32>
    %slice3A_29 = vector.extract_strided_slice %dot_general3A_7 {offsets = [2, 0], sizes = [1, 2048], strides = [1, 1]} : vector<8x2048xf32> to vector<1x2048xf32>
    %get3A_30 = arith.constant 2 : index
    %get3A_31 = memref.load %arg3[%get3A_30] : memref<8xf32, #tpu.memory_space<smem>>
    %add3A_32 = vector.broadcast %get3A_31 : f32 to vector<1x2048xf32>
    %add3A_33 = arith.addf %slice3A_29, %add3A_32 : vector<1x2048xf32>
    %gt3A_34 = arith.cmpf ogt, %add3A_33, %max3A_28 : vector<1x2048xf32>
    %gt3A_35 = arith.cmpf ogt, %add3A_33, %select_n3A_24 : vector<1x2048xf32>
    %jit3A_36 = arith.constant 2 : i32
    %broadcast_in_dim3A_37 = vector.broadcast %jit3A_36 : i32 to vector<1x2048xi32>
    %select_n3A_38 = arith.select %gt3A_35, %broadcast_in_dim3A_37, %select_n3A_23 : vector<1x2048xi1>, vector<1x2048xi32>
    %select_n3A_39 = arith.select %gt3A_34, %select_n3A_27, %select_n3A_38 : vector<1x2048xi1>, vector<1x2048xi32>
    %max3A_40 = arith.maximumf %select_n3A_24, %add3A_33 : vector<1x2048xf32>
    %select_n3A_41 = arith.select %gt3A_34, %max3A_28, %max3A_40 : vector<1x2048xi1>, vector<1x2048xf32>
    %jit3A_42 = arith.constant 2 : i32
    %broadcast_in_dim3A_43 = vector.broadcast %jit3A_42 : i32 to vector<1x2048xi32>
    %select_n3A_44 = arith.select %gt3A_34, %broadcast_in_dim3A_43, %select_n3A_27 : vector<1x2048xi1>, vector<1x2048xi32>
    %max3A_45 = arith.maximumf %max3A_28, %add3A_33 : vector<1x2048xf32>
    %slice3A_46 = vector.extract_strided_slice %dot_general3A_7 {offsets = [3, 0], sizes = [1, 2048], strides = [1, 1]} : vector<8x2048xf32> to vector<1x2048xf32>
    %get3A_47 = arith.constant 3 : index
    %get3A_48 = memref.load %arg3[%get3A_47] : memref<8xf32, #tpu.memory_space<smem>>
    %add3A_49 = vector.broadcast %get3A_48 : f32 to vector<1x2048xf32>
    %add3A_50 = arith.addf %slice3A_46, %add3A_49 : vector<1x2048xf32>
    %gt3A_51 = arith.cmpf ogt, %add3A_50, %max3A_45 : vector<1x2048xf32>
    %gt3A_52 = arith.cmpf ogt, %add3A_50, %select_n3A_41 : vector<1x2048xf32>
    %jit3A_53 = arith.constant 3 : i32
    %broadcast_in_dim3A_54 = vector.broadcast %jit3A_53 : i32 to vector<1x2048xi32>
    %select_n3A_55 = arith.select %gt3A_52, %broadcast_in_dim3A_54, %select_n3A_39 : vector<1x2048xi1>, vector<1x2048xi32>
    %select_n3A_56 = arith.select %gt3A_51, %select_n3A_44, %select_n3A_55 : vector<1x2048xi1>, vector<1x2048xi32>
    %max3A_57 = arith.maximumf %select_n3A_41, %add3A_50 : vector<1x2048xf32>
    %select_n3A_58 = arith.select %gt3A_51, %max3A_45, %max3A_57 : vector<1x2048xi1>, vector<1x2048xf32>
    %jit3A_59 = arith.constant 3 : i32
    %broadcast_in_dim3A_60 = vector.broadcast %jit3A_59 : i32 to vector<1x2048xi32>
    %select_n3A_61 = arith.select %gt3A_51, %broadcast_in_dim3A_60, %select_n3A_44 : vector<1x2048xi1>, vector<1x2048xi32>
    %max3A_62 = arith.maximumf %max3A_45, %add3A_50 : vector<1x2048xf32>
    %slice3A_63 = vector.extract_strided_slice %dot_general3A_7 {offsets = [4, 0], sizes = [1, 2048], strides = [1, 1]} : vector<8x2048xf32> to vector<1x2048xf32>
    %get3A_64 = arith.constant 4 : index
    %get3A_65 = memref.load %arg3[%get3A_64] : memref<8xf32, #tpu.memory_space<smem>>
    %add3A_66 = vector.broadcast %get3A_65 : f32 to vector<1x2048xf32>
    %add3A_67 = arith.addf %slice3A_63, %add3A_66 : vector<1x2048xf32>
    %gt3A_68 = arith.cmpf ogt, %add3A_67, %max3A_62 : vector<1x2048xf32>
    %gt3A_69 = arith.cmpf ogt, %add3A_67, %select_n3A_58 : vector<1x2048xf32>
    %jit3A_70 = arith.constant 4 : i32
    %broadcast_in_dim3A_71 = vector.broadcast %jit3A_70 : i32 to vector<1x2048xi32>
    %select_n3A_72 = arith.select %gt3A_69, %broadcast_in_dim3A_71, %select_n3A_56 : vector<1x2048xi1>, vector<1x2048xi32>
    %select_n3A_73 = arith.select %gt3A_68, %select_n3A_61, %select_n3A_72 : vector<1x2048xi1>, vector<1x2048xi32>
    %max3A_74 = arith.maximumf %select_n3A_58, %add3A_67 : vector<1x2048xf32>
    %select_n3A_75 = arith.select %gt3A_68, %max3A_62, %max3A_74 : vector<1x2048xi1>, vector<1x2048xf32>
    %jit3A_76 = arith.constant 4 : i32
    %broadcast_in_dim3A_77 = vector.broadcast %jit3A_76 : i32 to vector<1x2048xi32>
    %select_n3A_78 = arith.select %gt3A_68, %broadcast_in_dim3A_77, %select_n3A_61 : vector<1x2048xi1>, vector<1x2048xi32>
    %max3A_79 = arith.maximumf %max3A_62, %add3A_67 : vector<1x2048xf32>
    %slice3A_80 = vector.extract_strided_slice %dot_general3A_7 {offsets = [5, 0], sizes = [1, 2048], strides = [1, 1]} : vector<8x2048xf32> to vector<1x2048xf32>
    %get3A_81 = arith.constant 5 : index
    %get3A_82 = memref.load %arg3[%get3A_81] : memref<8xf32, #tpu.memory_space<smem>>
    %add3A_83 = vector.broadcast %get3A_82 : f32 to vector<1x2048xf32>
    %add3A_84 = arith.addf %slice3A_80, %add3A_83 : vector<1x2048xf32>
    %gt3A_85 = arith.cmpf ogt, %add3A_84, %max3A_79 : vector<1x2048xf32>
    %gt3A_86 = arith.cmpf ogt, %add3A_84, %select_n3A_75 : vector<1x2048xf32>
    %jit3A_87 = arith.constant 5 : i32
    %broadcast_in_dim3A_88 = vector.broadcast %jit3A_87 : i32 to vector<1x2048xi32>
    %select_n3A_89 = arith.select %gt3A_86, %broadcast_in_dim3A_88, %select_n3A_73 : vector<1x2048xi1>, vector<1x2048xi32>
    %select_n3A_90 = arith.select %gt3A_85, %select_n3A_78, %select_n3A_89 : vector<1x2048xi1>, vector<1x2048xi32>
    %max3A_91 = arith.maximumf %select_n3A_75, %add3A_84 : vector<1x2048xf32>
    %select_n3A_92 = arith.select %gt3A_85, %max3A_79, %max3A_91 : vector<1x2048xi1>, vector<1x2048xf32>
    %jit3A_93 = arith.constant 5 : i32
    %broadcast_in_dim3A_94 = vector.broadcast %jit3A_93 : i32 to vector<1x2048xi32>
    %select_n3A_95 = arith.select %gt3A_85, %broadcast_in_dim3A_94, %select_n3A_78 : vector<1x2048xi1>, vector<1x2048xi32>
    %max3A_96 = arith.maximumf %max3A_79, %add3A_84 : vector<1x2048xf32>
    %slice3A_97 = vector.extract_strided_slice %dot_general3A_7 {offsets = [6, 0], sizes = [1, 2048], strides = [1, 1]} : vector<8x2048xf32> to vector<1x2048xf32>
    %get3A_98 = arith.constant 6 : index
    %get3A_99 = memref.load %arg3[%get3A_98] : memref<8xf32, #tpu.memory_space<smem>>
    %add3A_100 = vector.broadcast %get3A_99 : f32 to vector<1x2048xf32>
    %add3A_101 = arith.addf %slice3A_97, %add3A_100 : vector<1x2048xf32>
    %gt3A_102 = arith.cmpf ogt, %add3A_101, %max3A_96 : vector<1x2048xf32>
    %gt3A_103 = arith.cmpf ogt, %add3A_101, %select_n3A_92 : vector<1x2048xf32>
    %jit3A_104 = arith.constant 6 : i32
    %broadcast_in_dim3A_105 = vector.broadcast %jit3A_104 : i32 to vector<1x2048xi32>
    %select_n3A_106 = arith.select %gt3A_103, %broadcast_in_dim3A_105, %select_n3A_90 : vector<1x2048xi1>, vector<1x2048xi32>
    %select_n3A_107 = arith.select %gt3A_102, %select_n3A_95, %select_n3A_106 : vector<1x2048xi1>, vector<1x2048xi32>
    %max3A_108 = arith.maximumf %select_n3A_92, %add3A_101 : vector<1x2048xf32>
    %select_n3A_109 = arith.select %gt3A_102, %max3A_96, %max3A_108 : vector<1x2048xi1>, vector<1x2048xf32>
    %jit3A_110 = arith.constant 6 : i32
    %broadcast_in_dim3A_111 = vector.broadcast %jit3A_110 : i32 to vector<1x2048xi32>
    %select_n3A_112 = arith.select %gt3A_102, %broadcast_in_dim3A_111, %select_n3A_95 : vector<1x2048xi1>, vector<1x2048xi32>
    %max3A_113 = arith.maximumf %max3A_96, %add3A_101 : vector<1x2048xf32>
    %slice3A_114 = vector.extract_strided_slice %dot_general3A_7 {offsets = [7, 0], sizes = [1, 2048], strides = [1, 1]} : vector<8x2048xf32> to vector<1x2048xf32>
    %get3A_115 = arith.constant 7 : index
    %get3A_116 = memref.load %arg3[%get3A_115] : memref<8xf32, #tpu.memory_space<smem>>
    %add3A_117 = vector.broadcast %get3A_116 : f32 to vector<1x2048xf32>
    %add3A_118 = arith.addf %slice3A_114, %add3A_117 : vector<1x2048xf32>
    %gt3A_119 = arith.cmpf ogt, %add3A_118, %max3A_113 : vector<1x2048xf32>
    %gt3A_120 = arith.cmpf ogt, %add3A_118, %select_n3A_109 : vector<1x2048xf32>
    %jit3A_121 = arith.constant 7 : i32
    %broadcast_in_dim3A_122 = vector.broadcast %jit3A_121 : i32 to vector<1x2048xi32>
    %select_n3A_123 = arith.select %gt3A_120, %broadcast_in_dim3A_122, %select_n3A_107 : vector<1x2048xi1>, vector<1x2048xi32>
    %select_n3A_124 = arith.select %gt3A_119, %select_n3A_112, %select_n3A_123 : vector<1x2048xi1>, vector<1x2048xi32>
    %max3A_125 = arith.maximumf %select_n3A_109, %add3A_118 : vector<1x2048xf32>
    %select_n3A_126 = arith.select %gt3A_119, %max3A_113, %max3A_125 : vector<1x2048xi1>, vector<1x2048xf32>
    %jit3A_127 = arith.constant 7 : i32
    %broadcast_in_dim3A_128 = vector.broadcast %jit3A_127 : i32 to vector<1x2048xi32>
    %select_n3A_129 = arith.select %gt3A_119, %broadcast_in_dim3A_128, %select_n3A_112 : vector<1x2048xi1>, vector<1x2048xi32>
    %max3A_130 = arith.maximumf %max3A_113, %add3A_118 : vector<1x2048xf32>
    %get3A_131 = arith.constant 0 : index
    %get3A_132 = memref.load %arg2[%get3A_131] : memref<1xf32, #tpu.memory_space<smem>>
    %broadcast_in_dim3A_133 = vector.broadcast %get3A_132 : f32 to vector<1x2048xf32>
    %exp3A = math.exp %broadcast_in_dim3A_133 : vector<1x2048xf32>
    %jit3A_134 = arith.constant 1.000000e-01 : f32
    %jit3A_135 = arith.constant 1.000000e+01 : f32
    %max3A_136 = vector.broadcast %jit3A_134 : f32 to vector<1x2048xf32>
    %max3A_137 = arith.maximumf %max3A_136, %exp3A : vector<1x2048xf32>
    %min3A = vector.broadcast %jit3A_135 : f32 to vector<1x2048xf32>
    %min3A_138 = arith.minimumf %min3A, %max3A_137 : vector<1x2048xf32>
    %div3A = arith.constant 1.000000e+00 : f32
    %div3A_139 = vector.broadcast %div3A : f32 to vector<1x2048xf32>
    %div3A_140 = arith.divf %div3A_139, %min3A_138 : vector<1x2048xf32>
    %sub3A = arith.subf %select_n3A_126, %max3A_130 : vector<1x2048xf32>
    %mul3A = arith.mulf %sub3A, %div3A_140 : vector<1x2048xf32>
    %exp3A_141 = math.exp %mul3A : vector<1x2048xf32>
    %add3A_142 = arith.constant 1.000000e+00 : f32
    %add3A_143 = vector.broadcast %add3A_142 : f32 to vector<1x2048xf32>
    %add3A_144 = arith.addf %add3A_143, %exp3A_141 : vector<1x2048xf32>
    %div3A_145 = arith.constant 1.000000e+00 : f32
    %div3A_146 = vector.broadcast %div3A_145 : f32 to vector<1x2048xf32>
    %div3A_147 = arith.divf %div3A_146, %add3A_144 : vector<1x2048xf32>
    %add3A_148 = arith.constant 1.000000e+00 : f32
    %add3A_149 = vector.broadcast %add3A_148 : f32 to vector<1x2048xf32>
    %add3A_150 = arith.addf %add3A_149, %exp3A_141 : vector<1x2048xf32>
    %div3A_151 = arith.divf %exp3A_141, %add3A_150 : vector<1x2048xf32>
    %broadcast_in_dim3A_152 = arith.constant 0.000000e+00 : f32
    %broadcast_in_dim3A_153 = vector.broadcast %broadcast_in_dim3A_152 : f32 to vector<1x2048xf32>
    %broadcast_in_dim3A_154 = arith.constant 0.000000e+00 : f32
    %broadcast_in_dim3A_155 = vector.broadcast %broadcast_in_dim3A_154 : f32 to vector<1x2048xf32>
    %eq3A = arith.constant 0 : i32
    %eq3A_156 = vector.broadcast %eq3A : i32 to vector<1x2048xi32>
    %eq3A_157 = arith.cmpi eq, %select_n3A_129, %eq3A_156 : vector<1x2048xi32>
    %get3A_158 = arith.constant 0 : index
    %get3A_159 = memref.load %arg4[%get3A_158] : memref<8xf32, #tpu.memory_space<smem>>
    %abs3A = math.absf %get3A_159 : f32
    %broadcast_in_dim3A_160 = vector.broadcast %abs3A : f32 to vector<1x2048xf32>
    %select_n3A_161 = arith.select %eq3A_157, %broadcast_in_dim3A_160, %broadcast_in_dim3A_153 : vector<1x2048xi1>, vector<1x2048xf32>
    %eq3A_162 = arith.constant 0 : i32
    %eq3A_163 = vector.broadcast %eq3A_162 : i32 to vector<1x2048xi32>
    %eq3A_164 = arith.cmpi eq, %select_n3A_124, %eq3A_163 : vector<1x2048xi32>
    %get3A_165 = arith.constant 0 : index
    %get3A_166 = memref.load %arg4[%get3A_165] : memref<8xf32, #tpu.memory_space<smem>>
    %abs3A_167 = math.absf %get3A_166 : f32
    %broadcast_in_dim3A_168 = vector.broadcast %abs3A_167 : f32 to vector<1x2048xf32>
    %select_n3A_169 = arith.select %eq3A_164, %broadcast_in_dim3A_168, %broadcast_in_dim3A_155 : vector<1x2048xi1>, vector<1x2048xf32>
    %eq3A_170 = arith.constant 1 : i32
    %eq3A_171 = vector.broadcast %eq3A_170 : i32 to vector<1x2048xi32>
    %eq3A_172 = arith.cmpi eq, %select_n3A_129, %eq3A_171 : vector<1x2048xi32>
    %get3A_173 = arith.constant 1 : index
    %get3A_174 = memref.load %arg4[%get3A_173] : memref<8xf32, #tpu.memory_space<smem>>
    %abs3A_175 = math.absf %get3A_174 : f32
    %broadcast_in_dim3A_176 = vector.broadcast %abs3A_175 : f32 to vector<1x2048xf32>
    %select_n3A_177 = arith.select %eq3A_172, %broadcast_in_dim3A_176, %select_n3A_161 : vector<1x2048xi1>, vector<1x2048xf32>
    %eq3A_178 = arith.constant 1 : i32
    %eq3A_179 = vector.broadcast %eq3A_178 : i32 to vector<1x2048xi32>
    %eq3A_180 = arith.cmpi eq, %select_n3A_124, %eq3A_179 : vector<1x2048xi32>
    %get3A_181 = arith.constant 1 : index
    %get3A_182 = memref.load %arg4[%get3A_181] : memref<8xf32, #tpu.memory_space<smem>>
    %abs3A_183 = math.absf %get3A_182 : f32
    %broadcast_in_dim3A_184 = vector.broadcast %abs3A_183 : f32 to vector<1x2048xf32>
    %select_n3A_185 = arith.select %eq3A_180, %broadcast_in_dim3A_184, %select_n3A_169 : vector<1x2048xi1>, vector<1x2048xf32>
    %eq3A_186 = arith.constant 2 : i32
    %eq3A_187 = vector.broadcast %eq3A_186 : i32 to vector<1x2048xi32>
    %eq3A_188 = arith.cmpi eq, %select_n3A_129, %eq3A_187 : vector<1x2048xi32>
    %get3A_189 = arith.constant 2 : index
    %get3A_190 = memref.load %arg4[%get3A_189] : memref<8xf32, #tpu.memory_space<smem>>
    %abs3A_191 = math.absf %get3A_190 : f32
    %broadcast_in_dim3A_192 = vector.broadcast %abs3A_191 : f32 to vector<1x2048xf32>
    %select_n3A_193 = arith.select %eq3A_188, %broadcast_in_dim3A_192, %select_n3A_177 : vector<1x2048xi1>, vector<1x2048xf32>
    %eq3A_194 = arith.constant 2 : i32
    %eq3A_195 = vector.broadcast %eq3A_194 : i32 to vector<1x2048xi32>
    %eq3A_196 = arith.cmpi eq, %select_n3A_124, %eq3A_195 : vector<1x2048xi32>
    %get3A_197 = arith.constant 2 : index
    %get3A_198 = memref.load %arg4[%get3A_197] : memref<8xf32, #tpu.memory_space<smem>>
    %abs3A_199 = math.absf %get3A_198 : f32
    %broadcast_in_dim3A_200 = vector.broadcast %abs3A_199 : f32 to vector<1x2048xf32>
    %select_n3A_201 = arith.select %eq3A_196, %broadcast_in_dim3A_200, %select_n3A_185 : vector<1x2048xi1>, vector<1x2048xf32>
    %eq3A_202 = arith.constant 3 : i32
    %eq3A_203 = vector.broadcast %eq3A_202 : i32 to vector<1x2048xi32>
    %eq3A_204 = arith.cmpi eq, %select_n3A_129, %eq3A_203 : vector<1x2048xi32>
    %get3A_205 = arith.constant 3 : index
    %get3A_206 = memref.load %arg4[%get3A_205] : memref<8xf32, #tpu.memory_space<smem>>
    %abs3A_207 = math.absf %get3A_206 : f32
    %broadcast_in_dim3A_208 = vector.broadcast %abs3A_207 : f32 to vector<1x2048xf32>
    %select_n3A_209 = arith.select %eq3A_204, %broadcast_in_dim3A_208, %select_n3A_193 : vector<1x2048xi1>, vector<1x2048xf32>
    %eq3A_210 = arith.constant 3 : i32
    %eq3A_211 = vector.broadcast %eq3A_210 : i32 to vector<1x2048xi32>
    %eq3A_212 = arith.cmpi eq, %select_n3A_124, %eq3A_211 : vector<1x2048xi32>
    %get3A_213 = arith.constant 3 : index
    %get3A_214 = memref.load %arg4[%get3A_213] : memref<8xf32, #tpu.memory_space<smem>>
    %abs3A_215 = math.absf %get3A_214 : f32
    %broadcast_in_dim3A_216 = vector.broadcast %abs3A_215 : f32 to vector<1x2048xf32>
    %select_n3A_217 = arith.select %eq3A_212, %broadcast_in_dim3A_216, %select_n3A_201 : vector<1x2048xi1>, vector<1x2048xf32>
    %eq3A_218 = arith.constant 4 : i32
    %eq3A_219 = vector.broadcast %eq3A_218 : i32 to vector<1x2048xi32>
    %eq3A_220 = arith.cmpi eq, %select_n3A_129, %eq3A_219 : vector<1x2048xi32>
    %get3A_221 = arith.constant 4 : index
    %get3A_222 = memref.load %arg4[%get3A_221] : memref<8xf32, #tpu.memory_space<smem>>
    %abs3A_223 = math.absf %get3A_222 : f32
    %broadcast_in_dim3A_224 = vector.broadcast %abs3A_223 : f32 to vector<1x2048xf32>
    %select_n3A_225 = arith.select %eq3A_220, %broadcast_in_dim3A_224, %select_n3A_209 : vector<1x2048xi1>, vector<1x2048xf32>
    %eq3A_226 = arith.constant 4 : i32
    %eq3A_227 = vector.broadcast %eq3A_226 : i32 to vector<1x2048xi32>
    %eq3A_228 = arith.cmpi eq, %select_n3A_124, %eq3A_227 : vector<1x2048xi32>
    %get3A_229 = arith.constant 4 : index
    %get3A_230 = memref.load %arg4[%get3A_229] : memref<8xf32, #tpu.memory_space<smem>>
    %abs3A_231 = math.absf %get3A_230 : f32
    %broadcast_in_dim3A_232 = vector.broadcast %abs3A_231 : f32 to vector<1x2048xf32>
    %select_n3A_233 = arith.select %eq3A_228, %broadcast_in_dim3A_232, %select_n3A_217 : vector<1x2048xi1>, vector<1x2048xf32>
    %eq3A_234 = arith.constant 5 : i32
    %eq3A_235 = vector.broadcast %eq3A_234 : i32 to vector<1x2048xi32>
    %eq3A_236 = arith.cmpi eq, %select_n3A_129, %eq3A_235 : vector<1x2048xi32>
    %get3A_237 = arith.constant 5 : index
    %get3A_238 = memref.load %arg4[%get3A_237] : memref<8xf32, #tpu.memory_space<smem>>
    %abs3A_239 = math.absf %get3A_238 : f32
    %broadcast_in_dim3A_240 = vector.broadcast %abs3A_239 : f32 to vector<1x2048xf32>
    %select_n3A_241 = arith.select %eq3A_236, %broadcast_in_dim3A_240, %select_n3A_225 : vector<1x2048xi1>, vector<1x2048xf32>
    %eq3A_242 = arith.constant 5 : i32
    %eq3A_243 = vector.broadcast %eq3A_242 : i32 to vector<1x2048xi32>
    %eq3A_244 = arith.cmpi eq, %select_n3A_124, %eq3A_243 : vector<1x2048xi32>
    %get3A_245 = arith.constant 5 : index
    %get3A_246 = memref.load %arg4[%get3A_245] : memref<8xf32, #tpu.memory_space<smem>>
    %abs3A_247 = math.absf %get3A_246 : f32
    %broadcast_in_dim3A_248 = vector.broadcast %abs3A_247 : f32 to vector<1x2048xf32>
    %select_n3A_249 = arith.select %eq3A_244, %broadcast_in_dim3A_248, %select_n3A_233 : vector<1x2048xi1>, vector<1x2048xf32>
    %eq3A_250 = arith.constant 6 : i32
    %eq3A_251 = vector.broadcast %eq3A_250 : i32 to vector<1x2048xi32>
    %eq3A_252 = arith.cmpi eq, %select_n3A_129, %eq3A_251 : vector<1x2048xi32>
    %get3A_253 = arith.constant 6 : index
    %get3A_254 = memref.load %arg4[%get3A_253] : memref<8xf32, #tpu.memory_space<smem>>
    %abs3A_255 = math.absf %get3A_254 : f32
    %broadcast_in_dim3A_256 = vector.broadcast %abs3A_255 : f32 to vector<1x2048xf32>
    %select_n3A_257 = arith.select %eq3A_252, %broadcast_in_dim3A_256, %select_n3A_241 : vector<1x2048xi1>, vector<1x2048xf32>
    %eq3A_258 = arith.constant 6 : i32
    %eq3A_259 = vector.broadcast %eq3A_258 : i32 to vector<1x2048xi32>
    %eq3A_260 = arith.cmpi eq, %select_n3A_124, %eq3A_259 : vector<1x2048xi32>
    %get3A_261 = arith.constant 6 : index
    %get3A_262 = memref.load %arg4[%get3A_261] : memref<8xf32, #tpu.memory_space<smem>>
    %abs3A_263 = math.absf %get3A_262 : f32
    %broadcast_in_dim3A_264 = vector.broadcast %abs3A_263 : f32 to vector<1x2048xf32>
    %select_n3A_265 = arith.select %eq3A_260, %broadcast_in_dim3A_264, %select_n3A_249 : vector<1x2048xi1>, vector<1x2048xf32>
    %eq3A_266 = arith.constant 7 : i32
    %eq3A_267 = vector.broadcast %eq3A_266 : i32 to vector<1x2048xi32>
    %eq3A_268 = arith.cmpi eq, %select_n3A_129, %eq3A_267 : vector<1x2048xi32>
    %get3A_269 = arith.constant 7 : index
    %get3A_270 = memref.load %arg4[%get3A_269] : memref<8xf32, #tpu.memory_space<smem>>
    %abs3A_271 = math.absf %get3A_270 : f32
    %broadcast_in_dim3A_272 = vector.broadcast %abs3A_271 : f32 to vector<1x2048xf32>
    %select_n3A_273 = arith.select %eq3A_268, %broadcast_in_dim3A_272, %select_n3A_257 : vector<1x2048xi1>, vector<1x2048xf32>
    %eq3A_274 = arith.constant 7 : i32
    %eq3A_275 = vector.broadcast %eq3A_274 : i32 to vector<1x2048xi32>
    %eq3A_276 = arith.cmpi eq, %select_n3A_124, %eq3A_275 : vector<1x2048xi32>
    %get3A_277 = arith.constant 7 : index
    %get3A_278 = memref.load %arg4[%get3A_277] : memref<8xf32, #tpu.memory_space<smem>>
    %abs3A_279 = math.absf %get3A_278 : f32
    %broadcast_in_dim3A_280 = vector.broadcast %abs3A_279 : f32 to vector<1x2048xf32>
    %select_n3A_281 = arith.select %eq3A_276, %broadcast_in_dim3A_280, %select_n3A_265 : vector<1x2048xi1>, vector<1x2048xf32>
    %mul3A_282 = arith.constant 2048 : i32
    %mul3A_283 = arith.muli %arg0, %mul3A_282 : i32
    %mul3A_284 = arith.constant 2048 : i32
    %mul3A_285 = arith.muli %arg1, %mul3A_284 : i32
    %add3A_286 = arith.addi %mul3A_283, %mul3A_285 : i32
    %iota3A = tpu.iota {dimensions = array<i32: 1>} : vector<1x2048xi32>
    %add3A_287 = vector.broadcast %add3A_286 : i32 to vector<1x2048xi32>
    %add3A_288 = arith.addi %add3A_287, %iota3A : vector<1x2048xi32>
    %mul3A_289 = arith.constant 4096 : i32
    %mul3A_290 = vector.broadcast %mul3A_289 : i32 to vector<1x2048xi32>
    %mul3A_291 = arith.muli %select_n3A_129, %mul3A_290 : vector<1x2048xi32>
    %add3A_292 = arith.addi %mul3A_291, %add3A_288 : vector<1x2048xi32>
    %reshape3A = vector.shape_cast %add3A_292 : vector<1x2048xi32> to vector<2048xi32>
    %swap3A = arith.constant 0 : index
    %swap3A_293 = vector.load %arg7[%swap3A] : memref<2048xi32, #tpu.memory_space<vmem>>, vector<2048xi32>
    tpu.vector_store %arg7[%swap3A], %reshape3A {strides = array<i32>} : memref<2048xi32, #tpu.memory_space<vmem>>, vector<2048xi32>,
    %mul3A_294 = arith.constant 4096 : i32
    %mul3A_295 = vector.broadcast %mul3A_294 : i32 to vector<1x2048xi32>
    %mul3A_296 = arith.muli %select_n3A_124, %mul3A_295 : vector<1x2048xi32>
    %add3A_297 = arith.addi %mul3A_296, %add3A_288 : vector<1x2048xi32>
    %reshape3A_298 = vector.shape_cast %add3A_297 : vector<1x2048xi32> to vector<2048xi32>
    %swap3A_299 = arith.constant 0 : index
    %swap3A_300 = vector.load %arg8[%swap3A_299] : memref<2048xi32, #tpu.memory_space<vmem>>, vector<2048xi32>
    tpu.vector_store %arg8[%swap3A_299], %reshape3A_298 {strides = array<i32>} : memref<2048xi32, #tpu.memory_space<vmem>>, vector<2048xi32>,
    %mul3A_301 = arith.mulf %div3A_147, %select_n3A_273 : vector<1x2048xf32>
    %reshape3A_302 = vector.shape_cast %mul3A_301 : vector<1x2048xf32> to vector<2048xf32>
    %swap3A_303 = arith.constant 0 : index
    %swap3A_304 = vector.load %arg9[%swap3A_303] : memref<2048xf32, #tpu.memory_space<vmem>>, vector<2048xf32>
    tpu.vector_store %arg9[%swap3A_303], %reshape3A_302 {strides = array<i32>} : memref<2048xf32, #tpu.memory_space<vmem>>, vector<2048xf32>,
    %mul3A_305 = arith.mulf %div3A_151, %select_n3A_281 : vector<1x2048xf32>
    %reshape3A_306 = vector.shape_cast %mul3A_305 : vector<1x2048xf32> to vector<2048xf32>
    %swap3A_307 = arith.constant 0 : index
    %swap3A_308 = vector.load %arg10[%swap3A_307] : memref<2048xf32, #tpu.memory_space<vmem>>, vector<2048xf32>
    tpu.vector_store %arg10[%swap3A_307], %reshape3A_306 {strides = array<i32>} : memref<2048xf32, #tpu.memory_space<vmem>>, vector<2048xf32>,
    return
  }
  func.func @transform_0(%arg0: i32, %arg1: i32) -> i32 {
    %c0_i32 = arith.constant 0 : i32
    %c0_i32_0 = arith.constant 0 : i32
    return %c0_i32 : i32
  }
  func.func @transform_1(%arg0: i32, %arg1: i32) -> i32 {
    %c0_i32 = arith.constant 0 : i32
    %c0_i32_0 = arith.constant 0 : i32
    return %c0_i32 : i32
  }
  func.func @transform_2(%arg0: i32, %arg1: i32) -> i32 {
    %c0_i32 = arith.constant 0 : i32
    %c0_i32_0 = arith.constant 0 : i32
    return %c0_i32 : i32
  }
  func.func @transform_3(%arg0: i32, %arg1: i32) -> (i32, i32, i32) {
    %c0_i32 = arith.constant 0 : i32
    %c0_i32_0 = arith.constant 0 : i32
    return %arg0, %arg1, %c0_i32 : i32, i32, i32
  }
  func.func @transform_4(%arg0: i32, %arg1: i32) -> (i32, i32) {
    %c0_i32 = arith.constant 0 : i32
    %c0_i32_0 = arith.constant 0 : i32
    %c0_i32_1 = arith.constant 0 : i32
    return %c0_i32, %c0_i32_0 : i32, i32
  }
  func.func @transform_5(%arg0: i32, %arg1: i32) -> i32 {
    %mul3A = arith.constant 1 : i32
    %mul3A_0 = arith.muli %arg0, %mul3A : i32
    %add3A = arith.addi %mul3A_0, %arg1 : i32
    %c0_i32 = arith.constant 0 : i32
    return %add3A : i32
  }
  func.func @transform_6(%arg0: i32, %arg1: i32) -> i32 {
    %mul3A = arith.constant 1 : i32
    %mul3A_0 = arith.muli %arg0, %mul3A : i32
    %add3A = arith.addi %mul3A_0, %arg1 : i32
    %c0_i32 = arith.constant 0 : i32
    return %add3A : i32
  }
  func.func @transform_7(%arg0: i32, %arg1: i32) -> i32 {
    %mul3A = arith.constant 1 : i32
    %mul3A_0 = arith.muli %arg0, %mul3A : i32
    %add3A = arith.addi %mul3A_0, %arg1 : i32
    %c0_i32 = arith.constant 0 : i32
    return %add3A : i32
  }
  func.func @transform_8(%arg0: i32, %arg1: i32) -> i32 {
    %mul3A = arith.constant 1 : i32
    %mul3A_0 = arith.muli %arg0, %mul3A : i32
    %add3A = arith.addi %mul3A_0, %arg1 : i32
    %c0_i32 = arith.constant 0 : i32
    return %add3A : i32
  }
}

</mosaic_0001>

<sc_bundles>
// kernel: kernel.4.cloned.1.call-start
scs
__scs_entry_jumppad:
0x0: {  	(pc) =	sbr.rel $0x88, $3  }
0x1: {  	(tag) =	ssettag $0x0;
	lr =	simm.s32 $0x1  }
0x2: {  	[smem:$0x3F9B] =	sst lr;
	_ =	strace $0xD0000000  }
0x3: {  	_ = 	snop  }
0x4: {  	_ = 	snop  }
0x5: {  	_ = 	snop  }
0x6: {  	_ = 	snop  }
0x7: {  	_ = 	snop  }
__scs_overlays_trampoline_lowered:
0x8: {  	[smem:$0x3FAA] =	sst s0  }
0x9: {  	[smem:$0x3FAB] =	sst s1  }
0xa: {  	[smem:$0x3FAC] =	sst s2  }
0xb: {  	[smem:$0x3FAD] =	sst s3  }
0xc: {  	[smem:$0x3FAE] =	sst s4  }
0xd: {  	[smem:$0x3FAF] =	sst s5  }
0xe: {  	[smem:$0x3FB0] =	sst s6  }
0xf: {  	[smem:$0x3FB1] =	sst s7  }
0x10: {  	[smem:$0x3FB2] =	sst s8  }
0x11: {  	[smem:$0x3FB3] =	sst s9;
	s0 =	simm.s32 @!p0 $0x0  }
0x12: {  	s1 =	sld [smem:$0x3F99];
	s0 =	simm.s32 @p0 $0x1  }
0x13: {  	[smem:$0x3FB4] =	sst s0;
	s0 =	simm.s32 @!p1 $0x0  }
0x14: {  	s2 =	sld [smem:$0x3F98];
	s0 =	simm.s32 @p1 $0x1  }
0x15: {  	[smem:$0x3FB5] =	sst s0;
	s0 =	simm.s32 @!p2 $0x0  }
0x16: {  	s3 =	sld [smem:$0x3FDB];
	s0 =	simm.s32 @p2 $0x1  }
0x17: {  	s4 =	simm.s32 $0x1BF5;
	[smem:$0x3FB7] =	sst s0  }
0x18: {  	s0 =	sld [smem:$0x3F9A];
	_ =	swait.ge [sflag:s4], $0x0  }
0x19: {  	s7 =	sld [smem:$0x3F9B]  }
0x1a: {  	s8 =	sadd.s32 $0xFFFFE003, lr  }
0x1b: {  	s9 =	sadd.s32 $0xFFFFFEF7, lr;
	s5 =	simm.s32 $0xFFFFFFFF;
	p2 =	slt.u32 s8, $0xFFFFF086  }
0x1c: {  	p1 =	slt.u32 s9, $0xF7A;
	s5 =	simm.s32 @!p2 $0x0  }
0x1d: {  	s5 =	simm.s32 @p1 $0x1;
	p0 =	seq.s32 s7, s2  }
0x1e: {  	s7 =	smul.u32 @!p0 $0xF7A, s2;
	p2 =	seq.s32 @!p0 s5, $0x0  }
0x1f: {  	s9 =	smul.u32 $0xF7A, s1;
	s8 =	simm.s32 @!p0 $0x1BF5;
	p2 =	por !p2, p0  }
0x20: {  	[sflag:s8] =	ssyncset.s32 @!p0 $0xFFFFF086;
	s6 =	sadd.s32 @!p0 s3, s7;
	s7 =	simm.s32 @!p0 $0x108  }
0x21: {  	s3 =	sadd.s32 s3, s9;
	s6 =	sadd.s32 @!p0 $0x88, s6;
	s7 =	simm.s32 @p2 $0x1082  }
0x22: {  	[simem:s7], [sflag:s8] =	dma.local @!p0 [hbm:s6], $0xF7A  }
0x23: {  	s9 =	sor.u32 $0xD0000000, s2;
	s6 =	simm.s32 $0x108;
	_ =	swait.ge @!p0 [sflag:s8], $0x0  }
0x24: {  	s3 =	sadd.s32 $0x88, s3;
	s6 =	simm.s32 @!p1 $0x1082;
	[sflag:s4] =	ssyncset.s32 $0xFFFFF086  }
0x25: {  	[simem:s6], [sflag:s4] =	dma.local [hbm:s3], $0xF7A  }
0x26: {  	[smem:$0x3F9B] =	sst s1;
	(tag) =	ssettag s2;
	_ =	strace s9  }
0x27: {  	s1 =	sld [smem:$0x3FAB]  }
0x28: {  	s2 =	sld [smem:$0x3FAC]  }
0x29: {  	s4 =	sld [smem:$0x3FAE]  }
0x2a: {  	p0 =	seq.s32 s5, $0x0;
	s5 =	sld [smem:$0x3FAF]  }
0x2b: {  	s6 =	sld [smem:$0x3FB0]  }
0x2c: {  	s7 =	sld [smem:$0x3FB1]  }
0x2d: {  	s3 =	simm.s32 $0x108;
	s8 =	sld [smem:$0x3FB2]  }
0x2e: {  	s3 =	simm.s32 @!p0 $0x1082;
	s9 =	sld [smem:$0x3FB3]  }
0x2f: {  	lr =	sadd.s32 s0, s3;
	s0 =	sld [smem:$0x3FAA]  }
0x30: {  	s3 =	sld [smem:$0x3FAD]  }
0x31: {  	[smem:$0x3FB6] =	sst s10  }
0x32: {  	s10 =	sld [smem:$0x3FB4];
	_ =	sdelay $0x3  }
0x33: {  	p0 =	seq.s32 s10, $0x1;
	s10 =	sld [smem:$0x3FB6];
	_ =	sdelay $0x3  }
0x34: {  	[smem:$0x3FB6] =	sst s10  }
0x35: {  	s10 =	sld [smem:$0x3FB5];
	_ =	sdelay $0x3  }
0x36: {  	p1 =	seq.s32 s10, $0x1;
	s10 =	sld [smem:$0x3FB6];
	_ =	sdelay $0x3  }
0x37: {  	[smem:$0x3FB6] =	sst s10  }
0x38: {  	s10 =	sld [smem:$0x3FB7]  }
0x39: {  	_ = 	snop;
	(pc) =	sbr.ind lr, $3  }
0x3a: {  	_ = 	snop  }
0x3b: {  	_ = 	snop  }
0x3c: {  	p2 =	seq.s32 s10, $0x1;
	s10 =	sld [smem:$0x3FB6]  }
0x3d: {  	_ =	shalt  }
0x3e: {  	_ =	shalt  }
0x3f: {  	_ =	shalt  }
0x40: {  	_ =	shalt  }
0x41: {  	_ =	shalt  }
0x42: {  	_ =	shalt  }
0x43: {  	_ =	shalt  }
0x44: {  	_ =	shalt  }
0x45: {  	_ =	shalt  }
0x46: {  	_ =	shalt  }
0x47: {  	_ =	shalt  }
0x48: {  	_ =	shalt  }
0x49: {  	_ =	shalt  }
0x4a: {  	_ =	shalt  }
0x4b: {  	_ =	shalt  }
0x4c: {  	_ =	shalt  }
0x4d: {  	_ =	shalt  }
0x4e: {  	_ =	shalt  }
0x4f: {  	_ =	shalt  }
0x50: {  	_ =	shalt  }
0x51: {  	_ =	shalt  }
0x52: {  	_ =	shalt  }
0x53: {  	_ =	shalt  }
0x54: {  	_ =	shalt  }
0x55: {  	_ =	shalt  }
0x56: {  	_ =	shalt  }
0x57: {  	_ =	shalt  }
0x58: {  	_ =	shalt  }
0x59: {  	_ =	shalt  }
0x5a: {  	_ =	shalt  }
0x5b: {  	_ =	shalt  }
0x5c: {  	_ =	shalt  }
0x5d: {  	_ =	shalt  }
0x5e: {  	_ =	shalt  }
0x5f: {  	_ =	shalt  }
0x60: {  	_ =	shalt  }
0x61: {  	_ =	shalt  }
0x62: {  	_ =	shalt  }
0x63: {  	_ =	shalt  }
0x64: {  	_ =	shalt  }
0x65: {  	_ =	shalt  }
0x66: {  	_ =	shalt  }
0x67: {  	_ =	shalt  }
0x68: {  	_ =	shalt  }
0x69: {  	_ =	shalt  }
0x6a: {  	_ =	shalt  }
0x6b: {  	_ =	shalt  }
0x6c: {  	_ =	shalt  }
0x6d: {  	_ =	shalt  }
0x6e: {  	_ =	shalt  }
0x6f: {  	_ =	shalt  }
0x70: {  	_ =	shalt  }
0x71: {  	_ =	shalt  }
0x72: {  	_ =	shalt  }
0x73: {  	_ =	shalt  }
0x74: {  	_ =	shalt  }
0x75: {  	_ =	shalt  }
0x76: {  	_ =	shalt  }
0x77: {  	_ =	shalt  }
0x78: {  	_ =	shalt  }
0x79: {  	_ =	shalt  }
0x7a: {  	_ =	shalt  }
0x7b: {  	_ =	shalt  }
0x7c: {  	_ =	shalt  }
0x7d: {  	_ =	shalt  }
0x7e: {  	_ =	shalt  }
0x7f: {  	_ =	shalt  }
0x80: {  	_ =	shalt  }
0x81: {  	_ =	shalt  }
0x82: {  	_ =	shalt  }
0x83: {  	_ =	shalt  }
0x84: {  	_ =	shalt  }
0x85: {  	_ =	shalt  }
0x86: {  	_ =	shalt  }
0x87: {  	_ =	shalt  }
.Lfunc_end0:
.L_simem_size_0:
called_computation_lowered:
.L_overlay_start_0:
0x88: {  	s2 =	sld [smem:$0x3FD9]  }
0x89: {  	s3 =	sld [smem:$0x3FFE];
	_ =	sdelay $0x1  }
0x8a: {  	s1 =	srdreg.scid  }
0x8b: {  	s0 =	sand.u32 $0x1, s1  }
0x8c: {  	s17 =	sshll.u32 s0, $0xA;
	s2 =	sadd.s32 s3, s2  }
0x8d: {  	s2 =	sadd.s32 s2, s17  }
0x8e: {  	[smem:$0x3FC2] =	sst s2  }
0x8f: {  	_ = 	snop  }
0x90: {  	s2 =	sld [smem:$0x3FC8]  }
0x91: {  	s18 =	sld [smem:$0x3FD0];
	(tm) =	ssettm $0x1  }
0x92: {  	s4 =	sld [smem:$0x3FFB];
	_ =	sdelay $0x3  }
0x93: {  	_ =	strace s4  }
0x94: {  	s4 =	sld [smem:$0x3FFC];
	_ =	sdelay $0x3  }
0x95: {  	_ =	strace s4  }
0x96: {  	s4 =	sld [smem:$0x3FFD];
	_ =	sdelay $0x3  }
0x97: {  	_ =	strace s4  }
0x98: {  	_ =	strace $0x8FFFFFFF  }
0x99: {  	s19 =	sld [smem:$0x3FDB];
	_ =	sdelay $0x1  }
0x9a: {  	s5 =	simm.s32 $_scs_section_size  }
0x9b: {  	s6 =	simm.s32 $_size__tile_overlayer_lowered;
	s7 =	simm.s32 $_tile_overlayer_lowered  }
0x9c: {  	s22 =	simm.s32 $0x1BFF;
	s21 =	sshll.u32 s7, $0x1;
	s4 =	sadd.s32 s5, s19  }
0x9d: {  	s8 =	simm.s32 $0x0;
	s20 =	sshll.u32 s6, $0x1;
	s6 =	sadd.s32 s21, s4  }
0x9e: {  	[timem:s8], [sflag:s22] =	dma.local [hbm:s6], s20  }
0x9f: {  	_ =	swait.ge [sflag:s22], s20  }
0xa0: {  	s5 =	ssub.s32 $0x0, s20;
	[sflag:s22] =	ssyncset.done $0x0  }
0xa1: {  	[sflag:s22] =	ssyncadd.s32 s5;
	_ =	sdelay $0x1  }
0xa2: {  	s23 =	simm.s32 $0x1B8B  }
0xa3: {  	_ =	swait.ge [sflag:s23], $0x1  }
0xa4: {  	[sflag:s23] =	ssyncset.done $0x0  }
0xa5: {  	s25 =	simm.s32 $0x1B8E;
	s24 =	sld [smem:$0x3FFE];
	[sflag:s23] =	ssyncadd.s32 $0xFFFFFFFF  }
0xa6: {  	s26 =	simm.s32 $execute0_lowered;
	[smem:$0x3FD2] =	sst s25  }
0xa7: {  	s6 =	sshll.u32 s26, $0x1;
	_ =	strace $0x80000046;
	[dreg:$0x1] =	wrdreg $0xFFFFFFFF  }
0xa8: {  	s28 =	simm.s32 $_size_execute0_lowered;
	s4 =	sadd.s32 s4, s6;
	[dreg:$0x0] =	wrdreg $0x0  }
0xa9: {  	s6 =	sshll.u32 s28, $0x1;
	[dreg:$0x2] =	wrdreg s4  }
0xaa: {  	[dreg:$0x3] =	wrdreg s6  }
0xab: {  	[dreg:$0x4] =	wrdreg $0xC0  }
0xac: {  	_ =	task [dreg:s8], $0x5FFFF  }
0xad: {  	[dreg:$0x1] =	wrdreg $0xFFFFFFFF  }
0xae: {  	[dreg:$0x0] =	wrdreg $0x60  }
0xaf: {  	[dreg:$0x2] =	wrdreg s2  }
0xb0: {  	[dreg:$0x3] =	wrdreg s24  }
0xb1: {  	[dreg:$0x4] =	wrdreg s18  }
0xb2: {  	[dreg:$0x5] =	wrdreg $0x9  }
0xb3: {  	_ =	task.clear_ibuf [dreg:s8], $0x6FFFF;
	_ =	strace $0x90000046  }
0xb4: {  	s29 =	simm.s32 $0x9;
	_ =	strace $0x80000048  }
0xb5: {  	_ =	swait.ge [sflag:s29], $0x1  }
0xb6: {  	[sflag:s29] =	ssyncadd.s32 $0xFFFFFFFF  }
0xb7: {  	_ =	strace $0x90000048  }
0xb8: {  	_ =	sfence  }
0xb9: {  	s30 =	sld [smem:$0x0];
	_ =	sdelay $0x2  }
0xba: {  	s31 =	sshll.u32 s1, $0xD;
	s1 =	sshrl.u32 s1, $0x2  }
0xbb: {  	s3 =	sand.u32 $0x4000, s31;
	s1 =	sadd.s32 s1, s30  }
0xbc: {  	s0 =	sor.u32 s3, s0;
	s1 =	sshll.u32 s1, $0x11  }
0xbd: {  	s0 =	sor.u32 s1, s0  }
0xbe: {  	s0 =	sadd.s32 $0x8F2B, s0  }
0xbf: {  	[sflag:s0] =	ssyncadd.remote.s32 $0x1  }
0xc0: {  	_ =	sfence.sel $0xFFFF  }
0xc1: {  	[dreg:$0x0] =	wrdreg $0xFFFFFFFF;
	(pc) =	sbr.abs _section_cstart, $3  }
0xc2: {  	[dreg:$0x1] =	wrdreg $0xFFFFFFFF  }
0xc3: {  	_ =	task.clear_ibuf [dreg:s8], $0x2FFFF;
	_ =	strace $0x9FFFFFFF  }
0xc4: {  	(tm) =	ssettm $0x7FFFFFFF  }
0xc5: {  	_ =	shalt  }
tec
execute0_lowered:
.L_overlay_start_1:
0x0: {  	(tag) =	ssettag $0x1  }
0x1: {  	s1 =	rddreg [dreg:$0x0]  }
0x2: {  	s0 =	srdreg.scid;
	s2 =	rddreg [dreg:$0x1]  }
0x3: {  	s4 =	stileid.u32;
	s3 =	rddreg [dreg:$0x2];
	s28 =	simm.s32 $0x4  }
0x4: {  	s30 =	simm.s32 $0x5;
	s31 =	simm.s32 $0x6;
	s0 =	sand.u32 $0x1, s0  }
0x5: {  	s4 =	sshll.u32 s4, $0x8;
	s5 =	sshll.u32 s0, $0x7;
	s0 =	ssub.s32 $0x2, s0  }
0x6: {  	s14 =	simm.s32 $0x8;
	s4 =	sor.u32 s5, s4;
	s24 =	sshrl.u32 s0, $0x1  }
0x7: {  	v1 =	vlaneseq.u32;
	vm0 =	vmmov $0xffff;
	v2 =	vimm.s32 $0x0;
	s5 =	simm.s32 $0x0;
	s6 =	sshrl.u32 s4, $0x3;
	s0 =	ssub.s32 s0, s24  }
0x8: {  	v3 =	vimm.s32 $0x1;
	v4 =	vimm.s32 $0x2;
	v5 =	vimm.s32 $0x3;
	[smem:$0x7FF] =	sst s5;
	s2 =	sadd.s32 s6, s2;
	s0 =	smax.u32 s0, $0x1  }
0x9: {  	v6 =	vimm.s32 $0x4;
	v7 =	vimm.s32 $0x5;
	v8 =	vimm.s32 $0x6;
	_ =	strace $0x80000047;
	s25 =	sadd.s32 $0x1600, s2;
	[dreg:$0x8] =	wrdreg s0  }
0xa: {  	v9 =	vimm.s32 $0x7;
	v10 =	vimm.s32 $0x8;
	v11 =	vimm.s32 $0x9;
	s7 =	simm.s32 $0x0;
	s26 =	sadd.s32 $0x1800, s2;
	[dreg:$0x4] =	wrdreg s25  }
0xb: {  	v12 =	vimm.s32 $0xA;
	v13 =	vimm.s32 $0xB;
	v14 =	vimm.s32 $0xC;
	s10 =	sadd.s32 $0x100, s1;
	s29 =	sadd.s32 $0x1A00, s2;
	[dreg:$0x5] =	wrdreg s26  }
0xc: {  	v15 =	vimm.s32 $0xD;
	s11 =	sadd.s32 $0x200, s1;
	v0 =	vand.u32 $0x7, v1;
	v1 =	vshrl.u32 v1, $0x3;
	s2 =	sadd.s32 $0x1C00, s2;
	[dreg:$0x6] =	wrdreg s29  }
0xd: {  	v16 =	vimm.s32 $0xE;
	v17 =	vimm.s32 $0xF;
	s12 =	sadd.s32 $0x300, s1;
	v1 =	vmul.u32 $0x8, v1;
	s0 =	simm.s32 $0x7;
	[dreg:$0x7] =	wrdreg s2  }
.LBB2_1:
0xe: {  	[dreg:$0x9] =	wrdreg s7  }
0xf: {  	s2 =	rddreg [dreg:$0x4]  }
0x10: {  	[tilespmem:s5], [sflag:$0xD] =	stream.linear.gather [hbm4b:s2+s5], $0x80, $0x38;
	[tilespmem:$0x18200] =	vst v63  }
0x11: {  	s23 =	rddreg [dreg:$0x5];
	s6 =	simm.s32 $0x80  }
0x12: {  	[tilespmem:s6], [sflag:$0xE] =	stream.linear.gather [hbm4b:s23+s5], $0x80, $0x38;
	[tilespmem:$0x18200] =	vst v63  }
0x13: {  	s24 =	rddreg [dreg:$0x6];
	s25 =	simm.s32 $0x100  }
0x14: {  	[tilespmem:s25], [sflag:$0xF] =	stream.linear.gather [hbm4b:s24+s5], $0x80, $0x38;
	[tilespmem:$0x18200] =	vst v63  }
0x15: {  	s26 =	rddreg [dreg:$0x7];
	s29 =	simm.s32 $0x180;
	s6 =	simm.s32 $0xD  }
0x16: {  	[tilespmem:s29], [sflag:$0x10] =	stream.linear.gather [hbm4b:s26+s5], $0x80, $0x38;
	[tilespmem:$0x18200] =	vst v63  }
0x17: {  	_ =	swait.ge [sflag:s6], $0x80  }
0x18: {  	[sflag:s6] =	ssyncset.done $0x0  }
0x19: {  	s7 =	simm.s32 $0xE;
	[sflag:s6] =	ssyncadd.s32 $0xFFFFFF80  }
0x1a: {  	_ =	swait.ge [sflag:s7], $0x80  }
0x1b: {  	[sflag:s7] =	ssyncset.done $0x0  }
0x1c: {  	s8 =	simm.s32 $0xF;
	[sflag:s7] =	ssyncadd.s32 $0xFFFFFF80  }
0x1d: {  	_ =	swait.ge [sflag:s8], $0x80  }
0x1e: {  	[sflag:s8] =	ssyncset.done $0x0  }
0x1f: {  	s9 =	simm.s32 $0x10;
	[sflag:s8] =	ssyncadd.s32 $0xFFFFFF80  }
0x20: {  	_ =	swait.ge [sflag:s9], $0x80  }
0x21: {  	[sflag:s9] =	ssyncset.done $0x0  }
0x22: {  	[sflag:s9] =	ssyncadd.s32 $0xFFFFFF80  }
0x23: {  	v18 =	vld.msk [tilespmem:$0x0], $0xff;
	_ =	sdelay $0x4  }
0x24: {  	v19 =	vshll.u32 v18, $0x3  }
0x25: {  	v18 =	vand.u32 $0x7, v18;
	v19 =	vand.u32 $0xFFFFFFC0, v19  }
0x26: {  	v18 =	vor.u32 v18, v19  }
0x27: {  	v18 =	vperm.xlane v18, v0;
	_ =	sdelay $0x1  }
0x28: {  	v18 =	vadd.s32 v1, v18;
	_ =	sdelay $0x3  }
0x29: {  	s13 =	simm.s32 $0x200  }
0x2a: {  	[tilespmem:s13], [sflag:$0x1] =	stream.indirect_vreg.gather [hbm4b:s1+s5], $0x80, v18, vm0, $0xb8;
	[tilespmem:$0x18200] =	vst v63  }
0x2b: {  	s15 =	simm.s32 $0xA00  }
0x2c: {  	[tilespmem:s15], [sflag:$0x1] =	stream.indirect_vreg.gather [hbm4b:s10+s5], $0x80, v18, vm0, $0xb8;
	[tilespmem:$0x18200] =	vst v63  }
0x2d: {  	s16 =	simm.s32 $0x1200  }
0x2e: {  	[tilespmem:s16], [sflag:$0x1] =	stream.indirect_vreg.gather [hbm4b:s11+s5], $0x80, v18, vm0, $0xb8;
	[tilespmem:$0x18200] =	vst v63  }
0x2f: {  	s17 =	simm.s32 $0x1A00  }
0x30: {  	[tilespmem:s17], [sflag:$0x1] =	stream.indirect_vreg.gather [hbm4b:s12+s5], $0x80, v18, vm0, $0xb8;
	[tilespmem:$0x18200] =	vst v63  }
0x31: {  	v18 =	vld.msk [tilespmem:$0x80], $0xff;
	_ =	sdelay $0x4  }
0x32: {  	v19 =	vshll.u32 v18, $0x3  }
0x33: {  	v18 =	vand.u32 $0x7, v18;
	v19 =	vand.u32 $0xFFFFFFC0, v19  }
0x34: {  	v18 =	vor.u32 v18, v19  }
0x35: {  	v18 =	vperm.xlane v18, v0;
	_ =	sdelay $0x1  }
0x36: {  	v18 =	vadd.s32 v1, v18;
	_ =	sdelay $0x3  }
0x37: {  	s18 =	simm.s32 $0x2200  }
0x38: {  	[tilespmem:s18], [sflag:$0x2] =	stream.indirect_vreg.gather [hbm4b:s1+s5], $0x80, v18, vm0, $0xb8;
	[tilespmem:$0x18200] =	vst v63  }
0x39: {  	s19 =	simm.s32 $0x2A00  }
0x3a: {  	[tilespmem:s19], [sflag:$0x2] =	stream.indirect_vreg.gather [hbm4b:s10+s5], $0x80, v18, vm0, $0xb8;
	[tilespmem:$0x18200] =	vst v63  }
0x3b: {  	s20 =	simm.s32 $0x3200  }
0x3c: {  	[tilespmem:s20], [sflag:$0x2] =	stream.indirect_vreg.gather [hbm4b:s11+s5], $0x80, v18, vm0, $0xb8;
	[tilespmem:$0x18200] =	vst v63  }
0x3d: {  	s21 =	simm.s32 $0x3A00  }
0x3e: {  	[tilespmem:s21], [sflag:$0x2] =	stream.indirect_vreg.gather [hbm4b:s12+s5], $0x80, v18, vm0, $0xb8;
	[tilespmem:$0x18200] =	vst v63  }
0x3f: {  	v18 =	vld.msk [tilespmem:$0x8], $0xff;
	_ =	sdelay $0x4  }
0x40: {  	v19 =	vshll.u32 v18, $0x3  }
0x41: {  	v18 =	vand.u32 $0x7, v18;
	v19 =	vand.u32 $0xFFFFFFC0, v19  }
0x42: {  	v18 =	vor.u32 v18, v19  }
0x43: {  	v18 =	vperm.xlane v18, v0;
	_ =	sdelay $0x1  }
0x44: {  	v18 =	vadd.s32 v1, v18;
	_ =	sdelay $0x3  }
0x45: {  	s22 =	simm.s32 $0x4200  }
0x46: {  	[tilespmem:s22], [sflag:$0x3] =	stream.indirect_vreg.gather [hbm4b:s1+s5], $0x80, v18, vm0, $0xb8;
	[tilespmem:$0x18200] =	vst v63  }
0x47: {  	s23 =	simm.s32 $0x4A00  }
0x48: {  	[tilespmem:s23], [sflag:$0x3] =	stream.indirect_vreg.gather [hbm4b:s10+s5], $0x80, v18, vm0, $0xb8;
	[tilespmem:$0x18200] =	vst v63  }
0x49: {  	s24 =	simm.s32 $0x5200  }
0x4a: {  	[tilespmem:s24], [sflag:$0x3] =	stream.indirect_vreg.gather [hbm4b:s11+s5], $0x80, v18, vm0, $0xb8;
	[tilespmem:$0x18200] =	vst v63  }
0x4b: {  	s25 =	simm.s32 $0x5A00  }
0x4c: {  	[tilespmem:s25], [sflag:$0x3] =	stream.indirect_vreg.gather [hbm4b:s12+s5], $0x80, v18, vm0, $0xb8;
	[tilespmem:$0x18200] =	vst v63  }
0x4d: {  	v18 =	vld.msk [tilespmem:$0x88], $0xff;
	_ =	sdelay $0x4  }
0x4e: {  	v19 =	vshll.u32 v18, $0x3  }
0x4f: {  	v18 =	vand.u32 $0x7, v18;
	v19 =	vand.u32 $0xFFFFFFC0, v19  }
0x50: {  	v18 =	vor.u32 v18, v19  }
0x51: {  	v18 =	vperm.xlane v18, v0;
	_ =	sdelay $0x1  }
0x52: {  	v18 =	vadd.s32 v1, v18;
	_ =	sdelay $0x3  }
0x53: {  	s26 =	simm.s32 $0x6200  }
0x54: {  	[tilespmem:s26], [sflag:$0x4] =	stream.indirect_vreg.gather [hbm4b:s1+s5], $0x80, v18, vm0, $0xb8;
	[tilespmem:$0x18200] =	vst v63  }
0x55: {  	s29 =	simm.s32 $0x6A00  }
0x56: {  	[tilespmem:s29], [sflag:$0x4] =	stream.indirect_vreg.gather [hbm4b:s10+s5], $0x80, v18, vm0, $0xb8;
	[tilespmem:$0x18200] =	vst v63  }
0x57: {  	s6 =	simm.s32 $0x7200  }
0x58: {  	[tilespmem:s6], [sflag:$0x4] =	stream.indirect_vreg.gather [hbm4b:s11+s5], $0x80, v18, vm0, $0xb8;
	[tilespmem:$0x18200] =	vst v63  }
0x59: {  	s7 =	simm.s32 $0x7A00  }
0x5a: {  	[tilespmem:s7], [sflag:$0x4] =	stream.indirect_vreg.gather [hbm4b:s12+s5], $0x80, v18, vm0, $0xb8;
	[tilespmem:$0x18200] =	vst v63  }
0x5b: {  	v18 =	vld.msk [tilespmem:$0x10], $0xff;
	_ =	sdelay $0x4  }
0x5c: {  	v19 =	vshll.u32 v18, $0x3  }
0x5d: {  	v18 =	vand.u32 $0x7, v18;
	v19 =	vand.u32 $0xFFFFFFC0, v19  }
0x5e: {  	v18 =	vor.u32 v18, v19  }
0x5f: {  	v18 =	vperm.xlane v18, v0;
	_ =	sdelay $0x1  }
0x60: {  	v18 =	vadd.s32 v1, v18;
	_ =	sdelay $0x3  }
0x61: {  	s8 =	simm.s32 $0x8200  }
0x62: {  	[tilespmem:s8], [sflag:$0x5] =	stream.indirect_vreg.gather [hbm4b:s1+s5], $0x80, v18, vm0, $0xb8;
	[tilespmem:$0x18200] =	vst v63  }
0x63: {  	s9 =	simm.s32 $0x8A00  }
0x64: {  	[tilespmem:s9], [sflag:$0x5] =	stream.indirect_vreg.gather [hbm4b:s10+s5], $0x80, v18, vm0, $0xb8;
	[tilespmem:$0x18200] =	vst v63  }
0x65: {  	s13 =	simm.s32 $0x9200  }
0x66: {  	[tilespmem:s13], [sflag:$0x5] =	stream.indirect_vreg.gather [hbm4b:s11+s5], $0x80, v18, vm0, $0xb8;
	[tilespmem:$0x18200] =	vst v63  }
0x67: {  	s15 =	simm.s32 $0x9A00  }
0x68: {  	[tilespmem:s15], [sflag:$0x5] =	stream.indirect_vreg.gather [hbm4b:s12+s5], $0x80, v18, vm0, $0xb8;
	[tilespmem:$0x18200] =	vst v63  }
0x69: {  	v18 =	vld.msk [tilespmem:$0x90], $0xff;
	_ =	sdelay $0x4  }
0x6a: {  	v19 =	vshll.u32 v18, $0x3  }
0x6b: {  	v18 =	vand.u32 $0x7, v18;
	v19 =	vand.u32 $0xFFFFFFC0, v19  }
0x6c: {  	v18 =	vor.u32 v18, v19  }
0x6d: {  	v18 =	vperm.xlane v18, v0;
	_ =	sdelay $0x1  }
0x6e: {  	v18 =	vadd.s32 v1, v18;
	_ =	sdelay $0x3  }
0x6f: {  	s16 =	simm.s32 $0xA200  }
0x70: {  	[tilespmem:s16], [sflag:$0x6] =	stream.indirect_vreg.gather [hbm4b:s1+s5], $0x80, v18, vm0, $0xb8;
	[tilespmem:$0x18200] =	vst v63  }
0x71: {  	s17 =	simm.s32 $0xAA00  }
0x72: {  	[tilespmem:s17], [sflag:$0x6] =	stream.indirect_vreg.gather [hbm4b:s10+s5], $0x80, v18, vm0, $0xb8;
	[tilespmem:$0x18200] =	vst v63  }
0x73: {  	s18 =	simm.s32 $0xB200  }
0x74: {  	[tilespmem:s18], [sflag:$0x6] =	stream.indirect_vreg.gather [hbm4b:s11+s5], $0x80, v18, vm0, $0xb8;
	[tilespmem:$0x18200] =	vst v63  }
0x75: {  	s19 =	simm.s32 $0xBA00  }
0x76: {  	[tilespmem:s19], [sflag:$0x6] =	stream.indirect_vreg.gather [hbm4b:s12+s5], $0x80, v18, vm0, $0xb8;
	[tilespmem:$0x18200] =	vst v63  }
0x77: {  	v18 =	vld.msk [tilespmem:$0x18], $0xff;
	_ =	sdelay $0x4  }
0x78: {  	v19 =	vshll.u32 v18, $0x3  }
0x79: {  	v18 =	vand.u32 $0x7, v18;
	v19 =	vand.u32 $0xFFFFFFC0, v19  }
0x7a: {  	v18 =	vor.u32 v18, v19  }
0x7b: {  	v18 =	vperm.xlane v18, v0;
	_ =	sdelay $0x1  }
0x7c: {  	v18 =	vadd.s32 v1, v18;
	_ =	sdelay $0x3  }
0x7d: {  	s20 =	simm.s32 $0xC200  }
0x7e: {  	[tilespmem:s20], [sflag:$0x7] =	stream.indirect_vreg.gather [hbm4b:s1+s5], $0x80, v18, vm0, $0xb8;
	[tilespmem:$0x18200] =	vst v63  }
0x7f: {  	s21 =	simm.s32 $0xCA00  }
0x80: {  	[tilespmem:s21], [sflag:$0x7] =	stream.indirect_vreg.gather [hbm4b:s10+s5], $0x80, v18, vm0, $0xb8;
	[tilespmem:$0x18200] =	vst v63  }
0x81: {  	s22 =	simm.s32 $0xD200  }
0x82: {  	[tilespmem:s22], [sflag:$0x7] =	stream.indirect_vreg.gather [hbm4b:s11+s5], $0x80, v18, vm0, $0xb8;
	[tilespmem:$0x18200] =	vst v63  }
0x83: {  	s23 =	simm.s32 $0xDA00  }
0x84: {  	[tilespmem:s23], [sflag:$0x7] =	stream.indirect_vreg.gather [hbm4b:s12+s5], $0x80, v18, vm0, $0xb8;
	[tilespmem:$0x18200] =	vst v63  }
0x85: {  	v18 =	vld.msk [tilespmem:$0x98], $0xff;
	_ =	sdelay $0x4  }
0x86: {  	v19 =	vshll.u32 v18, $0x3  }
0x87: {  	v18 =	vand.u32 $0x7, v18;
	v19 =	vand.u32 $0xFFFFFFC0, v19  }
0x88: {  	v18 =	vor.u32 v18, v19  }
0x89: {  	v18 =	vperm.xlane v18, v0;
	_ =	sdelay $0x1  }
0x8a: {  	v18 =	vadd.s32 v1, v18;
	_ =	sdelay $0x3  }
0x8b: {  	s24 =	simm.s32 $0xE200  }
0x8c: {  	[tilespmem:s24], [sflag:$0x8] =	stream.indirect_vreg.gather [hbm4b:s1+s5], $0x80, v18, vm0, $0xb8;
	[tilespmem:$0x18200] =	vst v63  }
0x8d: {  	s25 =	simm.s32 $0xEA00  }
0x8e: {  	[tilespmem:s25], [sflag:$0x8] =	stream.indirect_vreg.gather [hbm4b:s10+s5], $0x80, v18, vm0, $0xb8;
	[tilespmem:$0x18200] =	vst v63  }
0x8f: {  	s26 =	simm.s32 $0xF200  }
0x90: {  	[tilespmem:s26], [sflag:$0x8] =	stream.indirect_vreg.gather [hbm4b:s11+s5], $0x80, v18, vm0, $0xb8;
	[tilespmem:$0x18200] =	vst v63  }
0x91: {  	s29 =	simm.s32 $0xFA00;
	s13 =	simm.s32 $0x0  }
0x92: {  	[tilespmem:s29], [sflag:$0x8] =	stream.indirect_vreg.gather [hbm4b:s12+s5], $0x80, v18, vm0, $0xb8;
	[tilespmem:$0x18200] =	vst v63  }
.LBB2_2:
0x93: {  	p1 =	seq.s32 s13, $0x0  }
0x94: {  	s2 =	simm.s32 @!p1 $0x9  }
0x95: {  	_ =	swait.ge @!p1 [sflag:s2], $0x2000  }
0x96: {  	[sflag:s2] =	ssyncset.done @!p1 $0x0  }
0x97: {  	s20 =	simm.s32 $0x1;
	[sflag:s2] =	ssyncadd.s32 @!p1 $0xFFFFE000  }
0x98: {  	_ =	swait.ge [sflag:s20], $0x2000  }
0x99: {  	[sflag:s20] =	ssyncset.done $0x0  }
0x9a: {  	s21 =	simm.s32 $0x2;
	[sflag:s20] =	ssyncadd.s32 $0xFFFFE000  }
0x9b: {  	_ =	swait.ge [sflag:s21], $0x2000  }
0x9c: {  	[sflag:s21] =	ssyncset.done $0x0  }
0x9d: {  	s8 =	sshll.u32 s13, $0x5;
	s17 =	simm.s32 $0x0;
	[sflag:s21] =	ssyncadd.s32 $0xFFFFE000  }
0x9e: {  	s22 =	sand.u32 $0x60, s17;
	s6 =	sand.u32 $0x1C00, s17;
	v32 =	vld [tilespmem:s8+$0x100]  }
0x9f: {  	s6 =	sor.u32 s22, s6;
	v33 =	vld [tilespmem:s8+$0x180]  }
0xa0: {  	v30 =	vld [tilespmem:s6+$0x210]  }
0xa1: {  	v31 =	vld [tilespmem:s6+$0x2210]  }
0xa2: {  	v34 =	vld [tilespmem:s6+$0x290]  }
0xa3: {  	v35 =	vld [tilespmem:s6+$0x2290]  }
0xa4: {  	v36 =	vld [tilespmem:s6+$0x310]  }
0xa5: {  	v37 =	vld [tilespmem:s6+$0x2310]  }
0xa6: {  	v38 =	vld [tilespmem:s6+$0x390]  }
0xa7: {  	v39 =	vld [tilespmem:s6+$0x2390]  }
0xa8: {  	v40 =	vld [tilespmem:s6+$0x410]  }
0xa9: {  	v41 =	vld [tilespmem:s6+$0x2410]  }
0xaa: {  	v42 =	vld [tilespmem:s6+$0x490]  }
0xab: {  	v43 =	vld [tilespmem:s6+$0x2490]  }
0xac: {  	v44 =	vld [tilespmem:s6+$0x200]  }
0xad: {  	s16 =	simm.s32 $0x100;
	s19 =	simm.s32 $0x20;
	v45 =	vld [tilespmem:s6+$0x2200]  }
0xae: {  	s15 =	sand.u32 $0x60, s19;
	s18 =	sand.u32 $0x1C00, s16;
	v46 =	vld [tilespmem:s6+$0x480]  }
0xaf: {  	s20 =	sor.u32 s15, s18;
	v47 =	vld [tilespmem:s6+$0x2480];
	v18 =	vperm.xlane v32, v2;
	v19 =	vperm.xlane v33, v2  }
0xb0: {  	v48 =	vld [tilespmem:s20+$0x210];
	v20 =	vperm.xlane v32, v3;
	v21 =	vperm.xlane v33, v3  }
0xb1: {  	v49 =	vld [tilespmem:s20+$0x2210];
	v22 =	vperm.xlane v32, v4;
	v23 =	vperm.xlane v33, v4  }
0xb2: {  	v50 =	vld [tilespmem:s20+$0x290];
	v24 =	vperm.xlane v32, v5;
	v25 =	vperm.xlane v33, v5  }
0xb3: {  	v51 =	vld [tilespmem:s20+$0x2290];
	v27 =	vperm.xlane v32, v6;
	v26 =	vperm.xlane v33, v6  }
0xb4: {  	v29 =	vperm.xlane v33, v7;
	v52 =	vmul.f32 v37, v23;
	v37 =	vld [tilespmem:s6+$0x280]  }
0xb5: {  	v30 =	vmul.f32 v30, v18;
	v54 =	vmul.f32 v39, v25;
	v39 =	vld [tilespmem:s6+$0x2280]  }
0xb6: {  	v31 =	vmul.f32 v31, v19;
	v55 =	vmul.f32 v41, v26;
	v41 =	vld [tilespmem:s6+$0x2300]  }
0xb7: {  	v34 =	vmul.f32 v34, v20;
	v58 =	vmul.f32 v43, v29;
	v43 =	vld [tilespmem:s6+$0x2400]  }
0xb8: {  	v35 =	vmul.f32 v35, v21;
	v62 =	vmul.f32 v49, v19;
	v49 =	vld [tilespmem:s20+$0x2490]  }
0xb9: {  	v53 =	vmul.f32 v38, v24;
	v30 =	vadd.f32 v31, v30;
	v31 =	vmul.f32 v36, v22;
	v36 =	vld [tilespmem:s6+$0x380]  }
0xba: {  	v28 =	vperm.xlane v32, v7;
	v34 =	vadd.f32 v35, v34;
	v35 =	vld [tilespmem:s6+$0x400]  }
0xbb: {  	v56 =	vadd.f32 v54, v53;
	v53 =	vld [tilespmem:s20+$0x2310];
	[tilespmem:s6+$0x10210] =	vst v30;
	v30 =	vadd.f32 v52, v31;
	v31 =	vmul.f32 v40, v27  }
0xbc: {  	s23 =	sand.u32 $0x3, s17;
	v57 =	vmul.f32 v42, v28;
	v54 =	vld [tilespmem:s20+$0x390];
	[tilespmem:s6+$0x10290] =	vst v34  }
0xbd: {  	s2 =	sshll.u32 s23, $0x5;
	v40 =	vld [tilespmem:s6+$0x300];
	[tilespmem:s6+$0x10310] =	vst v30;
	v30 =	vadd.f32 v55, v31  }
0xbe: {  	s2 =	sadd.s32 $0x0, s2;
	[tilespmem:s6+$0x10390] =	vst v56;
	v34 =	vld [tilespmem:s6+$0x2380];
	v31 =	vadd.f32 v58, v57  }
0xbf: {  	s7 =	sadd.s32 $0x10, s2;
	v52 =	vld [tilespmem:s20+$0x310];
	[tilespmem:s6+$0x10410] =	vst v30  }
0xc0: {  	s9 =	sor.u32 $0x300, s7;
	v56 =	vld [tilespmem:s20+$0x410];
	[tilespmem:s6+$0x10490] =	vst v31  }
0xc1: {  	v59 =	vld [tilespmem:s9+$0x200]  }
0xc2: {  	v61 =	vmul.f32 v48, v18;
	v50 =	vmul.f32 v50, v20;
	v60 =	vld [tilespmem:s9+$0x2200]  }
0xc3: {  	v48 =	vmul.f32 v43, v26;
	v43 =	vld [tilespmem:s20+$0x2380];
	v36 =	vmul.f32 v36, v24  }
0xc4: {  	v55 =	vld [tilespmem:s20+$0x2390];
	v35 =	vmul.f32 v35, v27;
	v30 =	vperm.xlane v32, v8  }
0xc5: {  	v57 =	vld [tilespmem:s20+$0x490];
	v31 =	vperm.xlane v33, v8;
	v34 =	vmul.f32 v34, v25  }
0xc6: {  	v51 =	vmul.f32 v51, v21;
	v63 =	vmul.f32 v52, v22;
	v52 =	vld [tilespmem:s20+$0x280];
	v35 =	vadd.f32 v48, v35  }
0xc7: {  	v34 =	vadd.f32 v34, v36;
	v36 =	vld [tilespmem:s20+$0x2400];
	v38 =	vmul.f32 v59, v30;
	v42 =	vmul.f32 v60, v31  }
0xc8: {  	v37 =	vmul.f32 v37, v20;
	v39 =	vmul.f32 v39, v21;
	[tilespmem:s6+$0x10400] =	vst v35;
	v35 =	vld [tilespmem:s20+$0x480]  }
0xc9: {  	v38 =	vadd.f32 v42, v38;
	v42 =	vld [tilespmem:s20+$0x2410]  }
0xca: {  	v50 =	vadd.f32 v51, v50;
	v37 =	vadd.f32 v39, v37;
	[tilespmem:s6+$0x10380] =	vst v34;
	v34 =	vld [tilespmem:s20+$0x2480];
	v60 =	vmul.f32 v53, v23  }
0xcb: {  	v53 =	vld [tilespmem:s20+$0x200];
	[tilespmem:s9+$0x10200] =	vst v38;
	v38 =	vadd.f32 v62, v61;
	v61 =	vmul.f32 v54, v24;
	v62 =	vmul.f32 v55, v25  }
0xcc: {  	[tilespmem:s20+$0x10290] =	vst v50;
	v63 =	vadd.f32 v60, v63;
	v60 =	vmul.f32 v56, v27;
	v56 =	vmul.f32 v44, v18;
	v55 =	vld [tilespmem:s20+$0x2200]  }
0xcd: {  	s24 =	sor.u32 $0x380, s7;
	[tilespmem:s6+$0x10280] =	vst v37;
	v54 =	vld [tilespmem:s20+$0x2280];
	v61 =	vadd.f32 v62, v61;
	v62 =	vmul.f32 v57, v28;
	v57 =	vmul.f32 v45, v19  }
0xce: {  	s25 =	simm.s32 $0x1;
	[tilespmem:s20+$0x10310] =	vst v63;
	v58 =	vld [tilespmem:s24+$0x200];
	v42 =	vmul.f32 v42, v26  }
0xcf: {  	s7 =	sand.u32 $0x3, s25;
	v49 =	vmul.f32 v49, v29;
	v59 =	vld [tilespmem:s24+$0x2200];
	[tilespmem:s20+$0x10390] =	vst v61;
	v61 =	vadd.f32 v57, v56  }
0xd0: {  	s7 =	sshll.u32 s7, $0x5;
	v51 =	vmul.f32 v46, v28;
	[tilespmem:s20+$0x10210] =	vst v38;
	v45 =	vld [tilespmem:s20+$0x300];
	v56 =	vmul.f32 v47, v29;
	v63 =	vadd.f32 v42, v60  }
0xd1: {  	s21 =	sadd.s32 $0x100, s7;
	v41 =	vmul.f32 v41, v23;
	v40 =	vmul.f32 v40, v22;
	v38 =	vld [tilespmem:s20+$0x400];
	v60 =	vadd.f32 v49, v62;
	[tilespmem:s6+$0x10200] =	vst v61  }
0xd2: {  	s26 =	sadd.s32 $0x10, s21;
	v49 =	vld [tilespmem:s20+$0x2300];
	v57 =	vadd.f32 v56, v51;
	[tilespmem:s20+$0x10410] =	vst v63  }
0xd3: {  	s22 =	sor.u32 $0x300, s26;
	v42 =	vld [tilespmem:s20+$0x380];
	[tilespmem:s20+$0x10490] =	vst v60;
	v63 =	vadd.f32 v41, v40  }
0xd4: {  	v62 =	vld [tilespmem:s22+$0x200];
	[tilespmem:s6+$0x10480] =	vst v57  }
0xd5: {  	s7 =	sor.u32 $0x300, s2;
	s2 =	simm.s32 $0x200;
	v50 =	vld [tilespmem:s22+$0x2200];
	[tilespmem:s6+$0x10300] =	vst v63;
	s6 =	simm.s32 $0x40  }
0xd6: {  	s23 =	sand.u32 $0x1C00, s2;
	v40 =	vld [tilespmem:s7+$0x200];
	s29 =	sand.u32 $0x60, s6  }
0xd7: {  	v41 =	vld [tilespmem:s7+$0x2200];
	s9 =	sor.u32 s29, s23  }
0xd8: {  	v39 =	vld [tilespmem:s9+$0x210]  }
0xd9: {  	v44 =	vld [tilespmem:s9+$0x2210]  }
0xda: {  	v32 =	vperm.xlane v32, v9;
	v33 =	vperm.xlane v33, v9;
	v47 =	vld [tilespmem:s9+$0x290]  }
0xdb: {  	v52 =	vmul.f32 v52, v20;
	v35 =	vmul.f32 v35, v28;
	v48 =	vld [tilespmem:s9+$0x2290]  }
0xdc: {  	v34 =	vmul.f32 v34, v29;
	v53 =	vmul.f32 v53, v18;
	v51 =	vld [tilespmem:s9+$0x2310]  }
0xdd: {  	v55 =	vmul.f32 v55, v19;
	v54 =	vmul.f32 v54, v21;
	v56 =	vld [tilespmem:s9+$0x390]  }
0xde: {  	v57 =	vmul.f32 v58, v32;
	v58 =	vmul.f32 v59, v33;
	v59 =	vld [tilespmem:s9+$0x2390]  }
0xdf: {  	v53 =	vadd.f32 v55, v53;
	v45 =	vmul.f32 v45, v22;
	v49 =	vmul.f32 v49, v23;
	v55 =	vld [tilespmem:s9+$0x490]  }
0xe0: {  	v35 =	vadd.f32 v34, v35;
	v52 =	vadd.f32 v54, v52;
	v54 =	vld [tilespmem:s9+$0x2490]  }
0xe1: {  	v45 =	vadd.f32 v49, v45;
	v49 =	vld [tilespmem:s9+$0x200];
	v60 =	vmul.f32 v62, v30;
	v61 =	vmul.f32 v50, v31  }
0xe2: {  	v50 =	vld [tilespmem:s9+$0x310]  }
0xe3: {  	v36 =	vmul.f32 v36, v26;
	[tilespmem:s20+$0x10480] =	vst v35;
	v38 =	vmul.f32 v38, v27;
	v62 =	vld [tilespmem:s9+$0x2410];
	v37 =	vadd.f32 v61, v60  }
0xe4: {  	[tilespmem:s20+$0x10280] =	vst v52;
	v60 =	vld [tilespmem:s9+$0x410]  }
0xe5: {  	s25 =	sor.u32 $0x380, s26;
	v36 =	vadd.f32 v36, v38;
	v52 =	vld [tilespmem:s9+$0x380];
	[tilespmem:s22+$0x10200] =	vst v37;
	v39 =	vmul.f32 v39, v18;
	v44 =	vmul.f32 v44, v19  }
0xe6: {  	[tilespmem:s20+$0x10200] =	vst v53;
	v57 =	vadd.f32 v58, v57;
	v47 =	vmul.f32 v47, v20;
	v48 =	vmul.f32 v48, v21;
	v37 =	vld [tilespmem:s25+$0x200]  }
0xe7: {  	[tilespmem:s20+$0x10400] =	vst v36;
	v51 =	vmul.f32 v51, v23;
	v46 =	vld [tilespmem:s25+$0x2200];
	v50 =	vmul.f32 v50, v22;
	v39 =	vadd.f32 v44, v39  }
0xe8: {  	[tilespmem:s24+$0x10200] =	vst v57;
	v56 =	vmul.f32 v56, v24;
	v57 =	vmul.f32 v59, v25;
	v44 =	vld [tilespmem:s9+$0x2200];
	v63 =	vadd.f32 v48, v47  }
0xe9: {  	s18 =	simm.s32 $0x2;
	v61 =	vmul.f32 v62, v26;
	v47 =	vld [tilespmem:s9+$0x280];
	v59 =	vadd.f32 v51, v50;
	v60 =	vmul.f32 v60, v27;
	[tilespmem:s9+$0x10210] =	vst v39  }
0xea: {  	s24 =	sand.u32 $0x3, s18;
	v54 =	vmul.f32 v54, v29;
	v62 =	vadd.f32 v57, v56;
	v50 =	vld [tilespmem:s9+$0x2280];
	[tilespmem:s9+$0x10290] =	vst v63;
	v63 =	vmul.f32 v55, v28  }
0xeb: {  	s15 =	sshll.u32 s24, $0x5;
	v48 =	vld [tilespmem:s9+$0x300];
	[tilespmem:s9+$0x10310] =	vst v59;
	v59 =	vadd.f32 v61, v60  }
0xec: {  	v58 =	vmul.f32 v43, v25;
	s26 =	sadd.s32 $0x200, s15;
	v57 =	vmul.f32 v42, v24;
	v51 =	vld [tilespmem:s9+$0x2300];
	[tilespmem:s9+$0x10390] =	vst v62;
	v61 =	vadd.f32 v54, v63  }
0xed: {  	s22 =	sadd.s32 $0x10, s26;
	v42 =	vld [tilespmem:s9+$0x2380];
	v60 =	vmul.f32 v49, v18;
	v44 =	vmul.f32 v44, v19;
	[tilespmem:s9+$0x10410] =	vst v59  }
0xee: {  	v53 =	vld [tilespmem:s9+$0x400];
	s15 =	sor.u32 $0x300, s22;
	v56 =	vmul.f32 v41, v31;
	v39 =	vadd.f32 v58, v57;
	v55 =	vmul.f32 v40, v30;
	[tilespmem:s9+$0x10490] =	vst v61  }
0xef: {  	[tilespmem:s20+$0x10300] =	vst v45;
	v63 =	vmul.f32 v47, v20;
	v50 =	vmul.f32 v50, v21;
	v62 =	vadd.f32 v44, v60;
	v54 =	vld [tilespmem:s15+$0x200]  }
0xf0: {  	[tilespmem:s20+$0x10380] =	vst v39;
	v38 =	vadd.f32 v56, v55;
	v59 =	vmul.f32 v37, v32;
	v58 =	vld [tilespmem:s15+$0x2200];
	v60 =	vmul.f32 v46, v33  }
0xf1: {  	v34 =	vld [tilespmem:s9+$0x2400];
	v61 =	vmul.f32 v48, v22;
	v57 =	vadd.f32 v50, v63;
	[tilespmem:s9+$0x10200] =	vst v62;
	v62 =	vmul.f32 v51, v23  }
0xf2: {  	s19 =	sor.u32 s16, s19;
	s16 =	sor.u32 $0x300, s21;
	v35 =	vld [tilespmem:s9+$0x480];
	v42 =	vmul.f32 v42, v25;
	[tilespmem:s7+$0x10200] =	vst v38;
	v63 =	vmul.f32 v52, v24;
	v36 =	vadd.f32 v60, v59  }
0xf3: {  	s21 =	simm.s32 $0x4;
	s2 =	sor.u32 s2, s6;
	s29 =	sor.u32 s17, s17;
	v37 =	vld [tilespmem:s9+$0x2480];
	[tilespmem:s9+$0x10280] =	vst v57;
	v40 =	vadd.f32 v62, v61  }
0xf4: {  	s6 =	simm.s32 $0x300;
	s17 =	sor.u32 $0x380, s29;
	s20 =	sor.u32 $0x380, s19;
	v38 =	vmul.f32 v53, v27;
	v42 =	vadd.f32 v42, v63;
	[tilespmem:s25+$0x10200] =	vst v36;
	v36 =	vld [tilespmem:s16+$0x200]  }
0xf5: {  	s19 =	sor.u32 $0x380, s2;
	v39 =	vld [tilespmem:s16+$0x2200];
	s7 =	simm.s32 $0x60;
	s25 =	sor.u32 $0x300, s26;
	v41 =	vmul.f32 v58, v31;
	[tilespmem:s9+$0x10300] =	vst v40;
	v40 =	vmul.f32 v54, v30  }
.LBB2_3:
0xf6: {  	s2 =	sand.u32 $0x60, s7;
	s23 =	sand.u32 $0x1C00, s6;
	s29 =	sor.u32 s6, s7;
	[tilespmem:s9+$0x10380] =	vst v42;
	v34 =	vmul.f32 v34, v26;
	v42 =	vld [tilespmem:s17+$0x200]  }
0xf7: {  	s2 =	sor.u32 s2, s23;
	s23 =	sor.u32 $0x380, s29;
	v35 =	vmul.f32 v35, v28;
	v40 =	vadd.f32 v41, v40;
	v41 =	vld [tilespmem:s17+$0x2200]  }
0xf8: {  	v43 =	vld [tilespmem:s2+$0x210];
	v34 =	vadd.f32 v34, v38;
	v37 =	vmul.f32 v37, v29  }
0xf9: {  	v38 =	vld [tilespmem:s2+$0x2210];
	[tilespmem:s15+$0x10200] =	vst v40;
	s15 =	sor.u32 $0x380, s22;
	v36 =	vmul.f32 v36, v30  }
0xfa: {  	[tilespmem:s9+$0x10400] =	vst v34;
	v34 =	vadd.f32 v37, v35;
	v35 =	vld [tilespmem:s15+$0x200];
	v37 =	vmul.f32 v39, v31  }
0xfb: {  	v39 =	vld [tilespmem:s15+$0x2200];
	v40 =	vmul.f32 v42, v32  }
0xfc: {  	v42 =	vld [tilespmem:s2+$0x290];
	[tilespmem:s9+$0x10480] =	vst v34;
	v34 =	vadd.f32 v37, v36;
	v36 =	vmul.f32 v41, v33;
	s9 =	smov.u32 s2  }
0xfd: {  	v37 =	vld [tilespmem:s9+$0x2290]  }
0xfe: {  	v41 =	vld [tilespmem:s9+$0x310];
	[tilespmem:s16+$0x10200] =	vst v34;
	v34 =	vadd.f32 v36, v40;
	s16 =	smov.u32 s25  }
0xff: {  	v36 =	vld [tilespmem:s9+$0x2310]  }
0x100: {  	v35 =	vmul.f32 v35, v32;
	v40 =	vld [tilespmem:s9+$0x390];
	v39 =	vmul.f32 v39, v33;
	[tilespmem:s17+$0x10200] =	vst v34;
	s17 =	smov.u32 s20;
	s20 =	smov.u32 s19;
	s19 =	smov.u32 s23  }
0x101: {  	v34 =	vld [tilespmem:s9+$0x2390]  }
0x102: {  	v44 =	vld [tilespmem:s9+$0x410];
	v35 =	vadd.f32 v39, v35  }
0x103: {  	v39 =	vld [tilespmem:s9+$0x2410]  }
0x104: {  	v45 =	vld [tilespmem:s9+$0x490];
	[tilespmem:s15+$0x10200] =	vst v35  }
0x105: {  	s21 =	sadd.s32 $0x2, s21;
	v38 =	vmul.f32 v38, v19;
	v35 =	vmul.f32 v43, v18;
	v43 =	vld [tilespmem:s9+$0x2490]  }
0x106: {  	p0 =	slt.u32 s21, $0x3E;
	v42 =	vmul.f32 v42, v20;
	v37 =	vmul.f32 v37, v21;
	v46 =	vld [tilespmem:s9+$0x200]  }
0x107: {  	v36 =	vmul.f32 v36, v23;
	v35 =	vadd.f32 v38, v35;
	v38 =	vmul.f32 v41, v22;
	v47 =	vld [tilespmem:s9+$0x2200]  }
0x108: {  	v37 =	vadd.f32 v37, v42;
	v40 =	vmul.f32 v40, v24;
	v34 =	vmul.f32 v34, v25;
	v41 =	vld [tilespmem:s9+$0x280]  }
0x109: {  	s18 =	sadd.s32 $0x1, s18;
	v42 =	vld [tilespmem:s9+$0x2280];
	[tilespmem:s9+$0x10210] =	vst v35;
	v35 =	vadd.f32 v36, v38;
	v36 =	vmul.f32 v44, v27;
	v38 =	vmul.f32 v39, v26  }
0x10a: {  	s2 =	sand.u32 $0x3, s18;
	v34 =	vadd.f32 v34, v40;
	v39 =	vld [tilespmem:s9+$0x300];
	[tilespmem:s9+$0x10290] =	vst v37;
	v37 =	vmul.f32 v45, v28;
	v40 =	vmul.f32 v43, v29  }
0x10b: {  	s2 =	sshll.u32 s2, $0x5;
	v43 =	vmul.f32 v46, v18;
	v44 =	vld [tilespmem:s9+$0x2300];
	[tilespmem:s9+$0x10310] =	vst v35;
	v35 =	vadd.f32 v38, v36  }
0x10c: {  	s2 =	sadd.s32 s2, s6;
	v36 =	vmul.f32 v47, v19;
	v38 =	vld [tilespmem:s9+$0x380];
	[tilespmem:s9+$0x10390] =	vst v34;
	v34 =	vadd.f32 v40, v37  }
0x10d: {  	s25 =	sor.u32 $0x300, s2;
	s22 =	sadd.s32 $0x10, s2;
	v37 =	vmul.f32 v41, v20;
	v40 =	vld [tilespmem:s9+$0x2380];
	[tilespmem:s9+$0x10410] =	vst v35  }
0x10e: {  	s15 =	sor.u32 $0x300, s22;
	v35 =	vadd.f32 v36, v43;
	v36 =	vmul.f32 v42, v21;
	v41 =	vld [tilespmem:s9+$0x400];
	[tilespmem:s9+$0x10490] =	vst v34  }
0x10f: {  	v39 =	vmul.f32 v39, v22;
	v43 =	vld [tilespmem:s15+$0x200]  }
0x110: {  	[tilespmem:s9+$0x10200] =	vst v35;
	v35 =	vadd.f32 v36, v37;
	v36 =	vmul.f32 v44, v23;
	v44 =	vld [tilespmem:s15+$0x2200]  }
.Ltmp0:
0x111: {  	v42 =	vmul.f32 v38, v24;
	v34 =	vld [tilespmem:s9+$0x2400];
	(pc) =	sbr.rel @p0 .LBB2_3-.Ltmp0, $4  }
0x112: {  	[tilespmem:s9+$0x10280] =	vst v35;
	v36 =	vadd.f32 v36, v39;
	v39 =	vmul.f32 v40, v25;
	v35 =	vld [tilespmem:s9+$0x480]  }
0x113: {  	v38 =	vmul.f32 v41, v27;
	v37 =	vld [tilespmem:s9+$0x2480]  }
0x114: {  	[tilespmem:s9+$0x10300] =	vst v36;
	v42 =	vadd.f32 v39, v42;
	v36 =	vld [tilespmem:s16+$0x200]  }
0x115: {  	s7 =	sadd.s32 $0x20, s7;
	s6 =	sadd.s32 $0x100, s6;
	v40 =	vmul.f32 v43, v30;
	v41 =	vmul.f32 v44, v31;
	v39 =	vld [tilespmem:s16+$0x2200]  }
0x116: {  	_ = 	snop  }
0x117: {  	v18 =	vmul.f32 v34, v26  }
0x118: {  	v19 =	vmul.f32 v35, v28;
	v20 =	vmul.f32 v37, v29  }
0x119: {  	v18 =	vadd.f32 v18, v38  }
0x11a: {  	[tilespmem:s9+$0x10380] =	vst v42;
	v19 =	vadd.f32 v20, v19  }
0x11b: {  	[tilespmem:s9+$0x10400] =	vst v18  }
0x11c: {  	[tilespmem:s9+$0x10480] =	vst v19  }
0x11d: {  	v18 =	vld [tilespmem:s25+$0x200]  }
0x11e: {  	v19 =	vld [tilespmem:s25+$0x2200];
	_ =	sdelay $0x2  }
0x11f: {  	v21 =	vmul.f32 v36, v30;
	v20 =	vadd.f32 v41, v40;
	v22 =	vmul.f32 v39, v31  }
0x120: {  	v23 =	vld [tilespmem:s17+$0x200]  }
0x121: {  	v24 =	vld [tilespmem:s17+$0x2200];
	s2 =	sor.u32 $0x380, s22;
	[tilespmem:s15+$0x10200] =	vst v20;
	v20 =	vadd.f32 v22, v21;
	v18 =	vmul.f32 v18, v30;
	v19 =	vmul.f32 v19, v31  }
0x122: {  	v21 =	vld [tilespmem:s2+$0x200]  }
0x123: {  	v22 =	vld [tilespmem:s2+$0x2200];
	[tilespmem:s16+$0x10200] =	vst v20;
	v18 =	vadd.f32 v19, v18  }
0x124: {  	v20 =	vld [tilespmem:s20+$0x2200]  }
0x125: {  	v19 =	vld [tilespmem:s20+$0x200];
	[tilespmem:s25+$0x10200] =	vst v18  }
0x126: {  	v18 =	vld [tilespmem:s19+$0x200]  }
0x127: {  	v25 =	vld [tilespmem:s19+$0x2200];
	_ =	sdelay $0x1  }
0x128: {  	v23 =	vmul.f32 v23, v32;
	v24 =	vmul.f32 v24, v33  }
0x129: {  	v21 =	vmul.f32 v21, v32;
	v22 =	vmul.f32 v22, v33  }
0x12a: {  	v23 =	vadd.f32 v24, v23;
	v20 =	vmul.f32 v20, v33;
	v19 =	vmul.f32 v19, v32  }
0x12b: {  	v21 =	vadd.f32 v22, v21;
	v18 =	vmul.f32 v18, v32;
	v22 =	vmul.f32 v25, v33  }
0x12c: {  	[tilespmem:s17+$0x10200] =	vst v23;
	v19 =	vadd.f32 v20, v19  }
0x12d: {  	[tilespmem:s2+$0x10200] =	vst v21;
	v18 =	vadd.f32 v22, v18  }
0x12e: {  	p0 =	seq.s32 s13, $0x3;
	s9 =	sadd.s32 $0x1, s13;
	[tilespmem:s20+$0x10200] =	vst v19  }
0x12f: {  	s13 =	sshll.u32 @!p0 s9, $0x5;
	[tilespmem:s19+$0x10200] =	vst v18  }
0x130: {  	v18 =	vld.msk @!p0 [tilespmem:s13+$0x0], $0xff;
	_ =	sdelay $0x4  }
0x131: {  	v19 =	vshll.u32 @!p0 v18, $0x3  }
0x132: {  	v20 =	vlaneseq.u32 @!p0;
	v18 =	vand.u32 @!p0 $0x7, v18;
	v19 =	vand.u32 @!p0 $0xFFFFFFC0, v19  }
0x133: {  	v18 =	vor.u32 @!p0 v18, v19;
	v19 =	vand.u32 @!p0 $0x7, v20;
	v20 =	vshrl.u32 @!p0 v20, $0x3  }
0x134: {  	v18 =	vperm.xlane @!p0 v18, v19;
	v20 =	vmul.u32 @!p0 $0x8, v20;
	_ =	sdelay $0x1  }
0x135: {  	v18 =	vadd.s32 @!p0 v20, v18;
	_ =	sdelay $0x3  }
0x136: {  	vm1 =	vmmov @!p0 $0xffff;
	s6 =	simm.s32 @!p0 $0x200;
	s2 =	simm.s32 @!p0 $0x0  }
0x137: {  	[tilespmem:s6], [sflag:$0x1] =	stream.indirect_vreg.gather @!p0 [hbm4b:s1+s2], $0x80, v18, vm1, $0xb8;
	[tilespmem:$0x18200] =	vst v63  }
0x138: {  	s6 =	simm.s32 @!p0 $0xA00  }
0x139: {  	[tilespmem:s6], [sflag:$0x1] =	stream.indirect_vreg.gather @!p0 [hbm4b:s10+s2], $0x80, v18, vm1, $0xb8;
	[tilespmem:$0x18200] =	vst v63  }
0x13a: {  	s6 =	simm.s32 @!p0 $0x1200  }
0x13b: {  	[tilespmem:s6], [sflag:$0x1] =	stream.indirect_vreg.gather @!p0 [hbm4b:s11+s2], $0x80, v18, vm1, $0xb8;
	[tilespmem:$0x18200] =	vst v63  }
0x13c: {  	s6 =	simm.s32 @!p0 $0x1A00  }
0x13d: {  	[tilespmem:s6], [sflag:$0x1] =	stream.indirect_vreg.gather @!p0 [hbm4b:s12+s2], $0x80, v18, vm1, $0xb8;
	[tilespmem:$0x18200] =	vst v63  }
0x13e: {  	v18 =	vld.msk @!p0 [tilespmem:s13+$0x80], $0xff;
	_ =	sdelay $0x4  }
0x13f: {  	v21 =	vshll.u32 @!p0 v18, $0x3  }
0x140: {  	v18 =	vand.u32 @!p0 $0x7, v18;
	v21 =	vand.u32 @!p0 $0xFFFFFFC0, v21  }
0x141: {  	v18 =	vor.u32 @!p0 v18, v21  }
0x142: {  	v18 =	vperm.xlane @!p0 v18, v19;
	_ =	sdelay $0x1  }
0x143: {  	v18 =	vadd.s32 @!p0 v20, v18;
	_ =	sdelay $0x3  }
0x144: {  	s6 =	simm.s32 @!p0 $0x2200  }
0x145: {  	[tilespmem:s6], [sflag:$0x2] =	stream.indirect_vreg.gather @!p0 [hbm4b:s1+s2], $0x80, v18, vm1, $0xb8;
	[tilespmem:$0x18200] =	vst v63  }
0x146: {  	s6 =	simm.s32 @!p0 $0x2A00  }
0x147: {  	[tilespmem:s6], [sflag:$0x2] =	stream.indirect_vreg.gather @!p0 [hbm4b:s10+s2], $0x80, v18, vm1, $0xb8;
	[tilespmem:$0x18200] =	vst v63  }
0x148: {  	s6 =	simm.s32 @!p0 $0x3200  }
0x149: {  	[tilespmem:s6], [sflag:$0x2] =	stream.indirect_vreg.gather @!p0 [hbm4b:s11+s2], $0x80, v18, vm1, $0xb8;
	[tilespmem:$0x18200] =	vst v63  }
0x14a: {  	s20 =	sadd.s32 s4, s8;
	s6 =	simm.s32 @!p0 $0x3A00  }
0x14b: {  	[tilespmem:s6], [sflag:$0x2] =	stream.indirect_vreg.gather @!p0 [hbm4b:s12+s2], $0x80, v18, vm1, $0xb8;
	[tilespmem:$0x18200] =	vst v63  }
0x14c: {  	s2 =	sshll.u32 s20, $0x7  }
0x14d: {  	s21 =	simm.s32 $0x10200;
	s2 =	sadd.s32 s3, s2  }
0x14e: {  	[hbm4b:s2+s5] =	stream.linear.scatter [tilespmem:s21], [sflag:$0x9], $0x2000, $0x38;
	[tilespmem:$0x18200] =	vst v63  }
0x14f: {  	s2 =	simm.s32 @!p1 $0xA  }
0x150: {  	_ =	swait.ge @!p1 [sflag:s2], $0x2000  }
0x151: {  	[sflag:s2] =	ssyncset.done @!p1 $0x0  }
0x152: {  	s22 =	simm.s32 $0x3;
	[sflag:s2] =	ssyncadd.s32 @!p1 $0xFFFFE000  }
0x153: {  	_ =	swait.ge [sflag:s22], $0x2000  }
0x154: {  	[sflag:s22] =	ssyncset.done $0x0  }
0x155: {  	[sflag:s22] =	ssyncadd.s32 $0xFFFFE000  }
0x156: {  	_ =	swait.ge [sflag:s28], $0x2000  }
0x157: {  	[sflag:s28] =	ssyncset.done $0x0  }
0x158: {  	s18 =	simm.s32 $0x0;
	[sflag:s28] =	ssyncadd.s32 $0xFFFFE000  }
0x159: {  	s23 =	sand.u32 $0x60, s18;
	s24 =	sand.u32 $0x1C00, s18;
	v32 =	vld [tilespmem:s8+$0x100]  }
0x15a: {  	s6 =	sor.u32 s23, s24;
	v33 =	vld [tilespmem:s8+$0x180]  }
0x15b: {  	v30 =	vld [tilespmem:s6+$0x4210]  }
0x15c: {  	v31 =	vld [tilespmem:s6+$0x6210]  }
0x15d: {  	v59 =	vld [tilespmem:s6+$0x4290]  }
0x15e: {  	v60 =	vld [tilespmem:s6+$0x6290]  }
0x15f: {  	v61 =	vld [tilespmem:s6+$0x4310]  }
0x160: {  	v62 =	vld [tilespmem:s6+$0x6310]  }
0x161: {  	v63 =	vld [tilespmem:s6+$0x4390]  }
0x162: {  	v48 =	vld [tilespmem:s6+$0x6390]  }
0x163: {  	v49 =	vld [tilespmem:s6+$0x4410]  }
0x164: {  	v50 =	vld [tilespmem:s6+$0x6410]  }
0x165: {  	v51 =	vld [tilespmem:s6+$0x4490]  }
0x166: {  	v43 =	vld [tilespmem:s6+$0x6490]  }
0x167: {  	v44 =	vld [tilespmem:s6+$0x4200]  }
0x168: {  	v45 =	vld [tilespmem:s6+$0x6200]  }
0x169: {  	v37 =	vld [tilespmem:s6+$0x4280];
	v18 =	vperm.xlane v32, v10;
	v19 =	vperm.xlane v33, v10  }
0x16a: {  	v39 =	vld [tilespmem:s6+$0x6280];
	v20 =	vperm.xlane v32, v11;
	v21 =	vperm.xlane v33, v11  }
0x16b: {  	v40 =	vld [tilespmem:s6+$0x4300];
	v22 =	vperm.xlane v32, v12;
	v23 =	vperm.xlane v33, v12  }
0x16c: {  	v41 =	vld [tilespmem:s6+$0x6300];
	v24 =	vperm.xlane v32, v13;
	v25 =	vperm.xlane v33, v13  }
0x16d: {  	v36 =	vld [tilespmem:s6+$0x4380];
	v27 =	vperm.xlane v32, v14;
	v26 =	vperm.xlane v33, v14  }
0x16e: {  	s16 =	simm.s32 $0x100;
	s19 =	simm.s32 $0x20;
	v46 =	vld [tilespmem:s6+$0x4480];
	v28 =	vperm.xlane v32, v15;
	v29 =	vperm.xlane v33, v15  }
0x16f: {  	s21 =	sand.u32 $0x60, s19;
	s22 =	sand.u32 $0x1C00, s16;
	v47 =	vld [tilespmem:s6+$0x6480];
	v30 =	vmul.f32 v30, v18;
	v31 =	vmul.f32 v31, v19  }
0x170: {  	s21 =	sor.u32 s21, s22;
	v34 =	vmul.f32 v59, v20;
	v58 =	vmul.f32 v43, v29;
	v43 =	vld [tilespmem:s6+$0x6400]  }
0x171: {  	v35 =	vmul.f32 v60, v21;
	v54 =	vmul.f32 v48, v25;
	v48 =	vld [tilespmem:s21+$0x4210]  }
0x172: {  	v52 =	vmul.f32 v62, v23;
	v55 =	vmul.f32 v50, v26;
	v50 =	vld [tilespmem:s21+$0x4290]  }
0x173: {  	v53 =	vmul.f32 v63, v24;
	v57 =	vmul.f32 v51, v28;
	v51 =	vld [tilespmem:s21+$0x6290]  }
0x174: {  	v30 =	vadd.f32 v31, v30;
	v31 =	vmul.f32 v61, v22;
	v34 =	vadd.f32 v35, v34;
	v35 =	vld [tilespmem:s6+$0x4400]  }
0x175: {  	v56 =	vadd.f32 v54, v53;
	v53 =	vld [tilespmem:s21+$0x6310]  }
0x176: {  	v54 =	vld [tilespmem:s21+$0x4390];
	[tilespmem:s6+$0x12210] =	vst v30;
	v30 =	vadd.f32 v52, v31;
	v31 =	vmul.f32 v49, v27  }
0x177: {  	s25 =	sand.u32 $0x3, s18;
	[tilespmem:s6+$0x12290] =	vst v34;
	v34 =	vld [tilespmem:s6+$0x6380]  }
0x178: {  	s2 =	sshll.u32 s25, $0x5;
	v49 =	vld [tilespmem:s21+$0x6210];
	[tilespmem:s6+$0x12310] =	vst v30;
	v30 =	vadd.f32 v55, v31  }
0x179: {  	s2 =	sadd.s32 $0x0, s2;
	[tilespmem:s6+$0x12390] =	vst v56;
	v52 =	vld [tilespmem:s21+$0x4310];
	v31 =	vadd.f32 v58, v57  }
0x17a: {  	s7 =	sadd.s32 $0x10, s2;
	v56 =	vld [tilespmem:s21+$0x4410];
	[tilespmem:s6+$0x12410] =	vst v30  }
0x17b: {  	s26 =	sor.u32 $0x300, s7;
	v61 =	vmul.f32 v48, v18;
	v48 =	vmul.f32 v43, v26;
	v43 =	vld [tilespmem:s21+$0x6380];
	[tilespmem:s6+$0x12490] =	vst v31  }
0x17c: {  	v59 =	vld [tilespmem:s26+$0x4200]  }
0x17d: {  	v37 =	vmul.f32 v37, v20;
	v60 =	vld [tilespmem:s26+$0x6200]  }
0x17e: {  	v36 =	vmul.f32 v36, v24;
	v55 =	vld [tilespmem:s21+$0x6390];
	v35 =	vmul.f32 v35, v27  }
0x17f: {  	v57 =	vld [tilespmem:s21+$0x4490];
	v30 =	vperm.xlane v32, v16;
	v31 =	vperm.xlane v33, v16  }
0x180: {  	v62 =	vmul.f32 v49, v19;
	v49 =	vld [tilespmem:s21+$0x6490];
	v34 =	vmul.f32 v34, v25  }
0x181: {  	v39 =	vmul.f32 v39, v21;
	v63 =	vmul.f32 v52, v22;
	v52 =	vld [tilespmem:s21+$0x4280];
	v35 =	vadd.f32 v48, v35  }
0x182: {  	v34 =	vadd.f32 v34, v36;
	v36 =	vld [tilespmem:s21+$0x6400];
	v38 =	vmul.f32 v59, v30;
	v42 =	vmul.f32 v60, v31  }
0x183: {  	v50 =	vmul.f32 v50, v20;
	v51 =	vmul.f32 v51, v21;
	[tilespmem:s6+$0x12400] =	vst v35;
	v35 =	vld [tilespmem:s21+$0x4480]  }
0x184: {  	v38 =	vadd.f32 v42, v38;
	v42 =	vld [tilespmem:s21+$0x6410]  }
0x185: {  	v37 =	vadd.f32 v39, v37;
	v50 =	vadd.f32 v51, v50;
	[tilespmem:s6+$0x12380] =	vst v34;
	v34 =	vld [tilespmem:s21+$0x6480];
	v60 =	vmul.f32 v53, v23  }
0x186: {  	v53 =	vld [tilespmem:s21+$0x4200];
	[tilespmem:s26+$0x12200] =	vst v38;
	v38 =	vadd.f32 v62, v61;
	v61 =	vmul.f32 v54, v24;
	v62 =	vmul.f32 v55, v25  }
0x187: {  	[tilespmem:s6+$0x12280] =	vst v37;
	v63 =	vadd.f32 v60, v63;
	v60 =	vmul.f32 v56, v27;
	v56 =	vmul.f32 v44, v18;
	v55 =	vld [tilespmem:s21+$0x6200]  }
0x188: {  	s15 =	sor.u32 $0x380, s7;
	[tilespmem:s21+$0x12290] =	vst v50;
	v54 =	vld [tilespmem:s21+$0x6280];
	v61 =	vadd.f32 v62, v61;
	v62 =	vmul.f32 v57, v28;
	v57 =	vmul.f32 v45, v19  }
0x189: {  	s23 =	simm.s32 $0x1;
	[tilespmem:s21+$0x12310] =	vst v63;
	v58 =	vld [tilespmem:s15+$0x4200];
	v42 =	vmul.f32 v42, v26  }
0x18a: {  	s7 =	sand.u32 $0x3, s23;
	v49 =	vmul.f32 v49, v29;
	v59 =	vld [tilespmem:s15+$0x6200];
	[tilespmem:s21+$0x12390] =	vst v61;
	v61 =	vadd.f32 v57, v56  }
0x18b: {  	s7 =	sshll.u32 s7, $0x5;
	v51 =	vmul.f32 v46, v28;
	[tilespmem:s21+$0x12210] =	vst v38;
	v45 =	vld [tilespmem:s21+$0x4300];
	v56 =	vmul.f32 v47, v29;
	v63 =	vadd.f32 v42, v60  }
0x18c: {  	s22 =	sadd.s32 $0x100, s7;
	v40 =	vmul.f32 v40, v22;
	v41 =	vmul.f32 v41, v23;
	v38 =	vld [tilespmem:s21+$0x4400];
	v60 =	vadd.f32 v49, v62;
	[tilespmem:s6+$0x12200] =	vst v61  }
0x18d: {  	s24 =	sadd.s32 $0x10, s22;
	v49 =	vld [tilespmem:s21+$0x6300];
	v57 =	vadd.f32 v56, v51;
	[tilespmem:s21+$0x12410] =	vst v63  }
0x18e: {  	s23 =	sor.u32 $0x300, s24;
	v42 =	vld [tilespmem:s21+$0x4380];
	[tilespmem:s21+$0x12490] =	vst v60;
	v63 =	vadd.f32 v41, v40  }
0x18f: {  	v62 =	vld [tilespmem:s23+$0x4200];
	[tilespmem:s6+$0x12480] =	vst v57  }
0x190: {  	s7 =	sor.u32 $0x300, s2;
	s2 =	simm.s32 $0x40;
	v50 =	vld [tilespmem:s23+$0x6200];
	[tilespmem:s6+$0x12300] =	vst v63;
	s6 =	simm.s32 $0x200  }
0x191: {  	s25 =	sand.u32 $0x60, s2;
	v40 =	vld [tilespmem:s7+$0x4200];
	s26 =	sand.u32 $0x1C00, s6  }
0x192: {  	v41 =	vld [tilespmem:s7+$0x6200];
	s17 =	sor.u32 s25, s26  }
0x193: {  	v39 =	vld [tilespmem:s17+$0x4210]  }
0x194: {  	v44 =	vld [tilespmem:s17+$0x6210]  }
0x195: {  	v32 =	vperm.xlane v32, v17;
	v33 =	vperm.xlane v33, v17;
	v47 =	vld [tilespmem:s17+$0x4290]  }
0x196: {  	v52 =	vmul.f32 v52, v20;
	v35 =	vmul.f32 v35, v28;
	v48 =	vld [tilespmem:s17+$0x6290]  }
0x197: {  	v34 =	vmul.f32 v34, v29;
	v53 =	vmul.f32 v53, v18;
	v51 =	vld [tilespmem:s17+$0x6310]  }
0x198: {  	v55 =	vmul.f32 v55, v19;
	v54 =	vmul.f32 v54, v21;
	v56 =	vld [tilespmem:s17+$0x4390]  }
0x199: {  	v57 =	vmul.f32 v58, v32;
	v58 =	vmul.f32 v59, v33;
	v59 =	vld [tilespmem:s17+$0x6390]  }
0x19a: {  	v53 =	vadd.f32 v55, v53;
	v45 =	vmul.f32 v45, v22;
	v49 =	vmul.f32 v49, v23;
	v55 =	vld [tilespmem:s17+$0x4490]  }
0x19b: {  	v35 =	vadd.f32 v34, v35;
	v52 =	vadd.f32 v54, v52;
	v54 =	vld [tilespmem:s17+$0x6490]  }
0x19c: {  	v45 =	vadd.f32 v49, v45;
	v49 =	vld [tilespmem:s17+$0x4200];
	v60 =	vmul.f32 v62, v30;
	v61 =	vmul.f32 v50, v31  }
0x19d: {  	v50 =	vld [tilespmem:s17+$0x4310]  }
0x19e: {  	v36 =	vmul.f32 v36, v26;
	[tilespmem:s21+$0x12480] =	vst v35;
	v38 =	vmul.f32 v38, v27;
	v62 =	vld [tilespmem:s17+$0x6410];
	v37 =	vadd.f32 v61, v60  }
0x19f: {  	[tilespmem:s21+$0x12280] =	vst v52;
	v60 =	vld [tilespmem:s17+$0x4410]  }
0x1a0: {  	v36 =	vadd.f32 v36, v38;
	v52 =	vld [tilespmem:s17+$0x4380];
	[tilespmem:s23+$0x12200] =	vst v37;
	s23 =	sor.u32 $0x380, s24;
	v39 =	vmul.f32 v39, v18;
	v44 =	vmul.f32 v44, v19  }
0x1a1: {  	[tilespmem:s21+$0x12200] =	vst v53;
	v57 =	vadd.f32 v58, v57;
	v47 =	vmul.f32 v47, v20;
	v48 =	vmul.f32 v48, v21;
	v37 =	vld [tilespmem:s23+$0x4200]  }
0x1a2: {  	[tilespmem:s21+$0x12400] =	vst v36;
	v51 =	vmul.f32 v51, v23;
	v46 =	vld [tilespmem:s23+$0x6200];
	v50 =	vmul.f32 v50, v22;
	v39 =	vadd.f32 v44, v39  }
0x1a3: {  	[tilespmem:s15+$0x12200] =	vst v57;
	v56 =	vmul.f32 v56, v24;
	v57 =	vmul.f32 v59, v25;
	v44 =	vld [tilespmem:s17+$0x6200];
	v63 =	vadd.f32 v48, v47  }
0x1a4: {  	s20 =	simm.s32 $0x2;
	v61 =	vmul.f32 v62, v26;
	v47 =	vld [tilespmem:s17+$0x4280];
	v59 =	vadd.f32 v51, v50;
	v60 =	vmul.f32 v60, v27;
	[tilespmem:s17+$0x12210] =	vst v39  }
0x1a5: {  	s24 =	sand.u32 $0x3, s20;
	v54 =	vmul.f32 v54, v29;
	v62 =	vadd.f32 v57, v56;
	v50 =	vld [tilespmem:s17+$0x6280];
	[tilespmem:s17+$0x12290] =	vst v63;
	v63 =	vmul.f32 v55, v28  }
0x1a6: {  	s15 =	sshll.u32 s24, $0x5;
	v48 =	vld [tilespmem:s17+$0x4300];
	[tilespmem:s17+$0x12310] =	vst v59;
	v59 =	vadd.f32 v61, v60  }
0x1a7: {  	v58 =	vmul.f32 v43, v25;
	v57 =	vmul.f32 v42, v24;
	s26 =	sadd.s32 $0x200, s15;
	v51 =	vld [tilespmem:s17+$0x6300];
	[tilespmem:s17+$0x12390] =	vst v62;
	v61 =	vadd.f32 v54, v63  }
0x1a8: {  	v42 =	vld [tilespmem:s17+$0x6380];
	s29 =	sadd.s32 $0x10, s26;
	v60 =	vmul.f32 v49, v18;
	v44 =	vmul.f32 v44, v19;
	[tilespmem:s17+$0x12410] =	vst v59  }
0x1a9: {  	v53 =	vld [tilespmem:s17+$0x4400];
	v56 =	vmul.f32 v41, v31;
	v39 =	vadd.f32 v58, v57;
	s15 =	sor.u32 $0x300, s29;
	v55 =	vmul.f32 v40, v30;
	[tilespmem:s17+$0x12490] =	vst v61  }
0x1aa: {  	[tilespmem:s21+$0x12300] =	vst v45;
	v63 =	vmul.f32 v47, v20;
	v50 =	vmul.f32 v50, v21;
	v62 =	vadd.f32 v44, v60;
	v54 =	vld [tilespmem:s15+$0x4200]  }
0x1ab: {  	[tilespmem:s21+$0x12380] =	vst v39;
	v38 =	vadd.f32 v56, v55;
	v59 =	vmul.f32 v37, v32;
	v58 =	vld [tilespmem:s15+$0x6200];
	v60 =	vmul.f32 v46, v33  }
0x1ac: {  	s18 =	sor.u32 s18, s18;
	v34 =	vld [tilespmem:s17+$0x6400];
	v61 =	vmul.f32 v48, v22;
	v57 =	vadd.f32 v50, v63;
	[tilespmem:s17+$0x12200] =	vst v62;
	v62 =	vmul.f32 v51, v23  }
0x1ad: {  	s18 =	sor.u32 $0x380, s18;
	s16 =	sor.u32 s16, s19;
	v35 =	vld [tilespmem:s17+$0x4480];
	v42 =	vmul.f32 v42, v25;
	[tilespmem:s7+$0x12200] =	vst v38;
	v63 =	vmul.f32 v52, v24;
	v36 =	vadd.f32 v60, v59  }
0x1ae: {  	s19 =	sor.u32 $0x8, s8;
	s16 =	sor.u32 $0x380, s16;
	s22 =	sor.u32 $0x300, s22;
	v37 =	vld [tilespmem:s17+$0x6480];
	[tilespmem:s17+$0x12280] =	vst v57;
	v40 =	vadd.f32 v62, v61  }
0x1af: {  	s2 =	sor.u32 s6, s2;
	s6 =	simm.s32 $0x4;
	s25 =	simm.s32 $0x60;
	v38 =	vmul.f32 v53, v27;
	v42 =	vadd.f32 v42, v63;
	[tilespmem:s23+$0x12200] =	vst v36;
	v36 =	vld [tilespmem:s22+$0x4200]  }
0x1b0: {  	s21 =	sor.u32 $0x380, s2;
	s2 =	sor.u32 $0x300, s26;
	v39 =	vld [tilespmem:s22+$0x6200];
	s7 =	simm.s32 $0x300;
	v41 =	vmul.f32 v58, v31;
	[tilespmem:s17+$0x12300] =	vst v40;
	v40 =	vmul.f32 v54, v30  }
.LBB2_5:
0x1b1: {  	s23 =	sand.u32 $0x60, s25;
	s24 =	sand.u32 $0x1C00, s7;
	s26 =	sor.u32 s7, s25;
	[tilespmem:s17+$0x12380] =	vst v42;
	v34 =	vmul.f32 v34, v26;
	v42 =	vld [tilespmem:s18+$0x4200]  }
0x1b2: {  	s23 =	sor.u32 s23, s24;
	s24 =	sor.u32 $0x380, s26;
	v35 =	vmul.f32 v35, v28;
	v40 =	vadd.f32 v41, v40;
	v41 =	vld [tilespmem:s18+$0x6200]  }
0x1b3: {  	v43 =	vld [tilespmem:s23+$0x4210];
	v34 =	vadd.f32 v34, v38;
	v37 =	vmul.f32 v37, v29  }
0x1b4: {  	v38 =	vld [tilespmem:s23+$0x6210];
	[tilespmem:s15+$0x12200] =	vst v40;
	s15 =	sor.u32 $0x380, s29;
	v36 =	vmul.f32 v36, v30  }
0x1b5: {  	[tilespmem:s17+$0x12400] =	vst v34;
	v34 =	vadd.f32 v37, v35;
	v35 =	vld [tilespmem:s15+$0x4200];
	v37 =	vmul.f32 v39, v31  }
0x1b6: {  	v39 =	vld [tilespmem:s15+$0x6200];
	v40 =	vmul.f32 v42, v32  }
0x1b7: {  	v42 =	vld [tilespmem:s23+$0x4290];
	[tilespmem:s17+$0x12480] =	vst v34;
	v34 =	vadd.f32 v37, v36;
	v36 =	vmul.f32 v41, v33;
	s17 =	smov.u32 s23  }
0x1b8: {  	v37 =	vld [tilespmem:s17+$0x6290]  }
0x1b9: {  	v41 =	vld [tilespmem:s17+$0x4310];
	[tilespmem:s22+$0x12200] =	vst v34;
	v34 =	vadd.f32 v36, v40;
	s22 =	smov.u32 s2  }
0x1ba: {  	v36 =	vld [tilespmem:s17+$0x6310]  }
0x1bb: {  	v35 =	vmul.f32 v35, v32;
	v40 =	vld [tilespmem:s17+$0x4390];
	v39 =	vmul.f32 v39, v33;
	[tilespmem:s18+$0x12200] =	vst v34;
	s18 =	smov.u32 s16;
	s16 =	smov.u32 s21;
	s21 =	smov.u32 s24  }
0x1bc: {  	v34 =	vld [tilespmem:s17+$0x6390]  }
0x1bd: {  	v44 =	vld [tilespmem:s17+$0x4410];
	v35 =	vadd.f32 v39, v35  }
0x1be: {  	v39 =	vld [tilespmem:s17+$0x6410]  }
0x1bf: {  	v45 =	vld [tilespmem:s17+$0x4490];
	[tilespmem:s15+$0x12200] =	vst v35  }
0x1c0: {  	s6 =	sadd.s32 $0x2, s6;
	v38 =	vmul.f32 v38, v19;
	v35 =	vmul.f32 v43, v18;
	v43 =	vld [tilespmem:s17+$0x6490]  }
0x1c1: {  	p2 =	slt.u32 s6, $0x3E;
	v42 =	vmul.f32 v42, v20;
	v37 =	vmul.f32 v37, v21;
	v46 =	vld [tilespmem:s17+$0x4200]  }
0x1c2: {  	v36 =	vmul.f32 v36, v23;
	v35 =	vadd.f32 v38, v35;
	v38 =	vmul.f32 v41, v22;
	v47 =	vld [tilespmem:s17+$0x6200]  }
0x1c3: {  	v37 =	vadd.f32 v37, v42;
	v40 =	vmul.f32 v40, v24;
	v34 =	vmul.f32 v34, v25;
	v41 =	vld [tilespmem:s17+$0x4280]  }
0x1c4: {  	s20 =	sadd.s32 $0x1, s20;
	v42 =	vld [tilespmem:s17+$0x6280];
	[tilespmem:s17+$0x12210] =	vst v35;
	v35 =	vadd.f32 v36, v38;
	v36 =	vmul.f32 v44, v27;
	v38 =	vmul.f32 v39, v26  }
0x1c5: {  	s2 =	sand.u32 $0x3, s20;
	v34 =	vadd.f32 v34, v40;
	v39 =	vld [tilespmem:s17+$0x4300];
	[tilespmem:s17+$0x12290] =	vst v37;
	v37 =	vmul.f32 v45, v28;
	v40 =	vmul.f32 v43, v29  }
0x1c6: {  	s2 =	sshll.u32 s2, $0x5;
	v43 =	vmul.f32 v46, v18;
	v44 =	vld [tilespmem:s17+$0x6300];
	[tilespmem:s17+$0x12310] =	vst v35;
	v35 =	vadd.f32 v38, v36  }
0x1c7: {  	s15 =	sadd.s32 s2, s7;
	v36 =	vmul.f32 v47, v19;
	v38 =	vld [tilespmem:s17+$0x4380];
	[tilespmem:s17+$0x12390] =	vst v34;
	v34 =	vadd.f32 v40, v37  }
0x1c8: {  	s2 =	sor.u32 $0x300, s15;
	s29 =	sadd.s32 $0x10, s15;
	v37 =	vmul.f32 v41, v20;
	v40 =	vld [tilespmem:s17+$0x6380];
	[tilespmem:s17+$0x12410] =	vst v35  }
0x1c9: {  	s15 =	sor.u32 $0x300, s29;
	v35 =	vadd.f32 v36, v43;
	v36 =	vmul.f32 v42, v21;
	v41 =	vld [tilespmem:s17+$0x4400];
	[tilespmem:s17+$0x12490] =	vst v34  }
0x1ca: {  	v39 =	vmul.f32 v39, v22;
	v43 =	vld [tilespmem:s15+$0x4200]  }
0x1cb: {  	[tilespmem:s17+$0x12200] =	vst v35;
	v35 =	vadd.f32 v36, v37;
	v36 =	vmul.f32 v44, v23;
	v44 =	vld [tilespmem:s15+$0x6200]  }
.Ltmp1:
0x1cc: {  	v42 =	vmul.f32 v38, v24;
	v34 =	vld [tilespmem:s17+$0x6400];
	(pc) =	sbr.rel @p2 .LBB2_5-.Ltmp1, $4  }
0x1cd: {  	[tilespmem:s17+$0x12280] =	vst v35;
	v36 =	vadd.f32 v36, v39;
	v39 =	vmul.f32 v40, v25;
	v35 =	vld [tilespmem:s17+$0x4480]  }
0x1ce: {  	v38 =	vmul.f32 v41, v27;
	v37 =	vld [tilespmem:s17+$0x6480]  }
0x1cf: {  	[tilespmem:s17+$0x12300] =	vst v36;
	v42 =	vadd.f32 v39, v42;
	v36 =	vld [tilespmem:s22+$0x4200]  }
0x1d0: {  	s25 =	sadd.s32 $0x20, s25;
	s7 =	sadd.s32 $0x100, s7;
	v40 =	vmul.f32 v43, v30;
	v41 =	vmul.f32 v44, v31;
	v39 =	vld [tilespmem:s22+$0x6200]  }
0x1d1: {  	_ = 	snop  }
0x1d2: {  	v18 =	vmul.f32 v34, v26  }
0x1d3: {  	v19 =	vmul.f32 v35, v28;
	v20 =	vmul.f32 v37, v29  }
0x1d4: {  	v18 =	vadd.f32 v18, v38  }
0x1d5: {  	[tilespmem:s17+$0x12380] =	vst v42;
	v19 =	vadd.f32 v20, v19  }
0x1d6: {  	[tilespmem:s17+$0x12400] =	vst v18  }
0x1d7: {  	[tilespmem:s17+$0x12480] =	vst v19  }
0x1d8: {  	v18 =	vld [tilespmem:s2+$0x4200]  }
0x1d9: {  	v19 =	vld [tilespmem:s2+$0x6200];
	_ =	sdelay $0x2  }
0x1da: {  	v21 =	vmul.f32 v36, v30;
	v20 =	vadd.f32 v41, v40;
	v22 =	vmul.f32 v39, v31  }
0x1db: {  	v23 =	vld [tilespmem:s18+$0x4200]  }
0x1dc: {  	v24 =	vld [tilespmem:s18+$0x6200];
	s6 =	sor.u32 $0x380, s29;
	[tilespmem:s15+$0x12200] =	vst v20;
	v20 =	vadd.f32 v22, v21;
	v18 =	vmul.f32 v18, v30;
	v19 =	vmul.f32 v19, v31  }
0x1dd: {  	v21 =	vld [tilespmem:s6+$0x4200]  }
0x1de: {  	v22 =	vld [tilespmem:s6+$0x6200];
	[tilespmem:s22+$0x12200] =	vst v20;
	v18 =	vadd.f32 v19, v18  }
0x1df: {  	v20 =	vld [tilespmem:s16+$0x6200]  }
0x1e0: {  	v19 =	vld [tilespmem:s16+$0x4200];
	[tilespmem:s2+$0x12200] =	vst v18  }
0x1e1: {  	v18 =	vld [tilespmem:s21+$0x4200]  }
0x1e2: {  	v25 =	vld [tilespmem:s21+$0x6200];
	_ =	sdelay $0x1  }
0x1e3: {  	v23 =	vmul.f32 v23, v32;
	v24 =	vmul.f32 v24, v33  }
0x1e4: {  	v21 =	vmul.f32 v21, v32;
	v22 =	vmul.f32 v22, v33  }
0x1e5: {  	v23 =	vadd.f32 v24, v23;
	v20 =	vmul.f32 v20, v33;
	v19 =	vmul.f32 v19, v32  }
0x1e6: {  	v21 =	vadd.f32 v22, v21;
	v18 =	vmul.f32 v18, v32;
	v22 =	vmul.f32 v25, v33  }
0x1e7: {  	[tilespmem:s18+$0x12200] =	vst v23;
	v19 =	vadd.f32 v20, v19  }
0x1e8: {  	[tilespmem:s6+$0x12200] =	vst v21;
	v18 =	vadd.f32 v22, v18  }
0x1e9: {  	[tilespmem:s16+$0x12200] =	vst v19  }
0x1ea: {  	s2 =	sor.u32 @!p0 $0x8, s13;
	[tilespmem:s21+$0x12200] =	vst v18  }
0x1eb: {  	v18 =	vld.msk @!p0 [tilespmem:s2+$0x0], $0xff;
	_ =	sdelay $0x4  }
0x1ec: {  	v19 =	vshll.u32 @!p0 v18, $0x3  }
0x1ed: {  	v20 =	vlaneseq.u32 @!p0;
	v18 =	vand.u32 @!p0 $0x7, v18;
	v19 =	vand.u32 @!p0 $0xFFFFFFC0, v19  }
0x1ee: {  	v18 =	vor.u32 @!p0 v18, v19;
	v19 =	vand.u32 @!p0 $0x7, v20;
	v20 =	vshrl.u32 @!p0 v20, $0x3  }
0x1ef: {  	v18 =	vperm.xlane @!p0 v18, v19;
	v20 =	vmul.u32 @!p0 $0x8, v20;
	_ =	sdelay $0x1  }
0x1f0: {  	v18 =	vadd.s32 @!p0 v20, v18;
	_ =	sdelay $0x3  }
0x1f1: {  	s6 =	simm.s32 @!p0 $0x4200;
	s2 =	simm.s32 @!p0 $0x0  }
0x1f2: {  	[tilespmem:s6], [sflag:$0x3] =	stream.indirect_vreg.gather @!p0 [hbm4b:s1+s2], $0x80, v18, vm1, $0xb8;
	[tilespmem:$0x18200] =	vst v63  }
0x1f3: {  	s6 =	simm.s32 @!p0 $0x4A00  }
0x1f4: {  	[tilespmem:s6], [sflag:$0x3] =	stream.indirect_vreg.gather @!p0 [hbm4b:s10+s2], $0x80, v18, vm1, $0xb8;
	[tilespmem:$0x18200] =	vst v63  }
0x1f5: {  	s6 =	simm.s32 @!p0 $0x5200  }
0x1f6: {  	[tilespmem:s6], [sflag:$0x3] =	stream.indirect_vreg.gather @!p0 [hbm4b:s11+s2], $0x80, v18, vm1, $0xb8;
	[tilespmem:$0x18200] =	vst v63  }
0x1f7: {  	s6 =	simm.s32 @!p0 $0x5A00  }
0x1f8: {  	[tilespmem:s6], [sflag:$0x3] =	stream.indirect_vreg.gather @!p0 [hbm4b:s12+s2], $0x80, v18, vm1, $0xb8;
	[tilespmem:$0x18200] =	vst v63  }
0x1f9: {  	v18 =	vld.msk @!p0 [tilespmem:s13+$0x88], $0xff;
	_ =	sdelay $0x4  }
0x1fa: {  	v21 =	vshll.u32 @!p0 v18, $0x3  }
0x1fb: {  	v18 =	vand.u32 @!p0 $0x7, v18;
	v21 =	vand.u32 @!p0 $0xFFFFFFC0, v21  }
0x1fc: {  	v18 =	vor.u32 @!p0 v18, v21  }
0x1fd: {  	v18 =	vperm.xlane @!p0 v18, v19;
	_ =	sdelay $0x1  }
0x1fe: {  	v18 =	vadd.s32 @!p0 v20, v18;
	_ =	sdelay $0x3  }
0x1ff: {  	s6 =	simm.s32 @!p0 $0x6200  }
0x200: {  	[tilespmem:s6], [sflag:$0x4] =	stream.indirect_vreg.gather @!p0 [hbm4b:s1+s2], $0x80, v18, vm1, $0xb8;
	[tilespmem:$0x18200] =	vst v63  }
0x201: {  	s6 =	simm.s32 @!p0 $0x6A00  }
0x202: {  	[tilespmem:s6], [sflag:$0x4] =	stream.indirect_vreg.gather @!p0 [hbm4b:s10+s2], $0x80, v18, vm1, $0xb8;
	[tilespmem:$0x18200] =	vst v63  }
0x203: {  	s6 =	simm.s32 @!p0 $0x7200  }
0x204: {  	[tilespmem:s6], [sflag:$0x4] =	stream.indirect_vreg.gather @!p0 [hbm4b:s11+s2], $0x80, v18, vm1, $0xb8;
	[tilespmem:$0x18200] =	vst v63  }
0x205: {  	s18 =	sadd.s32 s4, s19;
	s6 =	simm.s32 @!p0 $0x7A00  }
0x206: {  	[tilespmem:s6], [sflag:$0x4] =	stream.indirect_vreg.gather @!p0 [hbm4b:s12+s2], $0x80, v18, vm1, $0xb8;
	[tilespmem:$0x18200] =	vst v63  }
0x207: {  	s2 =	sshll.u32 s18, $0x7  }
0x208: {  	s19 =	simm.s32 $0x12200;
	s2 =	sadd.s32 s3, s2  }
0x209: {  	[hbm4b:s2+s5] =	stream.linear.scatter [tilespmem:s19], [sflag:$0xA], $0x2000, $0x38;
	[tilespmem:$0x18200] =	vst v63  }
0x20a: {  	s2 =	simm.s32 @!p1 $0xB  }
0x20b: {  	_ =	swait.ge @!p1 [sflag:s2], $0x2000  }
0x20c: {  	[sflag:s2] =	ssyncset.done @!p1 $0x0  }
0x20d: {  	[sflag:s2] =	ssyncadd.s32 @!p1 $0xFFFFE000  }
0x20e: {  	_ =	swait.ge [sflag:s30], $0x2000  }
0x20f: {  	[sflag:s30] =	ssyncset.done $0x0  }
0x210: {  	[sflag:s30] =	ssyncadd.s32 $0xFFFFE000  }
0x211: {  	_ =	swait.ge [sflag:s31], $0x2000  }
0x212: {  	[sflag:s31] =	ssyncset.done $0x0  }
0x213: {  	s17 =	sor.u32 $0x10, s8;
	s19 =	simm.s32 $0x0;
	[sflag:s31] =	ssyncadd.s32 $0xFFFFE000  }
0x214: {  	s20 =	sand.u32 $0x60, s19;
	s21 =	sand.u32 $0x1C00, s19;
	v32 =	vld [tilespmem:s17+$0x100]  }
0x215: {  	s6 =	sor.u32 s20, s21;
	v33 =	vld [tilespmem:s17+$0x180]  }
0x216: {  	v30 =	vld [tilespmem:s6+$0x8210]  }
0x217: {  	v31 =	vld [tilespmem:s6+$0xA210]  }
0x218: {  	v59 =	vld [tilespmem:s6+$0x8290]  }
0x219: {  	v60 =	vld [tilespmem:s6+$0xA290]  }
0x21a: {  	v61 =	vld [tilespmem:s6+$0x8310]  }
0x21b: {  	v62 =	vld [tilespmem:s6+$0xA310]  }
0x21c: {  	v63 =	vld [tilespmem:s6+$0x8390]  }
0x21d: {  	v48 =	vld [tilespmem:s6+$0xA390]  }
0x21e: {  	v49 =	vld [tilespmem:s6+$0x8410]  }
0x21f: {  	v50 =	vld [tilespmem:s6+$0xA410]  }
0x220: {  	v51 =	vld [tilespmem:s6+$0x8490]  }
0x221: {  	v43 =	vld [tilespmem:s6+$0xA490]  }
0x222: {  	v44 =	vld [tilespmem:s6+$0x8200]  }
0x223: {  	v45 =	vld [tilespmem:s6+$0xA200]  }
0x224: {  	v37 =	vld [tilespmem:s6+$0x8280];
	v18 =	vperm.xlane v32, v2;
	v19 =	vperm.xlane v33, v2  }
0x225: {  	v39 =	vld [tilespmem:s6+$0xA280];
	v20 =	vperm.xlane v32, v3;
	v21 =	vperm.xlane v33, v3  }
0x226: {  	v40 =	vld [tilespmem:s6+$0x8300];
	v22 =	vperm.xlane v32, v4;
	v23 =	vperm.xlane v33, v4  }
0x227: {  	v41 =	vld [tilespmem:s6+$0xA300];
	v24 =	vperm.xlane v32, v5;
	v25 =	vperm.xlane v33, v5  }
0x228: {  	v36 =	vld [tilespmem:s6+$0x8380];
	v27 =	vperm.xlane v32, v6;
	v26 =	vperm.xlane v33, v6  }
0x229: {  	s16 =	simm.s32 $0x100;
	s21 =	simm.s32 $0x20;
	v46 =	vld [tilespmem:s6+$0x8480];
	v28 =	vperm.xlane v32, v7;
	v29 =	vperm.xlane v33, v7  }
0x22a: {  	s22 =	sand.u32 $0x3, s19;
	s20 =	sand.u32 $0x1C00, s16;
	s24 =	sand.u32 $0x60, s21;
	v47 =	vld [tilespmem:s6+$0xA480];
	v30 =	vmul.f32 v30, v18;
	v31 =	vmul.f32 v31, v19  }
0x22b: {  	s2 =	sshll.u32 s22, $0x5;
	s22 =	sor.u32 s24, s20;
	v34 =	vmul.f32 v59, v20;
	v58 =	vmul.f32 v43, v29;
	v43 =	vld [tilespmem:s6+$0xA400]  }
0x22c: {  	v35 =	vmul.f32 v60, v21;
	v54 =	vmul.f32 v48, v25;
	v48 =	vld [tilespmem:s22+$0x8210]  }
0x22d: {  	v52 =	vmul.f32 v62, v23;
	v55 =	vmul.f32 v50, v26;
	v50 =	vld [tilespmem:s22+$0x8290]  }
0x22e: {  	v53 =	vmul.f32 v63, v24;
	v57 =	vmul.f32 v51, v28;
	v51 =	vld [tilespmem:s22+$0xA290]  }
0x22f: {  	v30 =	vadd.f32 v31, v30;
	v31 =	vmul.f32 v61, v22;
	v34 =	vadd.f32 v35, v34;
	v35 =	vld [tilespmem:s6+$0x8400]  }
0x230: {  	v56 =	vadd.f32 v54, v53;
	v53 =	vld [tilespmem:s22+$0xA310]  }
0x231: {  	v54 =	vld [tilespmem:s22+$0x8390];
	[tilespmem:s6+$0x14210] =	vst v30;
	v30 =	vadd.f32 v52, v31;
	v31 =	vmul.f32 v49, v27  }
0x232: {  	[tilespmem:s6+$0x14290] =	vst v34;
	v34 =	vld [tilespmem:s6+$0xA380]  }
0x233: {  	v49 =	vld [tilespmem:s22+$0xA210];
	[tilespmem:s6+$0x14310] =	vst v30;
	v30 =	vadd.f32 v55, v31  }
0x234: {  	s2 =	sadd.s32 $0x0, s2;
	[tilespmem:s6+$0x14390] =	vst v56;
	v52 =	vld [tilespmem:s22+$0x8310];
	v31 =	vadd.f32 v58, v57  }
0x235: {  	s7 =	sadd.s32 $0x10, s2;
	v56 =	vld [tilespmem:s22+$0x8410];
	[tilespmem:s6+$0x14410] =	vst v30  }
0x236: {  	s23 =	sor.u32 $0x300, s7;
	v61 =	vmul.f32 v48, v18;
	v48 =	vmul.f32 v43, v26;
	v43 =	vld [tilespmem:s22+$0xA380];
	[tilespmem:s6+$0x14490] =	vst v31  }
0x237: {  	v59 =	vld [tilespmem:s23+$0x8200]  }
0x238: {  	v37 =	vmul.f32 v37, v20;
	v60 =	vld [tilespmem:s23+$0xA200]  }
0x239: {  	v36 =	vmul.f32 v36, v24;
	v55 =	vld [tilespmem:s22+$0xA390];
	v35 =	vmul.f32 v35, v27  }
0x23a: {  	v57 =	vld [tilespmem:s22+$0x8490];
	v30 =	vperm.xlane v32, v8;
	v31 =	vperm.xlane v33, v8  }
0x23b: {  	v62 =	vmul.f32 v49, v19;
	v49 =	vld [tilespmem:s22+$0xA490];
	v34 =	vmul.f32 v34, v25  }
0x23c: {  	v39 =	vmul.f32 v39, v21;
	v63 =	vmul.f32 v52, v22;
	v52 =	vld [tilespmem:s22+$0x8280];
	v35 =	vadd.f32 v48, v35  }
0x23d: {  	v34 =	vadd.f32 v34, v36;
	v36 =	vld [tilespmem:s22+$0xA400];
	v38 =	vmul.f32 v59, v30;
	v42 =	vmul.f32 v60, v31  }
0x23e: {  	v50 =	vmul.f32 v50, v20;
	v51 =	vmul.f32 v51, v21;
	[tilespmem:s6+$0x14400] =	vst v35;
	v35 =	vld [tilespmem:s22+$0x8480]  }
0x23f: {  	v38 =	vadd.f32 v42, v38;
	v42 =	vld [tilespmem:s22+$0xA410]  }
0x240: {  	v37 =	vadd.f32 v39, v37;
	v50 =	vadd.f32 v51, v50;
	[tilespmem:s6+$0x14380] =	vst v34;
	v34 =	vld [tilespmem:s22+$0xA480];
	v60 =	vmul.f32 v53, v23  }
0x241: {  	v53 =	vld [tilespmem:s22+$0x8200];
	[tilespmem:s23+$0x14200] =	vst v38;
	v38 =	vadd.f32 v62, v61;
	v61 =	vmul.f32 v54, v24;
	v62 =	vmul.f32 v55, v25  }
0x242: {  	[tilespmem:s6+$0x14280] =	vst v37;
	v63 =	vadd.f32 v60, v63;
	v60 =	vmul.f32 v56, v27;
	v56 =	vmul.f32 v44, v18;
	v55 =	vld [tilespmem:s22+$0xA200]  }
0x243: {  	s15 =	sor.u32 $0x380, s7;
	[tilespmem:s22+$0x14290] =	vst v50;
	v54 =	vld [tilespmem:s22+$0xA280];
	v61 =	vadd.f32 v62, v61;
	v62 =	vmul.f32 v57, v28;
	v57 =	vmul.f32 v45, v19  }
0x244: {  	s25 =	simm.s32 $0x1;
	[tilespmem:s22+$0x14310] =	vst v63;
	v58 =	vld [tilespmem:s15+$0x8200];
	v42 =	vmul.f32 v42, v26  }
0x245: {  	s7 =	sand.u32 $0x3, s25;
	v49 =	vmul.f32 v49, v29;
	v59 =	vld [tilespmem:s15+$0xA200];
	[tilespmem:s22+$0x14390] =	vst v61;
	v61 =	vadd.f32 v57, v56  }
0x246: {  	s7 =	sshll.u32 s7, $0x5;
	v51 =	vmul.f32 v46, v28;
	[tilespmem:s22+$0x14210] =	vst v38;
	v45 =	vld [tilespmem:s22+$0x8300];
	v56 =	vmul.f32 v47, v29;
	v63 =	vadd.f32 v42, v60  }
0x247: {  	s7 =	sadd.s32 $0x100, s7;
	v40 =	vmul.f32 v40, v22;
	v41 =	vmul.f32 v41, v23;
	v38 =	vld [tilespmem:s22+$0x8400];
	v60 =	vadd.f32 v49, v62;
	[tilespmem:s6+$0x14200] =	vst v61  }
0x248: {  	s20 =	sadd.s32 $0x10, s7;
	v49 =	vld [tilespmem:s22+$0xA300];
	v57 =	vadd.f32 v56, v51;
	[tilespmem:s22+$0x14410] =	vst v63  }
0x249: {  	s23 =	sor.u32 $0x300, s20;
	v42 =	vld [tilespmem:s22+$0x8380];
	[tilespmem:s22+$0x14490] =	vst v60;
	v63 =	vadd.f32 v41, v40  }
0x24a: {  	v62 =	vld [tilespmem:s23+$0x8200];
	[tilespmem:s6+$0x14480] =	vst v57  }
0x24b: {  	s25 =	sor.u32 $0x300, s2;
	s2 =	simm.s32 $0x200;
	v50 =	vld [tilespmem:s23+$0xA200];
	[tilespmem:s6+$0x14300] =	vst v63;
	s6 =	simm.s32 $0x40  }
0x24c: {  	s24 =	sand.u32 $0x1C00, s2;
	v40 =	vld [tilespmem:s25+$0x8200];
	s26 =	sand.u32 $0x60, s6  }
0x24d: {  	v41 =	vld [tilespmem:s25+$0xA200];
	s18 =	sor.u32 s26, s24  }
0x24e: {  	v39 =	vld [tilespmem:s18+$0x8210]  }
0x24f: {  	v44 =	vld [tilespmem:s18+$0xA210]  }
0x250: {  	v32 =	vperm.xlane v32, v9;
	v33 =	vperm.xlane v33, v9;
	v47 =	vld [tilespmem:s18+$0x8290]  }
0x251: {  	v52 =	vmul.f32 v52, v20;
	v35 =	vmul.f32 v35, v28;
	v48 =	vld [tilespmem:s18+$0xA290]  }
0x252: {  	v34 =	vmul.f32 v34, v29;
	v53 =	vmul.f32 v53, v18;
	v51 =	vld [tilespmem:s18+$0xA310]  }
0x253: {  	v55 =	vmul.f32 v55, v19;
	v54 =	vmul.f32 v54, v21;
	v56 =	vld [tilespmem:s18+$0x8390]  }
0x254: {  	v57 =	vmul.f32 v58, v32;
	v58 =	vmul.f32 v59, v33;
	v59 =	vld [tilespmem:s18+$0xA390]  }
0x255: {  	v53 =	vadd.f32 v55, v53;
	v45 =	vmul.f32 v45, v22;
	v49 =	vmul.f32 v49, v23;
	v55 =	vld [tilespmem:s18+$0x8490]  }
0x256: {  	v35 =	vadd.f32 v34, v35;
	v52 =	vadd.f32 v54, v52;
	v54 =	vld [tilespmem:s18+$0xA490]  }
0x257: {  	v45 =	vadd.f32 v49, v45;
	v49 =	vld [tilespmem:s18+$0x8200];
	v60 =	vmul.f32 v62, v30;
	v61 =	vmul.f32 v50, v31  }
0x258: {  	v50 =	vld [tilespmem:s18+$0x8310]  }
0x259: {  	v36 =	vmul.f32 v36, v26;
	[tilespmem:s22+$0x14480] =	vst v35;
	v38 =	vmul.f32 v38, v27;
	v62 =	vld [tilespmem:s18+$0xA410];
	v37 =	vadd.f32 v61, v60  }
0x25a: {  	[tilespmem:s22+$0x14280] =	vst v52;
	v60 =	vld [tilespmem:s18+$0x8410]  }
0x25b: {  	v36 =	vadd.f32 v36, v38;
	v52 =	vld [tilespmem:s18+$0x8380];
	[tilespmem:s23+$0x14200] =	vst v37;
	s23 =	sor.u32 $0x380, s20;
	v39 =	vmul.f32 v39, v18;
	v44 =	vmul.f32 v44, v19  }
0x25c: {  	[tilespmem:s22+$0x14200] =	vst v53;
	v57 =	vadd.f32 v58, v57;
	v47 =	vmul.f32 v47, v20;
	v48 =	vmul.f32 v48, v21;
	v37 =	vld [tilespmem:s23+$0x8200]  }
0x25d: {  	[tilespmem:s22+$0x14400] =	vst v36;
	v51 =	vmul.f32 v51, v23;
	v46 =	vld [tilespmem:s23+$0xA200];
	v50 =	vmul.f32 v50, v22;
	v39 =	vadd.f32 v44, v39  }
0x25e: {  	[tilespmem:s15+$0x14200] =	vst v57;
	v56 =	vmul.f32 v56, v24;
	v57 =	vmul.f32 v59, v25;
	v44 =	vld [tilespmem:s18+$0xA200];
	v63 =	vadd.f32 v48, v47  }
0x25f: {  	s20 =	simm.s32 $0x2;
	v61 =	vmul.f32 v62, v26;
	v47 =	vld [tilespmem:s18+$0x8280];
	v59 =	vadd.f32 v51, v50;
	v60 =	vmul.f32 v60, v27;
	[tilespmem:s18+$0x14210] =	vst v39  }
0x260: {  	v54 =	vmul.f32 v54, v29;
	s24 =	sand.u32 $0x3, s20;
	v62 =	vadd.f32 v57, v56;
	v50 =	vld [tilespmem:s18+$0xA280];
	[tilespmem:s18+$0x14290] =	vst v63;
	v63 =	vmul.f32 v55, v28  }
0x261: {  	v48 =	vld [tilespmem:s18+$0x8300];
	s15 =	sshll.u32 s24, $0x5;
	[tilespmem:s18+$0x14310] =	vst v59;
	v59 =	vadd.f32 v61, v60  }
0x262: {  	v58 =	vmul.f32 v43, v25;
	v57 =	vmul.f32 v42, v24;
	v51 =	vld [tilespmem:s18+$0xA300];
	s26 =	sadd.s32 $0x200, s15;
	[tilespmem:s18+$0x14390] =	vst v62;
	v61 =	vadd.f32 v54, v63  }
0x263: {  	v42 =	vld [tilespmem:s18+$0xA380];
	s29 =	sadd.s32 $0x10, s26;
	v60 =	vmul.f32 v49, v18;
	v44 =	vmul.f32 v44, v19;
	[tilespmem:s18+$0x14410] =	vst v59  }
0x264: {  	v53 =	vld [tilespmem:s18+$0x8400];
	v56 =	vmul.f32 v41, v31;
	v39 =	vadd.f32 v58, v57;
	v55 =	vmul.f32 v40, v30;
	s15 =	sor.u32 $0x300, s29;
	[tilespmem:s18+$0x14490] =	vst v61  }
0x265: {  	[tilespmem:s22+$0x14300] =	vst v45;
	v63 =	vmul.f32 v47, v20;
	v50 =	vmul.f32 v50, v21;
	v62 =	vadd.f32 v44, v60;
	v54 =	vld [tilespmem:s15+$0x8200]  }
0x266: {  	[tilespmem:s22+$0x14380] =	vst v39;
	v38 =	vadd.f32 v56, v55;
	v59 =	vmul.f32 v37, v32;
	v58 =	vld [tilespmem:s15+$0xA200];
	v60 =	vmul.f32 v46, v33  }
0x267: {  	s19 =	sor.u32 s19, s19;
	v34 =	vld [tilespmem:s18+$0xA400];
	v61 =	vmul.f32 v48, v22;
	v57 =	vadd.f32 v50, v63;
	[tilespmem:s18+$0x14200] =	vst v62;
	v62 =	vmul.f32 v51, v23  }
0x268: {  	s19 =	sor.u32 $0x380, s19;
	v35 =	vld [tilespmem:s18+$0x8480];
	v42 =	vmul.f32 v42, v25;
	[tilespmem:s25+$0x14200] =	vst v38;
	v63 =	vmul.f32 v52, v24;
	v36 =	vadd.f32 v60, v59  }
0x269: {  	s16 =	sor.u32 s16, s21;
	s2 =	sor.u32 s2, s6;
	s22 =	sor.u32 $0x300, s7;
	v37 =	vld [tilespmem:s18+$0xA480];
	[tilespmem:s18+$0x14280] =	vst v57;
	v40 =	vadd.f32 v62, v61  }
0x26a: {  	s16 =	sor.u32 $0x380, s16;
	s6 =	simm.s32 $0x4;
	s21 =	sor.u32 $0x380, s2;
	v38 =	vmul.f32 v53, v27;
	v42 =	vadd.f32 v42, v63;
	[tilespmem:s23+$0x14200] =	vst v36;
	v36 =	vld [tilespmem:s22+$0x8200]  }
0x26b: {  	s2 =	sor.u32 $0x300, s26;
	s7 =	simm.s32 $0x300;
	v39 =	vld [tilespmem:s22+$0xA200];
	s25 =	simm.s32 $0x60;
	v41 =	vmul.f32 v58, v31;
	[tilespmem:s18+$0x14300] =	vst v40;
	v40 =	vmul.f32 v54, v30  }
.LBB2_7:
0x26c: {  	s23 =	sand.u32 $0x60, s25;
	s24 =	sand.u32 $0x1C00, s7;
	s26 =	sor.u32 s7, s25;
	[tilespmem:s18+$0x14380] =	vst v42;
	v34 =	vmul.f32 v34, v26;
	v42 =	vld [tilespmem:s19+$0x8200]  }
0x26d: {  	s23 =	sor.u32 s23, s24;
	s24 =	sor.u32 $0x380, s26;
	v35 =	vmul.f32 v35, v28;
	v40 =	vadd.f32 v41, v40;
	v41 =	vld [tilespmem:s19+$0xA200]  }
0x26e: {  	v43 =	vld [tilespmem:s23+$0x8210];
	v34 =	vadd.f32 v34, v38;
	v37 =	vmul.f32 v37, v29  }
0x26f: {  	v38 =	vld [tilespmem:s23+$0xA210];
	[tilespmem:s15+$0x14200] =	vst v40;
	s15 =	sor.u32 $0x380, s29;
	v36 =	vmul.f32 v36, v30  }
0x270: {  	[tilespmem:s18+$0x14400] =	vst v34;
	v34 =	vadd.f32 v37, v35;
	v35 =	vld [tilespmem:s15+$0x8200];
	v37 =	vmul.f32 v39, v31  }
0x271: {  	v39 =	vld [tilespmem:s15+$0xA200];
	v40 =	vmul.f32 v42, v32  }
0x272: {  	v42 =	vld [tilespmem:s23+$0x8290];
	[tilespmem:s18+$0x14480] =	vst v34;
	v34 =	vadd.f32 v37, v36;
	v36 =	vmul.f32 v41, v33;
	s18 =	smov.u32 s23  }
0x273: {  	v37 =	vld [tilespmem:s18+$0xA290]  }
0x274: {  	v41 =	vld [tilespmem:s18+$0x8310];
	[tilespmem:s22+$0x14200] =	vst v34;
	v34 =	vadd.f32 v36, v40;
	s22 =	smov.u32 s2  }
0x275: {  	v36 =	vld [tilespmem:s18+$0xA310]  }
0x276: {  	v35 =	vmul.f32 v35, v32;
	v40 =	vld [tilespmem:s18+$0x8390];
	v39 =	vmul.f32 v39, v33;
	[tilespmem:s19+$0x14200] =	vst v34;
	s19 =	smov.u32 s16;
	s16 =	smov.u32 s21;
	s21 =	smov.u32 s24  }
0x277: {  	v34 =	vld [tilespmem:s18+$0xA390]  }
0x278: {  	v44 =	vld [tilespmem:s18+$0x8410];
	v35 =	vadd.f32 v39, v35  }
0x279: {  	v39 =	vld [tilespmem:s18+$0xA410]  }
0x27a: {  	v45 =	vld [tilespmem:s18+$0x8490];
	[tilespmem:s15+$0x14200] =	vst v35  }
0x27b: {  	s6 =	sadd.s32 $0x2, s6;
	v38 =	vmul.f32 v38, v19;
	v35 =	vmul.f32 v43, v18;
	v43 =	vld [tilespmem:s18+$0xA490]  }
0x27c: {  	p2 =	slt.u32 s6, $0x3E;
	v42 =	vmul.f32 v42, v20;
	v37 =	vmul.f32 v37, v21;
	v46 =	vld [tilespmem:s18+$0x8200]  }
0x27d: {  	v36 =	vmul.f32 v36, v23;
	v35 =	vadd.f32 v38, v35;
	v38 =	vmul.f32 v41, v22;
	v47 =	vld [tilespmem:s18+$0xA200]  }
0x27e: {  	v37 =	vadd.f32 v37, v42;
	v40 =	vmul.f32 v40, v24;
	v34 =	vmul.f32 v34, v25;
	v41 =	vld [tilespmem:s18+$0x8280]  }
0x27f: {  	s20 =	sadd.s32 $0x1, s20;
	v42 =	vld [tilespmem:s18+$0xA280];
	[tilespmem:s18+$0x14210] =	vst v35;
	v35 =	vadd.f32 v36, v38;
	v36 =	vmul.f32 v44, v27;
	v38 =	vmul.f32 v39, v26  }
0x280: {  	s2 =	sand.u32 $0x3, s20;
	v34 =	vadd.f32 v34, v40;
	v39 =	vld [tilespmem:s18+$0x8300];
	[tilespmem:s18+$0x14290] =	vst v37;
	v37 =	vmul.f32 v45, v28;
	v40 =	vmul.f32 v43, v29  }
0x281: {  	s2 =	sshll.u32 s2, $0x5;
	v43 =	vmul.f32 v46, v18;
	v44 =	vld [tilespmem:s18+$0xA300];
	[tilespmem:s18+$0x14310] =	vst v35;
	v35 =	vadd.f32 v38, v36  }
0x282: {  	s15 =	sadd.s32 s2, s7;
	v36 =	vmul.f32 v47, v19;
	v38 =	vld [tilespmem:s18+$0x8380];
	[tilespmem:s18+$0x14390] =	vst v34;
	v34 =	vadd.f32 v40, v37  }
0x283: {  	s2 =	sor.u32 $0x300, s15;
	s29 =	sadd.s32 $0x10, s15;
	v37 =	vmul.f32 v41, v20;
	v40 =	vld [tilespmem:s18+$0xA380];
	[tilespmem:s18+$0x14410] =	vst v35  }
0x284: {  	s15 =	sor.u32 $0x300, s29;
	v35 =	vadd.f32 v36, v43;
	v36 =	vmul.f32 v42, v21;
	v41 =	vld [tilespmem:s18+$0x8400];
	[tilespmem:s18+$0x14490] =	vst v34  }
0x285: {  	v39 =	vmul.f32 v39, v22;
	v43 =	vld [tilespmem:s15+$0x8200]  }
0x286: {  	[tilespmem:s18+$0x14200] =	vst v35;
	v35 =	vadd.f32 v36, v37;
	v36 =	vmul.f32 v44, v23;
	v44 =	vld [tilespmem:s15+$0xA200]  }
.Ltmp2:
0x287: {  	v42 =	vmul.f32 v38, v24;
	v34 =	vld [tilespmem:s18+$0xA400];
	(pc) =	sbr.rel @p2 .LBB2_7-.Ltmp2, $4  }
0x288: {  	[tilespmem:s18+$0x14280] =	vst v35;
	v36 =	vadd.f32 v36, v39;
	v39 =	vmul.f32 v40, v25;
	v35 =	vld [tilespmem:s18+$0x8480]  }
0x289: {  	v38 =	vmul.f32 v41, v27;
	v37 =	vld [tilespmem:s18+$0xA480]  }
0x28a: {  	[tilespmem:s18+$0x14300] =	vst v36;
	v42 =	vadd.f32 v39, v42;
	v36 =	vld [tilespmem:s22+$0x8200]  }
0x28b: {  	s25 =	sadd.s32 $0x20, s25;
	s7 =	sadd.s32 $0x100, s7;
	v40 =	vmul.f32 v43, v30;
	v41 =	vmul.f32 v44, v31;
	v39 =	vld [tilespmem:s22+$0xA200]  }
0x28c: {  	_ = 	snop  }
0x28d: {  	v18 =	vmul.f32 v34, v26  }
0x28e: {  	v19 =	vmul.f32 v35, v28;
	v20 =	vmul.f32 v37, v29  }
0x28f: {  	v18 =	vadd.f32 v18, v38  }
0x290: {  	[tilespmem:s18+$0x14380] =	vst v42;
	v19 =	vadd.f32 v20, v19  }
0x291: {  	[tilespmem:s18+$0x14400] =	vst v18  }
0x292: {  	[tilespmem:s18+$0x14480] =	vst v19  }
0x293: {  	v18 =	vld [tilespmem:s2+$0x8200]  }
0x294: {  	v19 =	vld [tilespmem:s2+$0xA200];
	_ =	sdelay $0x2  }
0x295: {  	v21 =	vmul.f32 v36, v30;
	v20 =	vadd.f32 v41, v40;
	v22 =	vmul.f32 v39, v31  }
0x296: {  	v23 =	vld [tilespmem:s19+$0x8200]  }
0x297: {  	v24 =	vld [tilespmem:s19+$0xA200];
	s6 =	sor.u32 $0x380, s29;
	[tilespmem:s15+$0x14200] =	vst v20;
	v20 =	vadd.f32 v22, v21;
	v18 =	vmul.f32 v18, v30;
	v19 =	vmul.f32 v19, v31  }
0x298: {  	v21 =	vld [tilespmem:s6+$0x8200]  }
0x299: {  	v22 =	vld [tilespmem:s6+$0xA200];
	[tilespmem:s22+$0x14200] =	vst v20;
	v18 =	vadd.f32 v19, v18  }
0x29a: {  	v20 =	vld [tilespmem:s16+$0xA200]  }
0x29b: {  	v19 =	vld [tilespmem:s16+$0x8200];
	[tilespmem:s2+$0x14200] =	vst v18  }
0x29c: {  	v18 =	vld [tilespmem:s21+$0x8200]  }
0x29d: {  	v25 =	vld [tilespmem:s21+$0xA200];
	_ =	sdelay $0x1  }
0x29e: {  	v23 =	vmul.f32 v23, v32;
	v24 =	vmul.f32 v24, v33  }
0x29f: {  	v21 =	vmul.f32 v21, v32;
	v22 =	vmul.f32 v22, v33  }
0x2a0: {  	v23 =	vadd.f32 v24, v23;
	v20 =	vmul.f32 v20, v33;
	v19 =	vmul.f32 v19, v32  }
0x2a1: {  	v21 =	vadd.f32 v22, v21;
	v18 =	vmul.f32 v18, v32;
	v22 =	vmul.f32 v25, v33  }
0x2a2: {  	[tilespmem:s19+$0x14200] =	vst v23;
	v19 =	vadd.f32 v20, v19  }
0x2a3: {  	[tilespmem:s6+$0x14200] =	vst v21;
	v18 =	vadd.f32 v22, v18  }
0x2a4: {  	[tilespmem:s16+$0x14200] =	vst v19  }
0x2a5: {  	s2 =	sor.u32 @!p0 $0x10, s13;
	[tilespmem:s21+$0x14200] =	vst v18  }
0x2a6: {  	v18 =	vld.msk @!p0 [tilespmem:s2+$0x0], $0xff;
	_ =	sdelay $0x4  }
0x2a7: {  	v19 =	vshll.u32 @!p0 v18, $0x3  }
0x2a8: {  	v20 =	vlaneseq.u32 @!p0;
	v18 =	vand.u32 @!p0 $0x7, v18;
	v19 =	vand.u32 @!p0 $0xFFFFFFC0, v19  }
0x2a9: {  	v18 =	vor.u32 @!p0 v18, v19;
	v19 =	vand.u32 @!p0 $0x7, v20;
	v20 =	vshrl.u32 @!p0 v20, $0x3  }
0x2aa: {  	v18 =	vperm.xlane @!p0 v18, v19;
	v20 =	vmul.u32 @!p0 $0x8, v20;
	_ =	sdelay $0x1  }
0x2ab: {  	v18 =	vadd.s32 @!p0 v20, v18;
	_ =	sdelay $0x3  }
0x2ac: {  	s6 =	simm.s32 @!p0 $0x8200;
	s2 =	simm.s32 @!p0 $0x0  }
0x2ad: {  	[tilespmem:s6], [sflag:$0x5] =	stream.indirect_vreg.gather @!p0 [hbm4b:s1+s2], $0x80, v18, vm1, $0xb8;
	[tilespmem:$0x18200] =	vst v63  }
0x2ae: {  	s6 =	simm.s32 @!p0 $0x8A00  }
0x2af: {  	[tilespmem:s6], [sflag:$0x5] =	stream.indirect_vreg.gather @!p0 [hbm4b:s10+s2], $0x80, v18, vm1, $0xb8;
	[tilespmem:$0x18200] =	vst v63  }
0x2b0: {  	s6 =	simm.s32 @!p0 $0x9200  }
0x2b1: {  	[tilespmem:s6], [sflag:$0x5] =	stream.indirect_vreg.gather @!p0 [hbm4b:s11+s2], $0x80, v18, vm1, $0xb8;
	[tilespmem:$0x18200] =	vst v63  }
0x2b2: {  	s6 =	simm.s32 @!p0 $0x9A00  }
0x2b3: {  	[tilespmem:s6], [sflag:$0x5] =	stream.indirect_vreg.gather @!p0 [hbm4b:s12+s2], $0x80, v18, vm1, $0xb8;
	[tilespmem:$0x18200] =	vst v63  }
0x2b4: {  	v18 =	vld.msk @!p0 [tilespmem:s13+$0x90], $0xff;
	_ =	sdelay $0x4  }
0x2b5: {  	v21 =	vshll.u32 @!p0 v18, $0x3  }
0x2b6: {  	v18 =	vand.u32 @!p0 $0x7, v18;
	v21 =	vand.u32 @!p0 $0xFFFFFFC0, v21  }
0x2b7: {  	v18 =	vor.u32 @!p0 v18, v21  }
0x2b8: {  	v18 =	vperm.xlane @!p0 v18, v19;
	_ =	sdelay $0x1  }
0x2b9: {  	v18 =	vadd.s32 @!p0 v20, v18;
	_ =	sdelay $0x3  }
0x2ba: {  	s6 =	simm.s32 @!p0 $0xA200  }
0x2bb: {  	[tilespmem:s6], [sflag:$0x6] =	stream.indirect_vreg.gather @!p0 [hbm4b:s1+s2], $0x80, v18, vm1, $0xb8;
	[tilespmem:$0x18200] =	vst v63  }
0x2bc: {  	s6 =	simm.s32 @!p0 $0xAA00  }
0x2bd: {  	[tilespmem:s6], [sflag:$0x6] =	stream.indirect_vreg.gather @!p0 [hbm4b:s10+s2], $0x80, v18, vm1, $0xb8;
	[tilespmem:$0x18200] =	vst v63  }
0x2be: {  	s6 =	simm.s32 @!p0 $0xB200  }
0x2bf: {  	[tilespmem:s6], [sflag:$0x6] =	stream.indirect_vreg.gather @!p0 [hbm4b:s11+s2], $0x80, v18, vm1, $0xb8;
	[tilespmem:$0x18200] =	vst v63  }
0x2c0: {  	s16 =	sadd.s32 s4, s17;
	s6 =	simm.s32 @!p0 $0xBA00  }
0x2c1: {  	[tilespmem:s6], [sflag:$0x6] =	stream.indirect_vreg.gather @!p0 [hbm4b:s12+s2], $0x80, v18, vm1, $0xb8;
	[tilespmem:$0x18200] =	vst v63  }
0x2c2: {  	s2 =	sshll.u32 s16, $0x7  }
0x2c3: {  	s18 =	simm.s32 $0x14200;
	s2 =	sadd.s32 s3, s2  }
0x2c4: {  	[hbm4b:s2+s5] =	stream.linear.scatter [tilespmem:s18], [sflag:$0xB], $0x2000, $0x38;
	[tilespmem:$0x18200] =	vst v63  }
0x2c5: {  	s2 =	simm.s32 @!p1 $0xC  }
0x2c6: {  	_ =	swait.ge @!p1 [sflag:s2], $0x2000  }
0x2c7: {  	[sflag:s2] =	ssyncset.done @!p1 $0x0  }
0x2c8: {  	[sflag:s2] =	ssyncadd.s32 @!p1 $0xFFFFE000  }
0x2c9: {  	_ =	swait.ge [sflag:s0], $0x2000  }
0x2ca: {  	[sflag:s0] =	ssyncset.done $0x0  }
0x2cb: {  	[sflag:s0] =	ssyncadd.s32 $0xFFFFE000  }
0x2cc: {  	_ =	swait.ge [sflag:s14], $0x2000  }
0x2cd: {  	[sflag:s14] =	ssyncset.done $0x0  }
0x2ce: {  	s18 =	simm.s32 $0x0;
	[sflag:s14] =	ssyncadd.s32 $0xFFFFE000  }
0x2cf: {  	s19 =	sand.u32 $0x60, s18;
	s20 =	sand.u32 $0x1C00, s18;
	v32 =	vld [tilespmem:s17+$0x100]  }
0x2d0: {  	s6 =	sor.u32 s19, s20;
	v33 =	vld [tilespmem:s17+$0x180]  }
0x2d1: {  	v30 =	vld [tilespmem:s6+$0xC210]  }
0x2d2: {  	v31 =	vld [tilespmem:s6+$0xE210]  }
0x2d3: {  	v59 =	vld [tilespmem:s6+$0xC290]  }
0x2d4: {  	v60 =	vld [tilespmem:s6+$0xE290]  }
0x2d5: {  	v61 =	vld [tilespmem:s6+$0xC310]  }
0x2d6: {  	v62 =	vld [tilespmem:s6+$0xE310]  }
0x2d7: {  	v63 =	vld [tilespmem:s6+$0xC390]  }
0x2d8: {  	v48 =	vld [tilespmem:s6+$0xE390]  }
0x2d9: {  	v49 =	vld [tilespmem:s6+$0xC410]  }
0x2da: {  	v50 =	vld [tilespmem:s6+$0xE410]  }
0x2db: {  	v51 =	vld [tilespmem:s6+$0xC490]  }
0x2dc: {  	v43 =	vld [tilespmem:s6+$0xE490]  }
0x2dd: {  	v44 =	vld [tilespmem:s6+$0xC200]  }
0x2de: {  	v45 =	vld [tilespmem:s6+$0xE200]  }
0x2df: {  	v37 =	vld [tilespmem:s6+$0xC280];
	v18 =	vperm.xlane v32, v10;
	v19 =	vperm.xlane v33, v10  }
0x2e0: {  	v39 =	vld [tilespmem:s6+$0xE280];
	v20 =	vperm.xlane v32, v11;
	v21 =	vperm.xlane v33, v11  }
0x2e1: {  	v40 =	vld [tilespmem:s6+$0xC300];
	v22 =	vperm.xlane v32, v12;
	v23 =	vperm.xlane v33, v12  }
0x2e2: {  	v41 =	vld [tilespmem:s6+$0xE300];
	v24 =	vperm.xlane v32, v13;
	v25 =	vperm.xlane v33, v13  }
0x2e3: {  	v36 =	vld [tilespmem:s6+$0xC380];
	v27 =	vperm.xlane v32, v14;
	v26 =	vperm.xlane v33, v14  }
0x2e4: {  	s16 =	simm.s32 $0x100;
	s20 =	simm.s32 $0x20;
	v46 =	vld [tilespmem:s6+$0xC480];
	v28 =	vperm.xlane v32, v15;
	v29 =	vperm.xlane v33, v15  }
0x2e5: {  	s24 =	sand.u32 $0x1C00, s16;
	s21 =	sand.u32 $0x3, s18;
	s23 =	sand.u32 $0x60, s20;
	v47 =	vld [tilespmem:s6+$0xE480];
	v30 =	vmul.f32 v30, v18;
	v31 =	vmul.f32 v31, v19  }
0x2e6: {  	s2 =	sshll.u32 s21, $0x5;
	s21 =	sor.u32 s23, s24;
	v34 =	vmul.f32 v59, v20;
	v58 =	vmul.f32 v43, v29;
	v43 =	vld [tilespmem:s6+$0xE400]  }
0x2e7: {  	v35 =	vmul.f32 v60, v21;
	v54 =	vmul.f32 v48, v25;
	v48 =	vld [tilespmem:s21+$0xC210]  }
0x2e8: {  	v52 =	vmul.f32 v62, v23;
	v55 =	vmul.f32 v50, v26;
	v50 =	vld [tilespmem:s21+$0xC290]  }
0x2e9: {  	v53 =	vmul.f32 v63, v24;
	v57 =	vmul.f32 v51, v28;
	v51 =	vld [tilespmem:s21+$0xE290]  }
0x2ea: {  	v30 =	vadd.f32 v31, v30;
	v31 =	vmul.f32 v61, v22;
	v34 =	vadd.f32 v35, v34;
	v35 =	vld [tilespmem:s6+$0xC400]  }
0x2eb: {  	v56 =	vadd.f32 v54, v53;
	v53 =	vld [tilespmem:s21+$0xE310]  }
0x2ec: {  	v54 =	vld [tilespmem:s21+$0xC390];
	[tilespmem:s6+$0x16210] =	vst v30;
	v30 =	vadd.f32 v52, v31;
	v31 =	vmul.f32 v49, v27  }
0x2ed: {  	[tilespmem:s6+$0x16290] =	vst v34;
	v34 =	vld [tilespmem:s6+$0xE380]  }
0x2ee: {  	v49 =	vld [tilespmem:s21+$0xE210];
	[tilespmem:s6+$0x16310] =	vst v30;
	v30 =	vadd.f32 v55, v31  }
0x2ef: {  	s2 =	sadd.s32 $0x0, s2;
	[tilespmem:s6+$0x16390] =	vst v56;
	v52 =	vld [tilespmem:s21+$0xC310];
	v31 =	vadd.f32 v58, v57  }
0x2f0: {  	s7 =	sadd.s32 $0x10, s2;
	v56 =	vld [tilespmem:s21+$0xC410];
	[tilespmem:s6+$0x16410] =	vst v30  }
0x2f1: {  	s22 =	sor.u32 $0x300, s7;
	v61 =	vmul.f32 v48, v18;
	v48 =	vmul.f32 v43, v26;
	v43 =	vld [tilespmem:s21+$0xE380];
	[tilespmem:s6+$0x16490] =	vst v31  }
0x2f2: {  	v59 =	vld [tilespmem:s22+$0xC200]  }
0x2f3: {  	v37 =	vmul.f32 v37, v20;
	v60 =	vld [tilespmem:s22+$0xE200]  }
0x2f4: {  	v36 =	vmul.f32 v36, v24;
	v55 =	vld [tilespmem:s21+$0xE390];
	v35 =	vmul.f32 v35, v27  }
0x2f5: {  	v57 =	vld [tilespmem:s21+$0xC490];
	v30 =	vperm.xlane v32, v16;
	v31 =	vperm.xlane v33, v16  }
0x2f6: {  	v62 =	vmul.f32 v49, v19;
	v49 =	vld [tilespmem:s21+$0xE490];
	v34 =	vmul.f32 v34, v25  }
0x2f7: {  	v39 =	vmul.f32 v39, v21;
	v63 =	vmul.f32 v52, v22;
	v52 =	vld [tilespmem:s21+$0xC280];
	v35 =	vadd.f32 v48, v35  }
0x2f8: {  	v34 =	vadd.f32 v34, v36;
	v36 =	vld [tilespmem:s21+$0xE400];
	v38 =	vmul.f32 v59, v30;
	v42 =	vmul.f32 v60, v31  }
0x2f9: {  	v50 =	vmul.f32 v50, v20;
	v51 =	vmul.f32 v51, v21;
	[tilespmem:s6+$0x16400] =	vst v35;
	v35 =	vld [tilespmem:s21+$0xC480]  }
0x2fa: {  	v38 =	vadd.f32 v42, v38;
	v42 =	vld [tilespmem:s21+$0xE410]  }
0x2fb: {  	v37 =	vadd.f32 v39, v37;
	v50 =	vadd.f32 v51, v50;
	[tilespmem:s6+$0x16380] =	vst v34;
	v34 =	vld [tilespmem:s21+$0xE480];
	v60 =	vmul.f32 v53, v23  }
0x2fc: {  	v53 =	vld [tilespmem:s21+$0xC200];
	[tilespmem:s22+$0x16200] =	vst v38;
	v38 =	vadd.f32 v62, v61;
	v61 =	vmul.f32 v54, v24;
	v62 =	vmul.f32 v55, v25  }
0x2fd: {  	[tilespmem:s6+$0x16280] =	vst v37;
	v63 =	vadd.f32 v60, v63;
	v60 =	vmul.f32 v56, v27;
	v56 =	vmul.f32 v44, v18;
	v55 =	vld [tilespmem:s21+$0xE200]  }
0x2fe: {  	s15 =	sor.u32 $0x380, s7;
	[tilespmem:s21+$0x16290] =	vst v50;
	v54 =	vld [tilespmem:s21+$0xE280];
	v61 =	vadd.f32 v62, v61;
	v62 =	vmul.f32 v57, v28;
	v57 =	vmul.f32 v45, v19  }
0x2ff: {  	s25 =	simm.s32 $0x1;
	[tilespmem:s21+$0x16310] =	vst v63;
	v58 =	vld [tilespmem:s15+$0xC200];
	v42 =	vmul.f32 v42, v26  }
0x300: {  	s7 =	sand.u32 $0x3, s25;
	v49 =	vmul.f32 v49, v29;
	v59 =	vld [tilespmem:s15+$0xE200];
	[tilespmem:s21+$0x16390] =	vst v61;
	v61 =	vadd.f32 v57, v56  }
0x301: {  	s7 =	sshll.u32 s7, $0x5;
	v51 =	vmul.f32 v46, v28;
	[tilespmem:s21+$0x16210] =	vst v38;
	v45 =	vld [tilespmem:s21+$0xC300];
	v56 =	vmul.f32 v47, v29;
	v63 =	vadd.f32 v42, v60  }
0x302: {  	v40 =	vmul.f32 v40, v22;
	v41 =	vmul.f32 v41, v23;
	s22 =	sadd.s32 $0x100, s7;
	v38 =	vld [tilespmem:s21+$0xC400];
	v60 =	vadd.f32 v49, v62;
	[tilespmem:s6+$0x16200] =	vst v61  }
0x303: {  	s26 =	sadd.s32 $0x10, s22;
	v49 =	vld [tilespmem:s21+$0xE300];
	v57 =	vadd.f32 v56, v51;
	[tilespmem:s21+$0x16410] =	vst v63  }
0x304: {  	s23 =	sor.u32 $0x300, s26;
	v42 =	vld [tilespmem:s21+$0xC380];
	[tilespmem:s21+$0x16490] =	vst v60;
	v63 =	vadd.f32 v41, v40  }
0x305: {  	v62 =	vld [tilespmem:s23+$0xC200];
	[tilespmem:s6+$0x16480] =	vst v57  }
0x306: {  	s7 =	sor.u32 $0x300, s2;
	s2 =	simm.s32 $0x40;
	v50 =	vld [tilespmem:s23+$0xE200];
	[tilespmem:s6+$0x16300] =	vst v63;
	s6 =	simm.s32 $0x200  }
0x307: {  	s29 =	sand.u32 $0x60, s2;
	v40 =	vld [tilespmem:s7+$0xC200];
	s24 =	sand.u32 $0x1C00, s6  }
0x308: {  	v41 =	vld [tilespmem:s7+$0xE200];
	s17 =	sor.u32 s29, s24  }
0x309: {  	v39 =	vld [tilespmem:s17+$0xC210]  }
0x30a: {  	v44 =	vld [tilespmem:s17+$0xE210]  }
0x30b: {  	v32 =	vperm.xlane v32, v17;
	v33 =	vperm.xlane v33, v17;
	v47 =	vld [tilespmem:s17+$0xC290]  }
0x30c: {  	v52 =	vmul.f32 v52, v20;
	v35 =	vmul.f32 v35, v28;
	v48 =	vld [tilespmem:s17+$0xE290]  }
0x30d: {  	v34 =	vmul.f32 v34, v29;
	v53 =	vmul.f32 v53, v18;
	v51 =	vld [tilespmem:s17+$0xE310]  }
0x30e: {  	v55 =	vmul.f32 v55, v19;
	v54 =	vmul.f32 v54, v21;
	v56 =	vld [tilespmem:s17+$0xC390]  }
0x30f: {  	v57 =	vmul.f32 v58, v32;
	v58 =	vmul.f32 v59, v33;
	v59 =	vld [tilespmem:s17+$0xE390]  }
0x310: {  	v53 =	vadd.f32 v55, v53;
	v45 =	vmul.f32 v45, v22;
	v49 =	vmul.f32 v49, v23;
	v55 =	vld [tilespmem:s17+$0xC490]  }
0x311: {  	v35 =	vadd.f32 v34, v35;
	v52 =	vadd.f32 v54, v52;
	v54 =	vld [tilespmem:s17+$0xE490]  }
0x312: {  	v45 =	vadd.f32 v49, v45;
	v49 =	vld [tilespmem:s17+$0xC200];
	v60 =	vmul.f32 v62, v30;
	v61 =	vmul.f32 v50, v31  }
0x313: {  	v50 =	vld [tilespmem:s17+$0xC310]  }
0x314: {  	v36 =	vmul.f32 v36, v26;
	[tilespmem:s21+$0x16480] =	vst v35;
	v38 =	vmul.f32 v38, v27;
	v62 =	vld [tilespmem:s17+$0xE410];
	v37 =	vadd.f32 v61, v60  }
0x315: {  	[tilespmem:s21+$0x16280] =	vst v52;
	v60 =	vld [tilespmem:s17+$0xC410]  }
0x316: {  	v36 =	vadd.f32 v36, v38;
	s24 =	sor.u32 $0x380, s26;
	v52 =	vld [tilespmem:s17+$0xC380];
	[tilespmem:s23+$0x16200] =	vst v37;
	v39 =	vmul.f32 v39, v18;
	v44 =	vmul.f32 v44, v19  }
0x317: {  	[tilespmem:s21+$0x16200] =	vst v53;
	v57 =	vadd.f32 v58, v57;
	v47 =	vmul.f32 v47, v20;
	v48 =	vmul.f32 v48, v21;
	v37 =	vld [tilespmem:s24+$0xC200]  }
0x318: {  	[tilespmem:s21+$0x16400] =	vst v36;
	v51 =	vmul.f32 v51, v23;
	v46 =	vld [tilespmem:s24+$0xE200];
	v50 =	vmul.f32 v50, v22;
	v39 =	vadd.f32 v44, v39  }
0x319: {  	[tilespmem:s15+$0x16200] =	vst v57;
	v56 =	vmul.f32 v56, v24;
	v57 =	vmul.f32 v59, v25;
	v44 =	vld [tilespmem:s17+$0xE200];
	v63 =	vadd.f32 v48, v47  }
0x31a: {  	s19 =	simm.s32 $0x2;
	v61 =	vmul.f32 v62, v26;
	v47 =	vld [tilespmem:s17+$0xC280];
	v59 =	vadd.f32 v51, v50;
	v60 =	vmul.f32 v60, v27;
	[tilespmem:s17+$0x16210] =	vst v39  }
0x31b: {  	s25 =	sand.u32 $0x3, s19;
	v54 =	vmul.f32 v54, v29;
	v62 =	vadd.f32 v57, v56;
	v50 =	vld [tilespmem:s17+$0xE280];
	[tilespmem:s17+$0x16290] =	vst v63;
	v63 =	vmul.f32 v55, v28  }
0x31c: {  	s15 =	sshll.u32 s25, $0x5;
	v48 =	vld [tilespmem:s17+$0xC300];
	[tilespmem:s17+$0x16310] =	vst v59;
	v59 =	vadd.f32 v61, v60  }
0x31d: {  	v58 =	vmul.f32 v43, v25;
	s26 =	sadd.s32 $0x200, s15;
	v57 =	vmul.f32 v42, v24;
	v51 =	vld [tilespmem:s17+$0xE300];
	[tilespmem:s17+$0x16390] =	vst v62;
	v61 =	vadd.f32 v54, v63  }
0x31e: {  	s25 =	sadd.s32 $0x10, s26;
	v42 =	vld [tilespmem:s17+$0xE380];
	v60 =	vmul.f32 v49, v18;
	v44 =	vmul.f32 v44, v19;
	[tilespmem:s17+$0x16410] =	vst v59  }
0x31f: {  	v53 =	vld [tilespmem:s17+$0xC400];
	s15 =	sor.u32 $0x300, s25;
	v56 =	vmul.f32 v41, v31;
	v39 =	vadd.f32 v58, v57;
	v55 =	vmul.f32 v40, v30;
	[tilespmem:s17+$0x16490] =	vst v61  }
0x320: {  	[tilespmem:s21+$0x16300] =	vst v45;
	v63 =	vmul.f32 v47, v20;
	v50 =	vmul.f32 v50, v21;
	v62 =	vadd.f32 v44, v60;
	v54 =	vld [tilespmem:s15+$0xC200]  }
0x321: {  	[tilespmem:s21+$0x16380] =	vst v39;
	v38 =	vadd.f32 v56, v55;
	v59 =	vmul.f32 v37, v32;
	v58 =	vld [tilespmem:s15+$0xE200];
	v60 =	vmul.f32 v46, v33  }
0x322: {  	s18 =	sor.u32 s18, s18;
	v34 =	vld [tilespmem:s17+$0xE400];
	v61 =	vmul.f32 v48, v22;
	v57 =	vadd.f32 v50, v63;
	[tilespmem:s17+$0x16200] =	vst v62;
	v62 =	vmul.f32 v51, v23  }
0x323: {  	s8 =	sor.u32 $0x18, s8;
	s18 =	sor.u32 $0x380, s18;
	v35 =	vld [tilespmem:s17+$0xC480];
	v42 =	vmul.f32 v42, v25;
	[tilespmem:s7+$0x16200] =	vst v38;
	v63 =	vmul.f32 v52, v24;
	v36 =	vadd.f32 v60, v59  }
0x324: {  	s16 =	sor.u32 s16, s20;
	s2 =	sor.u32 s6, s2;
	s21 =	sor.u32 $0x300, s22;
	v37 =	vld [tilespmem:s17+$0xE480];
	[tilespmem:s17+$0x16280] =	vst v57;
	v40 =	vadd.f32 v62, v61  }
0x325: {  	s16 =	sor.u32 $0x380, s16;
	s6 =	simm.s32 $0x4;
	s20 =	sor.u32 $0x380, s2;
	v38 =	vmul.f32 v53, v27;
	v42 =	vadd.f32 v42, v63;
	[tilespmem:s24+$0x16200] =	vst v36;
	v36 =	vld [tilespmem:s21+$0xC200]  }
0x326: {  	s2 =	sor.u32 $0x300, s26;
	s22 =	simm.s32 $0x60;
	v39 =	vld [tilespmem:s21+$0xE200];
	s7 =	simm.s32 $0x300;
	v41 =	vmul.f32 v58, v31;
	[tilespmem:s17+$0x16300] =	vst v40;
	v40 =	vmul.f32 v54, v30  }
.LBB2_9:
0x327: {  	s23 =	sand.u32 $0x60, s22;
	s24 =	sand.u32 $0x1C00, s7;
	s26 =	sor.u32 s7, s22;
	[tilespmem:s17+$0x16380] =	vst v42;
	v34 =	vmul.f32 v34, v26;
	v42 =	vld [tilespmem:s18+$0xC200]  }
0x328: {  	s23 =	sor.u32 s23, s24;
	s24 =	sor.u32 $0x380, s26;
	v35 =	vmul.f32 v35, v28;
	v40 =	vadd.f32 v41, v40;
	v41 =	vld [tilespmem:s18+$0xE200]  }
0x329: {  	v43 =	vld [tilespmem:s23+$0xC210];
	v34 =	vadd.f32 v34, v38;
	v37 =	vmul.f32 v37, v29  }
0x32a: {  	v38 =	vld [tilespmem:s23+$0xE210];
	[tilespmem:s15+$0x16200] =	vst v40;
	s15 =	sor.u32 $0x380, s25;
	v36 =	vmul.f32 v36, v30  }
0x32b: {  	[tilespmem:s17+$0x16400] =	vst v34;
	v34 =	vadd.f32 v37, v35;
	v35 =	vld [tilespmem:s15+$0xC200];
	v37 =	vmul.f32 v39, v31  }
0x32c: {  	v39 =	vld [tilespmem:s15+$0xE200];
	v40 =	vmul.f32 v42, v32  }
0x32d: {  	v42 =	vld [tilespmem:s23+$0xC290];
	[tilespmem:s17+$0x16480] =	vst v34;
	v34 =	vadd.f32 v37, v36;
	v36 =	vmul.f32 v41, v33;
	s17 =	smov.u32 s23  }
0x32e: {  	v37 =	vld [tilespmem:s17+$0xE290]  }
0x32f: {  	v41 =	vld [tilespmem:s17+$0xC310];
	[tilespmem:s21+$0x16200] =	vst v34;
	v34 =	vadd.f32 v36, v40;
	s21 =	smov.u32 s2  }
0x330: {  	v36 =	vld [tilespmem:s17+$0xE310]  }
0x331: {  	v35 =	vmul.f32 v35, v32;
	v40 =	vld [tilespmem:s17+$0xC390];
	v39 =	vmul.f32 v39, v33;
	[tilespmem:s18+$0x16200] =	vst v34;
	s18 =	smov.u32 s16;
	s16 =	smov.u32 s20;
	s20 =	smov.u32 s24  }
0x332: {  	v34 =	vld [tilespmem:s17+$0xE390]  }
0x333: {  	v44 =	vld [tilespmem:s17+$0xC410];
	v35 =	vadd.f32 v39, v35  }
0x334: {  	v39 =	vld [tilespmem:s17+$0xE410]  }
0x335: {  	v45 =	vld [tilespmem:s17+$0xC490];
	[tilespmem:s15+$0x16200] =	vst v35  }
0x336: {  	s6 =	sadd.s32 $0x2, s6;
	v38 =	vmul.f32 v38, v19;
	v35 =	vmul.f32 v43, v18;
	v43 =	vld [tilespmem:s17+$0xE490]  }
0x337: {  	p1 =	slt.u32 s6, $0x3E;
	v42 =	vmul.f32 v42, v20;
	v37 =	vmul.f32 v37, v21;
	v46 =	vld [tilespmem:s17+$0xC200]  }
0x338: {  	v36 =	vmul.f32 v36, v23;
	v35 =	vadd.f32 v38, v35;
	v38 =	vmul.f32 v41, v22;
	v47 =	vld [tilespmem:s17+$0xE200]  }
0x339: {  	v37 =	vadd.f32 v37, v42;
	v40 =	vmul.f32 v40, v24;
	v34 =	vmul.f32 v34, v25;
	v41 =	vld [tilespmem:s17+$0xC280]  }
0x33a: {  	s19 =	sadd.s32 $0x1, s19;
	v42 =	vld [tilespmem:s17+$0xE280];
	[tilespmem:s17+$0x16210] =	vst v35;
	v35 =	vadd.f32 v36, v38;
	v36 =	vmul.f32 v44, v27;
	v38 =	vmul.f32 v39, v26  }
0x33b: {  	s2 =	sand.u32 $0x3, s19;
	v34 =	vadd.f32 v34, v40;
	v39 =	vld [tilespmem:s17+$0xC300];
	[tilespmem:s17+$0x16290] =	vst v37;
	v37 =	vmul.f32 v45, v28;
	v40 =	vmul.f32 v43, v29  }
0x33c: {  	s2 =	sshll.u32 s2, $0x5;
	v43 =	vmul.f32 v46, v18;
	v44 =	vld [tilespmem:s17+$0xE300];
	[tilespmem:s17+$0x16310] =	vst v35;
	v35 =	vadd.f32 v38, v36  }
0x33d: {  	s15 =	sadd.s32 s2, s7;
	v36 =	vmul.f32 v47, v19;
	v38 =	vld [tilespmem:s17+$0xC380];
	[tilespmem:s17+$0x16390] =	vst v34;
	v34 =	vadd.f32 v40, v37  }
0x33e: {  	s2 =	sor.u32 $0x300, s15;
	s25 =	sadd.s32 $0x10, s15;
	v37 =	vmul.f32 v41, v20;
	v40 =	vld [tilespmem:s17+$0xE380];
	[tilespmem:s17+$0x16410] =	vst v35  }
0x33f: {  	s15 =	sor.u32 $0x300, s25;
	v35 =	vadd.f32 v36, v43;
	v36 =	vmul.f32 v42, v21;
	v41 =	vld [tilespmem:s17+$0xC400];
	[tilespmem:s17+$0x16490] =	vst v34  }
0x340: {  	v39 =	vmul.f32 v39, v22;
	v43 =	vld [tilespmem:s15+$0xC200]  }
0x341: {  	[tilespmem:s17+$0x16200] =	vst v35;
	v35 =	vadd.f32 v36, v37;
	v36 =	vmul.f32 v44, v23;
	v44 =	vld [tilespmem:s15+$0xE200]  }
.Ltmp3:
0x342: {  	v42 =	vmul.f32 v38, v24;
	v34 =	vld [tilespmem:s17+$0xE400];
	(pc) =	sbr.rel @p1 .LBB2_9-.Ltmp3, $4  }
0x343: {  	[tilespmem:s17+$0x16280] =	vst v35;
	v36 =	vadd.f32 v36, v39;
	v39 =	vmul.f32 v40, v25;
	v35 =	vld [tilespmem:s17+$0xC480]  }
0x344: {  	v38 =	vmul.f32 v41, v27;
	v37 =	vld [tilespmem:s17+$0xE480]  }
0x345: {  	[tilespmem:s17+$0x16300] =	vst v36;
	v42 =	vadd.f32 v39, v42;
	v36 =	vld [tilespmem:s21+$0xC200]  }
0x346: {  	s22 =	sadd.s32 $0x20, s22;
	s7 =	sadd.s32 $0x100, s7;
	v40 =	vmul.f32 v43, v30;
	v41 =	vmul.f32 v44, v31;
	v39 =	vld [tilespmem:s21+$0xE200]  }
0x347: {  	_ = 	snop  }
0x348: {  	v18 =	vmul.f32 v34, v26  }
0x349: {  	v19 =	vmul.f32 v35, v28;
	v20 =	vmul.f32 v37, v29  }
0x34a: {  	v18 =	vadd.f32 v18, v38  }
0x34b: {  	[tilespmem:s17+$0x16380] =	vst v42;
	v19 =	vadd.f32 v20, v19  }
0x34c: {  	[tilespmem:s17+$0x16400] =	vst v18  }
0x34d: {  	[tilespmem:s17+$0x16480] =	vst v19  }
0x34e: {  	v18 =	vld [tilespmem:s2+$0xC200]  }
0x34f: {  	v19 =	vld [tilespmem:s2+$0xE200];
	_ =	sdelay $0x2  }
0x350: {  	v59 =	vadd.f32 v41, v40;
	v21 =	vmul.f32 v36, v30;
	v22 =	vmul.f32 v39, v31  }
0x351: {  	v23 =	vld [tilespmem:s18+$0xC200]  }
0x352: {  	v24 =	vld [tilespmem:s18+$0xE200];
	s6 =	sor.u32 $0x380, s25;
	[tilespmem:s15+$0x16200] =	vst v59;
	v60 =	vadd.f32 v22, v21;
	v18 =	vmul.f32 v18, v30;
	v19 =	vmul.f32 v19, v31  }
0x353: {  	v61 =	vld [tilespmem:s6+$0xC200]  }
0x354: {  	v62 =	vld [tilespmem:s6+$0xE200];
	[tilespmem:s21+$0x16200] =	vst v60;
	v18 =	vadd.f32 v19, v18  }
0x355: {  	v20 =	vld [tilespmem:s16+$0xE200]  }
0x356: {  	v19 =	vld [tilespmem:s16+$0xC200];
	[tilespmem:s2+$0x16200] =	vst v18  }
0x357: {  	v18 =	vld [tilespmem:s20+$0xC200]  }
0x358: {  	v25 =	vld [tilespmem:s20+$0xE200];
	_ =	sdelay $0x1  }
0x359: {  	v23 =	vmul.f32 v23, v32;
	v24 =	vmul.f32 v24, v33  }
0x35a: {  	v21 =	vmul.f32 v61, v32;
	v22 =	vmul.f32 v62, v33  }
0x35b: {  	v23 =	vadd.f32 v24, v23;
	v20 =	vmul.f32 v20, v33;
	v19 =	vmul.f32 v19, v32  }
0x35c: {  	v21 =	vadd.f32 v22, v21;
	v18 =	vmul.f32 v18, v32;
	v63 =	vmul.f32 v25, v33  }
0x35d: {  	[tilespmem:s18+$0x16200] =	vst v23;
	v19 =	vadd.f32 v20, v19  }
0x35e: {  	[tilespmem:s6+$0x16200] =	vst v21;
	v18 =	vadd.f32 v63, v18  }
0x35f: {  	[tilespmem:s16+$0x16200] =	vst v19  }
0x360: {  	s2 =	sor.u32 @!p0 $0x18, s13;
	[tilespmem:s20+$0x16200] =	vst v18  }
0x361: {  	v18 =	vld.msk @!p0 [tilespmem:s2+$0x0], $0xff;
	_ =	sdelay $0x4  }
0x362: {  	v19 =	vshll.u32 @!p0 v18, $0x3  }
0x363: {  	v20 =	vlaneseq.u32 @!p0;
	v18 =	vand.u32 @!p0 $0x7, v18;
	v19 =	vand.u32 @!p0 $0xFFFFFFC0, v19  }
0x364: {  	v18 =	vor.u32 @!p0 v18, v19;
	v19 =	vand.u32 @!p0 $0x7, v20;
	v20 =	vshrl.u32 @!p0 v20, $0x3  }
0x365: {  	v18 =	vperm.xlane @!p0 v18, v19;
	v20 =	vmul.u32 @!p0 $0x8, v20;
	_ =	sdelay $0x1  }
0x366: {  	v18 =	vadd.s32 @!p0 v20, v18;
	_ =	sdelay $0x3  }
0x367: {  	s6 =	simm.s32 @!p0 $0xC200;
	s2 =	simm.s32 @!p0 $0x0  }
0x368: {  	[tilespmem:s6], [sflag:$0x7] =	stream.indirect_vreg.gather @!p0 [hbm4b:s1+s2], $0x80, v18, vm1, $0xb8;
	[tilespmem:$0x18200] =	vst v63  }
0x369: {  	s6 =	simm.s32 @!p0 $0xCA00  }
0x36a: {  	[tilespmem:s6], [sflag:$0x7] =	stream.indirect_vreg.gather @!p0 [hbm4b:s10+s2], $0x80, v18, vm1, $0xb8;
	[tilespmem:$0x18200] =	vst v63  }
0x36b: {  	s6 =	simm.s32 @!p0 $0xD200  }
0x36c: {  	[tilespmem:s6], [sflag:$0x7] =	stream.indirect_vreg.gather @!p0 [hbm4b:s11+s2], $0x80, v18, vm1, $0xb8;
	[tilespmem:$0x18200] =	vst v63  }
0x36d: {  	s6 =	simm.s32 @!p0 $0xDA00  }
0x36e: {  	[tilespmem:s6], [sflag:$0x7] =	stream.indirect_vreg.gather @!p0 [hbm4b:s12+s2], $0x80, v18, vm1, $0xb8;
	[tilespmem:$0x18200] =	vst v63  }
0x36f: {  	v18 =	vld.msk @!p0 [tilespmem:s13+$0x98], $0xff;
	_ =	sdelay $0x4  }
0x370: {  	v21 =	vshll.u32 @!p0 v18, $0x3  }
0x371: {  	v18 =	vand.u32 @!p0 $0x7, v18;
	v21 =	vand.u32 @!p0 $0xFFFFFFC0, v21  }
0x372: {  	v18 =	vor.u32 @!p0 v18, v21  }
0x373: {  	v18 =	vperm.xlane @!p0 v18, v19;
	_ =	sdelay $0x1  }
0x374: {  	v18 =	vadd.s32 @!p0 v20, v18;
	_ =	sdelay $0x3  }
0x375: {  	s6 =	simm.s32 @!p0 $0xE200  }
0x376: {  	[tilespmem:s6], [sflag:$0x8] =	stream.indirect_vreg.gather @!p0 [hbm4b:s1+s2], $0x80, v18, vm1, $0xb8;
	[tilespmem:$0x18200] =	vst v63  }
0x377: {  	s6 =	simm.s32 @!p0 $0xEA00  }
0x378: {  	[tilespmem:s6], [sflag:$0x8] =	stream.indirect_vreg.gather @!p0 [hbm4b:s10+s2], $0x80, v18, vm1, $0xb8;
	[tilespmem:$0x18200] =	vst v63  }
0x379: {  	s6 =	simm.s32 @!p0 $0xF200  }
0x37a: {  	[tilespmem:s6], [sflag:$0x8] =	stream.indirect_vreg.gather @!p0 [hbm4b:s11+s2], $0x80, v18, vm1, $0xb8;
	[tilespmem:$0x18200] =	vst v63  }
0x37b: {  	s6 =	simm.s32 @!p0 $0xFA00  }
0x37c: {  	[tilespmem:s6], [sflag:$0x8] =	stream.indirect_vreg.gather @!p0 [hbm4b:s12+s2], $0x80, v18, vm1, $0xb8;
	[tilespmem:$0x18200] =	vst v63  }
0x37d: {  	p0 =	sne.s32 s9, $0x4  }
.Ltmp4:
0x37e: {  	_ = 	snop;
	(pc) =	sbr.rel @p0 .LBB2_2-.Ltmp4, $4  }
0x37f: {  	s26 =	sadd.s32 s4, s8  }
0x380: {  	s2 =	sshll.u32 s26, $0x7  }
0x381: {  	s29 =	simm.s32 $0x16200;
	s13 =	smov.u32 s9;
	s2 =	sadd.s32 s3, s2  }
0x382: {  	[hbm4b:s2+s5] =	stream.linear.scatter [tilespmem:s29], [sflag:$0xC], $0x2000, $0x38;
	[tilespmem:$0x18200] =	vst v63  }
0x383: {  	s2 =	simm.s32 $0x9  }
0x384: {  	_ =	swait.ge [sflag:s2], $0x2000  }
0x385: {  	[sflag:s2] =	ssyncset.done $0x0  }
0x386: {  	s25 =	simm.s32 $0xA;
	[sflag:s2] =	ssyncadd.s32 $0xFFFFE000  }
0x387: {  	_ =	swait.ge [sflag:s25], $0x2000  }
0x388: {  	[sflag:s25] =	ssyncset.done $0x0  }
0x389: {  	s26 =	simm.s32 $0xB;
	[sflag:s25] =	ssyncadd.s32 $0xFFFFE000  }
0x38a: {  	_ =	swait.ge [sflag:s26], $0x2000  }
0x38b: {  	[sflag:s26] =	ssyncset.done $0x0  }
0x38c: {  	s6 =	simm.s32 $0xC;
	[sflag:s26] =	ssyncadd.s32 $0xFFFFE000  }
0x38d: {  	_ =	swait.ge [sflag:s6], $0x2000  }
0x38e: {  	s7 =	rddreg [dreg:$0x9]  }
0x38f: {  	s29 =	rddreg [dreg:$0x8];
	s7 =	sadd.s32 $0x1, s7  }
0x390: {  	p0 =	sne.s32 s7, s29  }
.Ltmp5:
0x391: {  	_ = 	snop;
	(pc) =	sbr.rel @p0 .LBB2_1-.Ltmp5, $3  }
0x392: {  	_ =	sdelay $0x1  }
0x393: {  	[sflag:s6] =	ssyncset.done $0x0  }
0x394: {  	[sflag:s6] =	ssyncadd.s32 $0xFFFFE000  }
0x395: {  	_ =	sfence.sel $0x180000  }
0x396: {  	[bflag:$0x0] =	sbarrier.arrive $0xFFFF  }
0x397: {  	_ =	strace $0x90000047  }
0x398: {  	s0 =	stileid.u32;
	[bflag:$0x2] =	sbarrier.arrive $0xFFFF  }
0x399: {  	p0 =	sne.s32 s0, $0x0;
	s0 =	rddreg [dreg:$0x3]  }
0x39a: {  	s0 =	sadd.s32 @!p0 $0x100000, s0  }
0x39b: {  	[sflag:s0] =	ssyncadd.tile.s32 @!p0 $0x1;
	_ =	shalt  }
.Lfunc_end2:
_tile_overlayer_lowered:
.L_overlay_start_2:
0x39c: {  	(tag) =	ssettag $0x2  }
0x39d: {  	s0 =	rddreg [dreg:$0x0];
	s2 =	stileid.u32  }
0x39e: {  	s1 =	rddreg [dreg:$0x1];
	p0 =	sne.s32 s2, $0x0  }
0x39f: {  	s3 =	rddreg [dreg:$0x2];
	[bflag:$0x3] =	sbarrier.arrive $0xFFFF;
	s2 =	simm.s32 @!p0 $0x1C11  }
0x3a0: {  	[timem:s3], [sflag:s2] =	dma.local @!p0 [hbm:s0], s1  }
0x3a1: {  	s0 =	simm.s32 @!p0 $0x11  }
0x3a2: {  	_ =	swait.ge @!p0 [sflag:s0], s1  }
0x3a3: {  	s1 =	ssub.s32 @!p0 $0x0, s1;
	[sflag:s0] =	ssyncset.done @!p0 $0x0  }
0x3a4: {  	[sflag:s0] =	ssyncadd.s32 @!p0 s1  }
0x3a5: {  	[bflag:$0x3] =	sbarrier.arrive $0xFFFF  }
0x3a6: {  	_ =	shalt  }

</sc_bundles>
